<compile_context>
chip_gen: v7x
topology: tpu7x:2x2x1
jax: 0.10.2.dev20260603
libtpu: 0.0.44.dev20260713+nightly
codegen_flags: <defaults>
</compile_context>

<pallas_src>
import functools
import math

import numpy as np
import jax
import jax.numpy as jnp
from jax import lax
from jax.experimental import pallas as pl
from jax.experimental.pallas import tpu as pltpu
from jax.experimental.pallas import tpu_sc as plsc

NUM_CASTES = 5
NUM_NODES = 11
EMB = 128
HID = 64
H = 2
D = HID // H

_NODE_INDEX = {'atp_executor': 0, 'order_tracking': 1, 'po_creation': 2, 'rebalancing': 3, 'subcontracting': 4, 'safety_stock': 5, 'forecast_adj': 6, 'quality': 7, 'maintenance': 8, 'mo_execution': 9, 'to_execution': 10}
_TO_CASTE = {'atp_executor': 0, 'order_tracking': 0, 'po_creation': 1, 'rebalancing': 1, 'subcontracting': 1, 'safety_stock': 2, 'forecast_adj': 2, 'quality': 3, 'maintenance': 3, 'mo_execution': 4, 'to_execution': 4}
_EDGES = [('atp_executor','po_creation'),('atp_executor','rebalancing'),('atp_executor','subcontracting'),('atp_executor','safety_stock'),('order_tracking','po_creation'),('po_creation','atp_executor'),('po_creation','order_tracking'),('rebalancing','atp_executor'),('rebalancing','to_execution'),('subcontracting','mo_execution'),('safety_stock','po_creation'),('safety_stock','atp_executor'),('forecast_adj','po_creation'),('forecast_adj','safety_stock'),('forecast_adj','atp_executor'),('quality','atp_executor'),('quality','mo_execution'),('maintenance','mo_execution'),('maintenance','subcontracting'),('mo_execution','atp_executor'),('mo_execution','po_creation'),('mo_execution','subcontracting'),('to_execution','order_tracking'),('to_execution','rebalancing')]

_SRC = np.array([_NODE_INDEX[s] for s, t in _EDGES], dtype=np.int32)
_TGT = np.array([_NODE_INDEX[t] for s, t in _EDGES], dtype=np.int32)
_ETYPE = np.array([_TO_CASTE[s] * NUM_CASTES + _TO_CASTE[t] for s, t in _EDGES], dtype=np.int32)
_CASTES = np.array([_TO_CASTE[n] for n in sorted(_NODE_INDEX, key=lambda k: _NODE_INDEX[k])], dtype=np.int32)
NE = len(_EDGES)

_PERM = np.argsort(_TGT, kind='stable')
_SRCP = _SRC[_PERM]
_TGTP = _TGT[_PERM]
_ETP = _ETYPE[_PERM]
_SEGS = []
_i = 0
while _i < NE:
    _j = _i
    while _j < NE and _TGTP[_j] == _TGTP[_i]:
        _j += 1
    _SEGS.append((int(_i), int(_j)))
    _i = _j
_HAS_IN = np.zeros(NUM_NODES, dtype=np.float32)
_HAS_IN[np.unique(_TGTP)] = 1.0
_T2SEG = {int(_TGTP[a]): a for (a, b) in reversed(_SEGS)}

NSC = 2 * NE
NW = 2 * NSC
NOUT = NUM_NODES * HID


def _prep(W_node, b_node, caste_table, Wq, bq, Wk, bk, Wv, bv,
          edge_bias_table, Wo, bo, gamma, beta):
    f32 = jnp.float32
    W_state = W_node[:EMB].astype(f32)
    w_u = W_node[EMB].astype(f32)
    W_caste = W_node[EMB + 1:].astype(f32)
    cnode = caste_table[_CASTES] @ W_caste + b_node
    Qc = (cnode @ Wq + bq).reshape(NUM_NODES, H, D)
    Kc = (cnode @ Wk + bk).reshape(NUM_NODES, H, D)
    Vc = (cnode @ Wv + bv).reshape(NUM_NODES, H, D)
    qu = (w_u @ Wq).reshape(H, D)
    ku = (w_u @ Wk).reshape(H, D)
    vu = (w_u @ Wv).reshape(H, D)
    WQ = (W_state @ Wq).reshape(EMB, H, D)
    inv = 1.0 / math.sqrt(D)

    aW = jnp.einsum('khd,hd->kh', WQ, ku) * inv
    gW = (jnp.einsum('khd,shd->khs', WQ, Kc) * inv).reshape(EMB, NUM_NODES * H)
    C1 = jnp.einsum('hd,hd->h', qu, ku) * inv
    C2 = jnp.einsum('hd,shd->sh', qu, Kc) * inv
    C3 = jnp.einsum('thd,hd->th', Qc, ku) * inv
    C5 = jnp.einsum('thd,shd->tsh', Qc, Kc) * inv
    C4 = C5[_TGTP, _SRCP, :] + edge_bias_table[_ETP]

    Woh = Wo.reshape(H, D, HID)
    P = jnp.einsum('hd,hdo->ho', vu, Woh)
    Rm = jnp.einsum('shd,hdo->sho', Vc, Woh)
    VbWo = W_state @ Wv @ Wo

    WT704 = jnp.concatenate(
        [W_state + _HAS_IN[t] * VbWo for t in range(NUM_NODES)], axis=1)
    WGA = jnp.concatenate([gW, aW], axis=1)

    tgt_oh = np.zeros((NE, NUM_NODES), dtype=np.float32)
    tgt_oh[np.arange(NE), _TGTP] = 1.0
    tgt_oh = jnp.asarray(tgt_oh)
    S_w = jnp.concatenate([
        jnp.einsum('et,eo->eto', tgt_oh, Rm[_SRCP, h]).reshape(NE, NOUT)
        for h in range(H)], axis=0)
    S_w2 = jnp.concatenate([
        jnp.einsum('et,o->eto', tgt_oh, P[h]).reshape(NE, NOUT)
        for h in range(H)], axis=0)

    UW = jnp.einsum('tu,o->tuo', jnp.eye(NUM_NODES, dtype=f32), w_u).reshape(NUM_NODES, NOUT)

    EUst = np.zeros((NUM_NODES, 2 * NSC), dtype=np.float32)
    MG = np.zeros((NUM_NODES * H + H, NSC), dtype=np.float32)
    MA = np.zeros((NUM_NODES * H + H, NSC), dtype=np.float32)
    Gmat = np.zeros((NSC, NSC), dtype=np.float32)
    for h in range(H):
        for e in range(NE):
            c = h * NE + e
            EUst[_SRCP[e], c] = 1.0
            EUst[_TGTP[e], NSC + c] = 1.0
            MG[h * NUM_NODES + _SRCP[e], c] = 1.0
            MA[NUM_NODES * H + h, c] = 1.0
        for (a, b) in _SEGS:
            for e in range(a, b):
                for e2 in range(a, b):
                    Gmat[h * NE + e, h * NE + e2] = 1.0
    EUst, MG, MA, Gmat = map(jnp.asarray, (EUst, MG, MA, Gmat))

    C3v = jnp.concatenate([C3[_TGTP, h] for h in range(H)])
    C2v = jnp.concatenate([C2[_SRCP, h] for h in range(H)])
    C4v = jnp.concatenate([C4[:, h] for h in range(H)])
    C1v = jnp.concatenate([jnp.full((NE,), C1[h]) for h in range(H)])
    CE = jnp.stack([C3v, C2v, C4v, C1v], axis=0)

    ccf = (cnode + bo).reshape(NOUT)
    gam = jnp.tile(gamma.astype(f32), NUM_NODES)
    bet = jnp.tile(beta.astype(f32), NUM_NODES)
    V3 = jnp.stack([ccf, gam, bet], axis=0)

    E = np.zeros((NOUT, NUM_NODES), dtype=np.float32)
    for t in range(NUM_NODES):
        E[t * HID:(t + 1) * HID, t] = 1.0
    E = jnp.asarray(E)
    ET = E.T

    bf = jnp.bfloat16
    W1 = jnp.concatenate([WT704, WT704 @ E * (1.0 / HID)], axis=1)
    Sb = jnp.concatenate([S_w, S_w2, UW], axis=0)
    Sbig = jnp.concatenate([Sb, Sb @ E * (1.0 / HID)], axis=1)
    MUC = ((ccf @ E) * (1.0 / HID)).reshape(1, NUM_NODES)

    cvals = jnp.concatenate([C3v, C2v, C4v, C1])
    CER = jnp.broadcast_to(cvals[:, None], (146, 16)).astype(jnp.float32)

    return dict(W1=W1.astype(bf), WGA=WGA.astype(bf), EUst=EUst.astype(bf),
                MG=MG.astype(bf), MA=MA.astype(bf), Gmat=Gmat.astype(bf),
                Sbig=Sbig.astype(bf), CE=CE, MUC=MUC, V3=V3,
                E=E.astype(bf), ET=ET.astype(bf), CER=CER)


def _dot(a, b):
    return jnp.dot(a.astype(jnp.bfloat16), b,
                   preferred_element_type=jnp.float32)


def _dotf(a, b):
    return jnp.dot(a, b, preferred_element_type=jnp.float32)


_P_OHC = np.zeros((NUM_NODES, NUM_CASTES), np.float32)
_P_OHC[np.arange(NUM_NODES), _CASTES] = 1.0
_P_OHT = np.zeros((NE, NUM_NODES), np.float32)
_P_OHT[np.arange(NE), _TGTP] = 1.0
_P_OHS = np.zeros((NE, NUM_NODES), np.float32)
_P_OHS[np.arange(NE), _SRCP] = 1.0
_P_OHE = np.zeros((NE, NUM_CASTES * NUM_CASTES), np.float32)
_P_OHE[np.arange(NE), _ETP] = 1.0
_P_DH = np.zeros((HID, H), np.float32)
for _h in range(H):
    _P_DH[_h * D:(_h + 1) * D, _h] = 1.0
_P_M0 = np.zeros((1, HID), np.float32)
_P_M0[0, :D] = 1.0
_P_M1 = np.zeros((1, HID), np.float32)
_P_M1[0, D:] = 1.0
_P_E = np.zeros((NOUT, NUM_NODES), np.float32)
for _t in range(NUM_NODES):
    _P_E[_t * HID:(_t + 1) * HID, _t] = 1.0
_P_EYE11 = np.eye(NUM_NODES, dtype=np.float32)
_P_EUS = np.zeros((NUM_NODES, NSC), np.float32)
for _h in range(H):
    for _e in range(NE):
        _P_EUS[_SRCP[_e], _h * NE + _e] = 1.0
_P_ONES64 = np.ones((HID, 1), np.float32)


def _prep_body(wn_ref, ct_ref, wq_ref, wk_ref, wv_ref, wo_ref, ebt_ref,
               bn_ref, bq_ref, bk_ref, bv_ref, bo_ref, gam_ref, bet_ref,
               ohc_ref, oht_ref, ohs_ref, ohe_ref, dh_ref, m0_ref, m1_ref,
               e_ref, eye_ref, ones_ref,
               w1_ref, wga_ref, sbig_ref, cer_ref, muc_ref, v3_ref):
    inv = 1.0 / math.sqrt(D)
    Wn = wn_ref[...]
    W_state = Wn[0:EMB]
    wu = Wn[EMB:EMB + 1]
    W_caste = Wn[EMB + 1:]
    Wq, Wk, Wv, Wo = wq_ref[...], wk_ref[...], wv_ref[...], wo_ref[...]
    Dh = dh_ref[...]
    m0, m1 = m0_ref[...], m1_ref[...]
    oht, ohs = oht_ref[...], ohs_ref[...]
    Ec = e_ref[...]
    cn = _dotf(_dotf(ohc_ref[...], ct_ref[...]), W_caste) + bn_ref[...]
    Qc = _dotf(cn, Wq) + bq_ref[...]
    Kc = _dotf(cn, Wk) + bk_ref[...]
    Vc = _dotf(cn, Wv) + bv_ref[...]
    qu = _dotf(wu, Wq)
    ku = _dotf(wu, Wk)
    vu = _dotf(wu, Wv)
    WQ = _dotf(W_state, Wq)
    aW = _dotf(WQ * ku, Dh) * inv
    gW = jnp.concatenate(
        [_dotf(WQ, (Kc * m0).T) * inv, _dotf(WQ, (Kc * m1).T) * inv],
        axis=1)
    wga_ref[...] = jnp.concatenate([gW, aW], axis=1).astype(jnp.bfloat16)

    C1 = _dotf(qu * ku, Dh) * inv
    C2 = _dotf(Kc * qu, Dh) * inv
    C3 = _dotf(Qc * ku, Dh) * inv
    QcT = _dotf(oht, Qc)
    KcS = _dotf(ohs, Kc)
    C4 = _dotf(QcT * KcS, Dh) * inv + _dotf(ohe_ref[...], ebt_ref[...])
    C3c = _dotf(oht, C3)
    C2c = _dotf(ohs, C2)
    cvals = jnp.concatenate(
        [C3c[:, 0:1], C3c[:, 1:2], C2c[:, 0:1], C2c[:, 1:2],
         C4[:, 0:1], C4[:, 1:2], C1.T], axis=0)
    cer_ref[...] = jnp.broadcast_to(cvals, (146, _SC_LANES))

    P0 = _dotf(vu * m0, Wo)
    P1 = _dotf(vu * m1, Wo)
    Rm0 = _dotf(Vc * m0, Wo)
    Rm1 = _dotf(Vc * m1, Wo)
    VbWo = _dotf(W_state, _dotf(Wv, Wo))
    Wa = W_state + VbWo
    WT704 = jnp.concatenate(
        [Wa if _HAS_IN[t] else W_state for t in range(NUM_NODES)], axis=1)
    w1_ref[...] = jnp.concatenate(
        [WT704, _dotf(WT704, Ec) * (1.0 / HID)], axis=1).astype(jnp.bfloat16)

    Z0 = _dotf(ohs, Rm0)
    Z1 = _dotf(ohs, Rm1)
    S_w0 = jnp.concatenate([Z0 * oht[:, t:t + 1] for t in range(NUM_NODES)], axis=1)
    S_w1 = jnp.concatenate([Z1 * oht[:, t:t + 1] for t in range(NUM_NODES)], axis=1)
    S20 = jnp.concatenate([oht[:, t:t + 1] * P0 for t in range(NUM_NODES)], axis=1)
    S21 = jnp.concatenate([oht[:, t:t + 1] * P1 for t in range(NUM_NODES)], axis=1)
    eye = eye_ref[...]
    UW = jnp.concatenate([eye[:, t:t + 1] * wu for t in range(NUM_NODES)], axis=1)
    Sb = jnp.concatenate([S_w0, S_w1, S20, S21, UW], axis=0)
    sbig_ref[...] = jnp.concatenate(
        [Sb, _dotf(Sb, Ec) * (1.0 / HID)], axis=1).astype(jnp.bfloat16)

    cnbo = cn + bo_ref[...]
    cc_row = jnp.concatenate([cnbo[t:t + 1] for t in range(NUM_NODES)], axis=1)
    gam_row = jnp.concatenate([gam_ref[...]] * NUM_NODES, axis=1)
    bet_row = jnp.concatenate([bet_ref[...]] * NUM_NODES, axis=1)
    v3_ref[...] = jnp.concatenate([cc_row, gam_row, bet_row], axis=0)
    muc_ref[...] = (_dotf(cnbo, ones_ref[...]) * (1.0 / HID)).T


def _prep_pallas(W_node, b_node, caste_table, Wq, bq, Wk, bk, Wv, bv,
                 edge_bias_table, Wo, bo, gamma, beta):
    f32 = jnp.float32
    row = lambda v: v.astype(f32).reshape(1, -1)
    consts = [_P_OHC, _P_OHT, _P_OHS, _P_OHE, _P_DH, _P_M0, _P_M1, _P_E,
              _P_EYE11, _P_ONES64]
    args = ([W_node.astype(f32), caste_table.astype(f32), Wq.astype(f32),
             Wk.astype(f32), Wv.astype(f32), Wo.astype(f32),
             edge_bias_table.astype(f32),
             row(b_node), row(bq), row(bk), row(bv), row(bo),
             row(gamma), row(beta)]
            + [jnp.asarray(c) for c in consts])
    bf = jnp.bfloat16
    out_shapes = (
        jax.ShapeDtypeStruct((EMB, NOUT + NUM_NODES), bf),
        jax.ShapeDtypeStruct((EMB, 2 * NUM_NODES + H), bf),
        jax.ShapeDtypeStruct((107, NOUT + NUM_NODES), bf),
        jax.ShapeDtypeStruct((146, _SC_LANES), f32),
        jax.ShapeDtypeStruct((1, NUM_NODES), f32),
        jax.ShapeDtypeStruct((3, NOUT), f32),
    )
    outs = pl.pallas_call(_prep_body, out_shape=out_shapes)(*args)
    return dict(W1=outs[0], WGA=outs[1], Sbig=outs[2], CER=outs[3],
                MUC=outs[4], V3=outs[5],
                E=jnp.asarray(_P_E).astype(bf),
                ET=jnp.asarray(_P_E.T).astype(bf),
                EUS=jnp.asarray(_P_EUS).astype(bf))


def _tc_body(se_ref, u_ref, W1_ref, WGA_ref, EUst_ref, MG_ref, MA_ref,
             Gmat_ref, Sbig_ref, CE_ref, MUC_ref, V3_ref, E_ref,
             ET_ref, out_ref):
    se = se_ref[...]
    u = u_ref[...]
    CE = CE_ref[...]
    V3 = V3_ref[...]
    X = _dot(se, W1_ref[...])
    GA = _dot(se, WGA_ref[...])
    UU = _dot(u, EUst_ref[...])
    u_src = UU[:, :NSC]
    u_tgt = UU[:, NSC:]
    G48 = _dot(GA, MG_ref[...])
    A48 = _dot(GA, MA_ref[...])
    s = u_src * (A48 + CE[3] * u_tgt + CE[0]) + G48 + CE[1] * u_tgt + CE[2]
    m = jnp.max(s, axis=1, keepdims=True)
    ez = jnp.exp(s - m)
    denom = _dot(ez, Gmat_ref[...])
    w = ez / denom
    cat = jnp.concatenate([w, w * u_src, u], axis=1)
    Y = _dot(cat, Sbig_ref[...])
    y = X[:, :NOUT] + Y[:, :NOUT] + V3[0]
    mu = X[:, NOUT:] + Y[:, NOUT:] + MUC_ref[...][0]
    var = _dot(y * y, E_ref[...]) * (1.0 / HID) - mu * mu
    q = jax.lax.rsqrt(var + 1e-5)
    qf = _dot(q, ET_ref[...])
    muf = _dot(mu * q, ET_ref[...])
    out_ref[...] = (y * qf - muf) * V3[1] + V3[2]


def _pick_block(Bsz):
    for bb in (2048, 1024, 512, 256, 128, 64, 32, 16, 8):
        if Bsz % bb == 0:
            return bb
    return Bsz


_SC_WORKERS = 32
_SC_LANES = 16


def _sc_weights(u, GA, CER):
    Bsz = u.shape[0]
    per_w = Bsz // _SC_WORKERS
    nstrips = per_w // _SC_LANES
    i32 = jnp.int32
    mesh = plsc.VectorSubcoreMesh(core_axis_name="c", subcore_axis_name="s")

    NGA = 2 * NUM_NODES + H

    @functools.partial(
        pl.kernel, mesh=mesh,
        compiler_params=pltpu.CompilerParams(needs_layout_passes=False),
        out_type=jax.ShapeDtypeStruct((Bsz * NSC,), jnp.float32),
        scratch_types=[
            pltpu.VMEM((per_w * NUM_NODES,), jnp.float32),
            pltpu.VMEM((per_w * NGA,), jnp.float32),
            pltpu.VMEM((146 * _SC_LANES,), jnp.float32),
            pltpu.VMEM((per_w * NSC,), jnp.float32),
        ])
    def k(u_hbm, ga_hbm, cer_hbm, out_hbm, u_v, ga_v, cer_v, w_v):
        wid = lax.axis_index("s") * 2 + lax.axis_index("c")
        base = wid * per_w
        pltpu.sync_copy(u_hbm.at[pl.ds(base * NUM_NODES, per_w * NUM_NODES)], u_v)
        pltpu.sync_copy(ga_hbm.at[pl.ds(base * NGA, per_w * NGA)], ga_v)
        pltpu.sync_copy(cer_hbm, cer_v)

        def strip(si, carry):
            rows = si * _SC_LANES + lax.iota(i32, _SC_LANES)
            rows_u = rows * NUM_NODES
            rows_g = rows * NGA
            rows_w = rows * NSC
            uu = [plsc.load_gather(u_v, [rows_u + n])
                  for n in range(NUM_NODES)]
            gg = [plsc.load_gather(ga_v, [rows_g + n])
                  for n in range(NGA)]
            for h in range(H):
                A_h = gg[2 * NUM_NODES + h]
                c1 = cer_v[pl.ds((144 + h) * _SC_LANES, _SC_LANES)]
                zt = {}
                for t in set(int(x) for x in _TGTP):
                    c3 = cer_v[pl.ds((h * NE + _T2SEG[t]) * _SC_LANES,
                                     _SC_LANES)]
                    zt[t] = A_h + c1 * uu[t] + c3
                sc = []
                for e in range(NE):
                    s_n, t_n = int(_SRCP[e]), int(_TGTP[e])
                    c2 = cer_v[pl.ds((48 + h * NE + e) * _SC_LANES,
                                     _SC_LANES)]
                    c4 = cer_v[pl.ds((96 + h * NE + e) * _SC_LANES,
                                     _SC_LANES)]
                    val = (uu[s_n] * zt[t_n] + gg[h * NUM_NODES + s_n]
                           + c2 * uu[t_n] + c4)
                    sc.append(val)
                for (a, b) in _SEGS:
                    if b - a == 1:
                        w_list = [jnp.full((_SC_LANES,), 1.0, jnp.float32)]
                    else:
                        m = sc[a]
                        for e in range(a + 1, b):
                            m = jnp.maximum(m, sc[e])
                        ex = [jnp.exp(sc[e] - m) for e in range(a, b)]
                        den = ex[0]
                        for x in ex[1:]:
                            den = den + x
                        r = 1.0 / den
                        w_list = [x * r for x in ex]
                    for j, wv in enumerate(w_list):
                        e = a + j
                        plsc.store_scatter(w_v, [rows_w + (h * NE + e)], wv)
            return carry

        lax.fori_loop(0, nstrips, strip, 0)
        pltpu.sync_copy(w_v, out_hbm.at[pl.ds(base * NSC, per_w * NSC)])

    return k(u.reshape(-1), GA.reshape(-1), CER.reshape(-1)).reshape(Bsz, NSC)


def _tc1_body(se_ref, WGA_ref, ga_ref):
    ga_ref[...] = _dot(se_ref[...], WGA_ref[...])


def _tc2_body(se_ref, u_ref, w_ref, W1_ref, Sbig_ref, EUS_ref, MUC_ref,
              V3_ref, E_ref, ET_ref, out_ref):
    se = se_ref[...]
    u = u_ref[...]
    V3 = V3_ref[...]
    X = _dot(se, W1_ref[...])
    w = w_ref[...]
    w2 = w * _dot(u, EUS_ref[...])
    cat = jnp.concatenate([w, w2, u], axis=1)
    Y = _dot(cat, Sbig_ref[...])
    y = X[:, :NOUT] + Y[:, :NOUT] + V3[0]
    mu = X[:, NOUT:] + Y[:, NOUT:] + MUC_ref[...][0]
    var = _dot(y * y, E_ref[...]) * (1.0 / HID) - mu * mu
    q = jax.lax.rsqrt(var + 1e-5)
    qf = _dot(q, ET_ref[...])
    muf = _dot(mu * q, ET_ref[...])
    out_ref[...] = (y * qf - muf) * V3[1] + V3[2]


def _full(shape):
    return pl.BlockSpec(shape, lambda i: tuple(0 for _ in shape))


def _tc_only(se, u, ops, Bsz):
    Bb = _pick_block(Bsz)
    grid = Bsz // Bb
    names = ('W1', 'WGA', 'EUst', 'MG', 'MA', 'Gmat', 'Sbig',
             'CE', 'MUC', 'V3', 'E', 'ET')
    out = pl.pallas_call(
        _tc_body,
        grid=(grid,),
        in_specs=[
            pl.BlockSpec((Bb, EMB), lambda i: (i, 0)),
            pl.BlockSpec((Bb, NUM_NODES), lambda i: (i, 0)),
        ] + [_full(ops[n].shape) for n in names],
        out_specs=pl.BlockSpec((Bb, NOUT), lambda i: (i, 0)),
        out_shape=jax.ShapeDtypeStruct((Bsz, NOUT), jnp.float32),
    )(se, u, *[ops[n] for n in names])
    return out


def _hybrid(se, u, ops, Bsz):
    Bb = _pick_block(Bsz)
    grid = Bsz // Bb
    GA = pl.pallas_call(
        _tc1_body,
        grid=(grid,),
        in_specs=[pl.BlockSpec((Bb, EMB), lambda i: (i, 0)),
                  _full(ops['WGA'].shape)],
        out_specs=pl.BlockSpec((Bb, 2 * NUM_NODES + H), lambda i: (i, 0)),
        out_shape=jax.ShapeDtypeStruct((Bsz, 2 * NUM_NODES + H), jnp.float32),
    )(se, ops['WGA'])
    w48 = _sc_weights(u, GA, ops['CER'])
    names = ('W1', 'Sbig', 'EUS', 'MUC', 'V3', 'E', 'ET')
    out = pl.pallas_call(
        _tc2_body,
        grid=(grid,),
        in_specs=[
            pl.BlockSpec((Bb, EMB), lambda i: (i, 0)),
            pl.BlockSpec((Bb, NUM_NODES), lambda i: (i, 0)),
            pl.BlockSpec((Bb, NSC), lambda i: (i, 0)),
        ] + [_full(ops[n].shape) for n in names],
        out_specs=pl.BlockSpec((Bb, NOUT), lambda i: (i, 0)),
        out_shape=jax.ShapeDtypeStruct((Bsz, NOUT), jnp.float32),
    )(se, u, w48, *[ops[n] for n in names])
    return out


def kernel(state_embedding, urgency_vector, signal_summary, W_node, b_node,
           caste_table, Wq, bq, Wk, bk, Wv, bv, edge_bias_table, Wo, bo,
           gamma, beta):
    del signal_summary
    Bsz = state_embedding.shape[0]
    se = state_embedding.astype(jnp.float32)
    u = urgency_vector.astype(jnp.float32)
    if Bsz % (_SC_WORKERS * _SC_LANES) == 0:
        ops = _prep_pallas(W_node, b_node, caste_table, Wq, bq, Wk, bk,
                           Wv, bv, edge_bias_table, Wo, bo, gamma, beta)
        out = _hybrid(se, u, ops, Bsz)
    else:
        ops = _prep(W_node, b_node, caste_table, Wq, bq, Wk, bk, Wv, bv,
                    edge_bias_table, Wo, bo, gamma, beta)
        out = _tc_only(se, u, ops, Bsz)
    return out.reshape(Bsz, NUM_NODES, HID)

# --- scband reference (transcript-rebuilt; emitter-appended) ---
"""Pipeline reference for scband-hive-het-gat-27977416966502 (READ-ONLY COPY).

The authoritative reference and input builder live on the scoring server;
editing this copy changes nothing except your own understanding.
"""

import jax, jax.numpy as jnp
import numpy as np

NUM_CASTES = 5
NUM_NODES = 11
EMB = 128
HID = 64
H = 2
D = HID // H
NUM_EDGE_TYPES = 25
B = 16384

TRM_NODE_INDEX = {'atp_executor': 0, 'order_tracking': 1, 'po_creation': 2, 'rebalancing': 3, 'subcontracting': 4, 'safety_stock': 5, 'forecast_adj': 6, 'quality': 7, 'maintenance': 8, 'mo_execution': 9, 'to_execution': 10}
TRM_TO_CASTE = {'atp_executor': 0, 'order_tracking': 0, 'po_creation': 1, 'rebalancing': 1, 'subcontracting': 1, 'safety_stock': 2, 'forecast_adj': 2, 'quality': 3, 'maintenance': 3, 'mo_execution': 4, 'to_execution': 4}
SIGNAL_EDGES = [('atp_executor','po_creation'),('atp_executor','rebalancing'),('atp_executor','subcontracting'),('atp_executor','safety_stock'),('order_tracking','po_creation'),('po_creation','atp_executor'),('po_creation','order_tracking'),('rebalancing','atp_executor'),('rebalancing','to_execution'),('subcontracting','mo_execution'),('safety_stock','po_creation'),('safety_stock','atp_executor'),('forecast_adj','po_creation'),('forecast_adj','safety_stock'),('forecast_adj','atp_executor'),('quality','atp_executor'),('quality','mo_execution'),('maintenance','mo_execution'),('maintenance','subcontracting'),('mo_execution','atp_executor'),('mo_execution','po_creation'),('mo_execution','subcontracting'),('to_execution','order_tracking'),('to_execution','rebalancing')]

SRC = np.array([TRM_NODE_INDEX[s] for s, t in SIGNAL_EDGES], dtype=np.int64)
TGT = np.array([TRM_NODE_INDEX[t] for s, t in SIGNAL_EDGES], dtype=np.int64)
EDGE_TYPES = np.array([TRM_TO_CASTE[s] * NUM_CASTES + TRM_TO_CASTE[t] for s, t in SIGNAL_EDGES], dtype=np.int64)
NODE_CASTES = np.array([TRM_TO_CASTE[n] for n in sorted(TRM_NODE_INDEX.keys(), key=lambda k: TRM_NODE_INDEX[k])], dtype=np.int64)
NODE_INPUT_DIM = EMB + 1 + HID


def setup_inputs(seed: int = 0) -> dict:
    key = jax.random.key(seed)
    ks = jax.random.split(key, 20)
    s = 0.05
    return {
        'state_embedding': jax.random.normal(ks[0], (B, EMB), dtype=jnp.float32),
        'urgency_vector': jax.random.uniform(ks[1], (B, NUM_NODES), dtype=jnp.float32),
        'signal_summary': jax.random.uniform(ks[2], (B, 22), dtype=jnp.float32),
        'W_node': jax.random.normal(ks[3], (NODE_INPUT_DIM, HID), dtype=jnp.float32) * s,
        'b_node': jnp.zeros((HID,), dtype=jnp.float32),
        'caste_table': jax.random.normal(ks[4], (NUM_CASTES, HID), dtype=jnp.float32) * s,
        'Wq': jax.random.normal(ks[5], (HID, HID), dtype=jnp.float32) * s,
        'bq': jnp.zeros((HID,), dtype=jnp.float32),
        'Wk': jax.random.normal(ks[6], (HID, HID), dtype=jnp.float32) * s,
        'bk': jnp.zeros((HID,), dtype=jnp.float32),
        'Wv': jax.random.normal(ks[7], (HID, HID), dtype=jnp.float32) * s,
        'bv': jnp.zeros((HID,), dtype=jnp.float32),
        'edge_bias_table': jax.random.normal(ks[8], (NUM_EDGE_TYPES, H), dtype=jnp.float32) * s,
        'Wo': jax.random.normal(ks[9], (HID, HID), dtype=jnp.float32) * s,
        'bo': jnp.zeros((HID,), dtype=jnp.float32),
        'gamma': jnp.ones((HID,), dtype=jnp.float32),
        'beta': jnp.zeros((HID,), dtype=jnp.float32),
    }


def reference(state_embedding, urgency_vector, signal_summary, W_node, b_node, caste_table, Wq, bq, Wk, bk, Wv, bv, edge_bias_table, Wo, bo, gamma, beta):
    Bsz = state_embedding.shape[0]
    caste_emb = caste_table[jnp.asarray(NODE_CASTES)]
    caste_b = jnp.broadcast_to(caste_emb[None, :, :], (Bsz, NUM_NODES, HID))
    state_e = jnp.broadcast_to(state_embedding[:, None, :], (Bsz, NUM_NODES, EMB))
    node_input = jnp.concatenate([state_e, urgency_vector[..., None], caste_b], axis=-1)
    node_feat = node_input @ W_node + b_node
    Q = (node_feat @ Wq + bq).reshape(Bsz, NUM_NODES, H, D)
    K = (node_feat @ Wk + bk).reshape(Bsz, NUM_NODES, H, D)
    V = (node_feat @ Wv + bv).reshape(Bsz, NUM_NODES, H, D)
    src = jnp.asarray(SRC)
    tgt_np = TGT
    K_src = K[:, src, :, :]
    Q_tgt = Q[:, jnp.asarray(TGT), :, :]
    V_src = V[:, src, :, :]
    attn_scores = (Q_tgt * K_src).sum(axis=-1) / np.sqrt(D)
    edge_bias = edge_bias_table[jnp.asarray(EDGE_TYPES)]
    attn_scores = attn_scores + edge_bias[None, :, :]
    agg = jnp.zeros((Bsz, NUM_NODES, H, D), dtype=state_embedding.dtype)
    for t in range(NUM_NODES):
        idxs = np.nonzero(tgt_np == t)[0]
        if idxs.size == 0:
            continue
        s = attn_scores[:, idxs, :]
        v = V_src[:, idxs, :, :]
        w = jax.nn.softmax(s, axis=1)
        agg = agg.at[:, t].set((v * w[..., None]).sum(axis=1))
    cross = agg.reshape(Bsz, NUM_NODES, HID) @ Wo + bo
    x = cross + node_feat
    mu = x.mean(axis=-1, keepdims=True)
    var = ((x - mu) ** 2).mean(axis=-1, keepdims=True)
    out = (x - mu) / jnp.sqrt(var + 1e-5) * gamma + beta
    return out

if __name__ == "__main__":
    import jax
    _d = setup_inputs()
    print(jax.jit(kernel)(*tuple(_d.values())))

</pallas_src>

<mosaic_0001>
#map = affine_map<(d0, d1) -> (0)>
module attributes {stable_mosaic.version = 14 : i64} {
  func.func @k(%arg0: i32, %arg1: i32, %arg2: memref<180224xf32, #tpu.memory_space<hbm>>, %arg3: memref<393216xf32, #tpu.memory_space<hbm>>, %arg4: memref<2336xf32, #tpu.memory_space<hbm>>, %arg5: memref<786432xf32, #tpu.memory_space<hbm>>, %arg6: memref<5632xf32, #tpu.memory_space<vmem>>, %arg7: memref<12288xf32, #tpu.memory_space<vmem>>, %arg8: memref<2336xf32, #tpu.memory_space<vmem>>, %arg9: memref<24576xf32, #tpu.memory_space<vmem>>) attributes {dimension_semantics = [#tpu.dimension_semantics<core_parallel>, #tpu.dimension_semantics<subcore_parallel>], iteration_bounds = array<i64: 2, 16>, scalar_prefetch = 0 : i64, scratch_operands = 4 : i64, tpu.core_type = #tpu.core_type<sc_vector_subcore>, window_params = [{transform_indices = #map}, {transform_indices = #map}, {transform_indices = #map}, {transform_indices = #map}]} {
    %mul3A = arith.constant 2 : i32
    %mul3A_0 = arith.muli %arg1, %mul3A : i32
    %add3A = arith.addi %mul3A_0, %arg0 : i32
    %mul3A_1 = arith.constant 512 : i32
    %mul3A_2 = arith.muli %add3A, %mul3A_1 : i32
    %mul3A_3 = arith.constant 11 : i32
    %mul3A_4 = arith.muli %mul3A_2, %mul3A_3 : i32
    "tpu.region"() ({
      %run_scoped3A = tpu.sem_alloc : memref<!tpu.dma_semaphore, #tpu.memory_space<semaphore_mem>>
      %dma_start3A = tpu.memref_slice %arg2[%mul3A_4] : memref<180224xf32, #tpu.memory_space<hbm>> -> memref<5632xf32, #tpu.memory_space<hbm>>
      %dma_start3A_14 = tpu.memref_slice %arg2[%mul3A_4] : memref<180224xf32, #tpu.memory_space<hbm>> -> memref<5632xf32, #tpu.memory_space<hbm>>
      tpu.enqueue_dma source(%dma_start3A_14 : memref<5632xf32, #tpu.memory_space<hbm>>) target(%arg6 : memref<5632xf32, #tpu.memory_space<vmem>>) target_semaphore(%run_scoped3A : memref<!tpu.dma_semaphore, #tpu.memory_space<semaphore_mem>>)
      %dma_wait3A = tpu.memref_slice %arg2[%mul3A_4] : memref<180224xf32, #tpu.memory_space<hbm>> -> memref<5632xf32, #tpu.memory_space<hbm>>
      %dma_wait3A_15 = tpu.memref_slice %arg2[%mul3A_4] : memref<180224xf32, #tpu.memory_space<hbm>> -> memref<5632xf32, #tpu.memory_space<hbm>>
      tpu.wait_dma2 semaphore(%run_scoped3A : memref<!tpu.dma_semaphore, #tpu.memory_space<semaphore_mem>>) src(%dma_wait3A_15 : memref<5632xf32, #tpu.memory_space<hbm>>) dst(%arg6 : memref<5632xf32, #tpu.memory_space<vmem>>)
      tpu.yield
    }) : () -> ()
    %mul3A_5 = arith.constant 24 : i32
    %mul3A_6 = arith.muli %mul3A_2, %mul3A_5 : i32
    "tpu.region"() ({
      %run_scoped3A = tpu.sem_alloc : memref<!tpu.dma_semaphore, #tpu.memory_space<semaphore_mem>>
      %dma_start3A = tpu.memref_slice %arg3[%mul3A_6] : memref<393216xf32, #tpu.memory_space<hbm>> -> memref<12288xf32, #tpu.memory_space<hbm>>
      %dma_start3A_14 = tpu.memref_slice %arg3[%mul3A_6] : memref<393216xf32, #tpu.memory_space<hbm>> -> memref<12288xf32, #tpu.memory_space<hbm>>
      tpu.enqueue_dma source(%dma_start3A_14 : memref<12288xf32, #tpu.memory_space<hbm>>) target(%arg7 : memref<12288xf32, #tpu.memory_space<vmem>>) target_semaphore(%run_scoped3A : memref<!tpu.dma_semaphore, #tpu.memory_space<semaphore_mem>>)
      %dma_wait3A = tpu.memref_slice %arg3[%mul3A_6] : memref<393216xf32, #tpu.memory_space<hbm>> -> memref<12288xf32, #tpu.memory_space<hbm>>
      %dma_wait3A_15 = tpu.memref_slice %arg3[%mul3A_6] : memref<393216xf32, #tpu.memory_space<hbm>> -> memref<12288xf32, #tpu.memory_space<hbm>>
      tpu.wait_dma2 semaphore(%run_scoped3A : memref<!tpu.dma_semaphore, #tpu.memory_space<semaphore_mem>>) src(%dma_wait3A_15 : memref<12288xf32, #tpu.memory_space<hbm>>) dst(%arg7 : memref<12288xf32, #tpu.memory_space<vmem>>)
      tpu.yield
    }) : () -> ()
    "tpu.region"() ({
      %run_scoped3A = tpu.sem_alloc : memref<!tpu.dma_semaphore, #tpu.memory_space<semaphore_mem>>
      tpu.enqueue_dma source(%arg4 : memref<2336xf32, #tpu.memory_space<hbm>>) target(%arg8 : memref<2336xf32, #tpu.memory_space<vmem>>) target_semaphore(%run_scoped3A : memref<!tpu.dma_semaphore, #tpu.memory_space<semaphore_mem>>)
      tpu.wait_dma2 semaphore(%run_scoped3A : memref<!tpu.dma_semaphore, #tpu.memory_space<semaphore_mem>>) src(%arg4 : memref<2336xf32, #tpu.memory_space<hbm>>) dst(%arg8 : memref<2336xf32, #tpu.memory_space<vmem>>)
      tpu.yield
    }) : () -> ()
    %scan3A = arith.constant 0 : i32
    %scan3A_7 = arith.constant 0 : i32
    %scan3A_8 = arith.constant 32 : i32
    %scan3A_9 = arith.addi %scan3A_7, %scan3A_8 : i32
    %scan3A_10 = arith.constant 1 : i32
    scf.for %scan3A_14 = %scan3A_7 to %scan3A_9 step %scan3A_10  : i32 {
      %mul3A_15 = arith.constant 16 : i32
      %mul3A_16 = arith.muli %scan3A_14, %mul3A_15 : i32
      %iota3A = tpu.iota {dimensions = array<i32: 0>} : vector<16xi32>
      %add3A_17 = vector.broadcast %mul3A_16 : i32 to vector<16xi32>
      %add3A_18 = arith.addi %add3A_17, %iota3A : vector<16xi32>
      %mul3A_19 = arith.constant 11 : i32
      %mul3A_20 = vector.broadcast %mul3A_19 : i32 to vector<16xi32>
      %mul3A_21 = arith.muli %add3A_18, %mul3A_20 : vector<16xi32>
      %mul3A_22 = arith.constant 24 : i32
      %mul3A_23 = vector.broadcast %mul3A_22 : i32 to vector<16xi32>
      %mul3A_24 = arith.muli %add3A_18, %mul3A_23 : vector<16xi32>
      %mul3A_25 = arith.constant 48 : i32
      %mul3A_26 = vector.broadcast %mul3A_25 : i32 to vector<16xi32>
      %mul3A_27 = arith.muli %add3A_18, %mul3A_26 : vector<16xi32>
      %add3A_28 = arith.constant 0 : i32
      %add3A_29 = vector.broadcast %add3A_28 : i32 to vector<16xi32>
      %add3A_30 = arith.addi %mul3A_21, %add3A_29 : vector<16xi32>
      %gather3A = tpu.vector_load_idx %arg6[%add3A_30] : memref<5632xf32, #tpu.memory_space<vmem>>[vector<16xi32>], vector<16xf32>,
      %add3A_31 = arith.constant 1 : i32
      %add3A_32 = vector.broadcast %add3A_31 : i32 to vector<16xi32>
      %add3A_33 = arith.addi %mul3A_21, %add3A_32 : vector<16xi32>
      %gather3A_34 = tpu.vector_load_idx %arg6[%add3A_33] : memref<5632xf32, #tpu.memory_space<vmem>>[vector<16xi32>], vector<16xf32>,
      %add3A_35 = arith.constant 2 : i32
      %add3A_36 = vector.broadcast %add3A_35 : i32 to vector<16xi32>
      %add3A_37 = arith.addi %mul3A_21, %add3A_36 : vector<16xi32>
      %gather3A_38 = tpu.vector_load_idx %arg6[%add3A_37] : memref<5632xf32, #tpu.memory_space<vmem>>[vector<16xi32>], vector<16xf32>,
      %add3A_39 = arith.constant 3 : i32
      %add3A_40 = vector.broadcast %add3A_39 : i32 to vector<16xi32>
      %add3A_41 = arith.addi %mul3A_21, %add3A_40 : vector<16xi32>
      %gather3A_42 = tpu.vector_load_idx %arg6[%add3A_41] : memref<5632xf32, #tpu.memory_space<vmem>>[vector<16xi32>], vector<16xf32>,
      %add3A_43 = arith.constant 4 : i32
      %add3A_44 = vector.broadcast %add3A_43 : i32 to vector<16xi32>
      %add3A_45 = arith.addi %mul3A_21, %add3A_44 : vector<16xi32>
      %gather3A_46 = tpu.vector_load_idx %arg6[%add3A_45] : memref<5632xf32, #tpu.memory_space<vmem>>[vector<16xi32>], vector<16xf32>,
      %add3A_47 = arith.constant 5 : i32
      %add3A_48 = vector.broadcast %add3A_47 : i32 to vector<16xi32>
      %add3A_49 = arith.addi %mul3A_21, %add3A_48 : vector<16xi32>
      %gather3A_50 = tpu.vector_load_idx %arg6[%add3A_49] : memref<5632xf32, #tpu.memory_space<vmem>>[vector<16xi32>], vector<16xf32>,
      %add3A_51 = arith.constant 6 : i32
      %add3A_52 = vector.broadcast %add3A_51 : i32 to vector<16xi32>
      %add3A_53 = arith.addi %mul3A_21, %add3A_52 : vector<16xi32>
      %gather3A_54 = tpu.vector_load_idx %arg6[%add3A_53] : memref<5632xf32, #tpu.memory_space<vmem>>[vector<16xi32>], vector<16xf32>,
      %add3A_55 = arith.constant 7 : i32
      %add3A_56 = vector.broadcast %add3A_55 : i32 to vector<16xi32>
      %add3A_57 = arith.addi %mul3A_21, %add3A_56 : vector<16xi32>
      %gather3A_58 = tpu.vector_load_idx %arg6[%add3A_57] : memref<5632xf32, #tpu.memory_space<vmem>>[vector<16xi32>], vector<16xf32>,
      %add3A_59 = arith.constant 8 : i32
      %add3A_60 = vector.broadcast %add3A_59 : i32 to vector<16xi32>
      %add3A_61 = arith.addi %mul3A_21, %add3A_60 : vector<16xi32>
      %gather3A_62 = tpu.vector_load_idx %arg6[%add3A_61] : memref<5632xf32, #tpu.memory_space<vmem>>[vector<16xi32>], vector<16xf32>,
      %add3A_63 = arith.constant 9 : i32
      %add3A_64 = vector.broadcast %add3A_63 : i32 to vector<16xi32>
      %add3A_65 = arith.addi %mul3A_21, %add3A_64 : vector<16xi32>
      %gather3A_66 = tpu.vector_load_idx %arg6[%add3A_65] : memref<5632xf32, #tpu.memory_space<vmem>>[vector<16xi32>], vector<16xf32>,
      %add3A_67 = arith.constant 10 : i32
      %add3A_68 = vector.broadcast %add3A_67 : i32 to vector<16xi32>
      %add3A_69 = arith.addi %mul3A_21, %add3A_68 : vector<16xi32>
      %gather3A_70 = tpu.vector_load_idx %arg6[%add3A_69] : memref<5632xf32, #tpu.memory_space<vmem>>[vector<16xi32>], vector<16xf32>,
      %add3A_71 = arith.constant 0 : i32
      %add3A_72 = vector.broadcast %add3A_71 : i32 to vector<16xi32>
      %add3A_73 = arith.addi %mul3A_24, %add3A_72 : vector<16xi32>
      %gather3A_74 = tpu.vector_load_idx %arg7[%add3A_73] : memref<12288xf32, #tpu.memory_space<vmem>>[vector<16xi32>], vector<16xf32>,
      %add3A_75 = arith.constant 1 : i32
      %add3A_76 = vector.broadcast %add3A_75 : i32 to vector<16xi32>
      %add3A_77 = arith.addi %mul3A_24, %add3A_76 : vector<16xi32>
      %gather3A_78 = tpu.vector_load_idx %arg7[%add3A_77] : memref<12288xf32, #tpu.memory_space<vmem>>[vector<16xi32>], vector<16xf32>,
      %add3A_79 = arith.constant 2 : i32
      %add3A_80 = vector.broadcast %add3A_79 : i32 to vector<16xi32>
      %add3A_81 = arith.addi %mul3A_24, %add3A_80 : vector<16xi32>
      %gather3A_82 = tpu.vector_load_idx %arg7[%add3A_81] : memref<12288xf32, #tpu.memory_space<vmem>>[vector<16xi32>], vector<16xf32>,
      %add3A_83 = arith.constant 3 : i32
      %add3A_84 = vector.broadcast %add3A_83 : i32 to vector<16xi32>
      %add3A_85 = arith.addi %mul3A_24, %add3A_84 : vector<16xi32>
      %gather3A_86 = tpu.vector_load_idx %arg7[%add3A_85] : memref<12288xf32, #tpu.memory_space<vmem>>[vector<16xi32>], vector<16xf32>,
      %add3A_87 = arith.constant 4 : i32
      %add3A_88 = vector.broadcast %add3A_87 : i32 to vector<16xi32>
      %add3A_89 = arith.addi %mul3A_24, %add3A_88 : vector<16xi32>
      %gather3A_90 = tpu.vector_load_idx %arg7[%add3A_89] : memref<12288xf32, #tpu.memory_space<vmem>>[vector<16xi32>], vector<16xf32>,
      %add3A_91 = arith.constant 5 : i32
      %add3A_92 = vector.broadcast %add3A_91 : i32 to vector<16xi32>
      %add3A_93 = arith.addi %mul3A_24, %add3A_92 : vector<16xi32>
      %gather3A_94 = tpu.vector_load_idx %arg7[%add3A_93] : memref<12288xf32, #tpu.memory_space<vmem>>[vector<16xi32>], vector<16xf32>,
      %add3A_95 = arith.constant 6 : i32
      %add3A_96 = vector.broadcast %add3A_95 : i32 to vector<16xi32>
      %add3A_97 = arith.addi %mul3A_24, %add3A_96 : vector<16xi32>
      %gather3A_98 = tpu.vector_load_idx %arg7[%add3A_97] : memref<12288xf32, #tpu.memory_space<vmem>>[vector<16xi32>], vector<16xf32>,
      %add3A_99 = arith.constant 7 : i32
      %add3A_100 = vector.broadcast %add3A_99 : i32 to vector<16xi32>
      %add3A_101 = arith.addi %mul3A_24, %add3A_100 : vector<16xi32>
      %gather3A_102 = tpu.vector_load_idx %arg7[%add3A_101] : memref<12288xf32, #tpu.memory_space<vmem>>[vector<16xi32>], vector<16xf32>,
      %add3A_103 = arith.constant 8 : i32
      %add3A_104 = vector.broadcast %add3A_103 : i32 to vector<16xi32>
      %add3A_105 = arith.addi %mul3A_24, %add3A_104 : vector<16xi32>
      %gather3A_106 = tpu.vector_load_idx %arg7[%add3A_105] : memref<12288xf32, #tpu.memory_space<vmem>>[vector<16xi32>], vector<16xf32>,
      %add3A_107 = arith.constant 9 : i32
      %add3A_108 = vector.broadcast %add3A_107 : i32 to vector<16xi32>
      %add3A_109 = arith.addi %mul3A_24, %add3A_108 : vector<16xi32>
      %gather3A_110 = tpu.vector_load_idx %arg7[%add3A_109] : memref<12288xf32, #tpu.memory_space<vmem>>[vector<16xi32>], vector<16xf32>,
      %add3A_111 = arith.constant 10 : i32
      %add3A_112 = vector.broadcast %add3A_111 : i32 to vector<16xi32>
      %add3A_113 = arith.addi %mul3A_24, %add3A_112 : vector<16xi32>
      %gather3A_114 = tpu.vector_load_idx %arg7[%add3A_113] : memref<12288xf32, #tpu.memory_space<vmem>>[vector<16xi32>], vector<16xf32>,
      %add3A_115 = arith.constant 11 : i32
      %add3A_116 = vector.broadcast %add3A_115 : i32 to vector<16xi32>
      %add3A_117 = arith.addi %mul3A_24, %add3A_116 : vector<16xi32>
      %gather3A_118 = tpu.vector_load_idx %arg7[%add3A_117] : memref<12288xf32, #tpu.memory_space<vmem>>[vector<16xi32>], vector<16xf32>,
      %add3A_119 = arith.constant 12 : i32
      %add3A_120 = vector.broadcast %add3A_119 : i32 to vector<16xi32>
      %add3A_121 = arith.addi %mul3A_24, %add3A_120 : vector<16xi32>
      %gather3A_122 = tpu.vector_load_idx %arg7[%add3A_121] : memref<12288xf32, #tpu.memory_space<vmem>>[vector<16xi32>], vector<16xf32>,
      %add3A_123 = arith.constant 13 : i32
      %add3A_124 = vector.broadcast %add3A_123 : i32 to vector<16xi32>
      %add3A_125 = arith.addi %mul3A_24, %add3A_124 : vector<16xi32>
      %gather3A_126 = tpu.vector_load_idx %arg7[%add3A_125] : memref<12288xf32, #tpu.memory_space<vmem>>[vector<16xi32>], vector<16xf32>,
      %add3A_127 = arith.constant 14 : i32
      %add3A_128 = vector.broadcast %add3A_127 : i32 to vector<16xi32>
      %add3A_129 = arith.addi %mul3A_24, %add3A_128 : vector<16xi32>
      %gather3A_130 = tpu.vector_load_idx %arg7[%add3A_129] : memref<12288xf32, #tpu.memory_space<vmem>>[vector<16xi32>], vector<16xf32>,
      %add3A_131 = arith.constant 15 : i32
      %add3A_132 = vector.broadcast %add3A_131 : i32 to vector<16xi32>
      %add3A_133 = arith.addi %mul3A_24, %add3A_132 : vector<16xi32>
      %gather3A_134 = tpu.vector_load_idx %arg7[%add3A_133] : memref<12288xf32, #tpu.memory_space<vmem>>[vector<16xi32>], vector<16xf32>,
      %add3A_135 = arith.constant 16 : i32
      %add3A_136 = vector.broadcast %add3A_135 : i32 to vector<16xi32>
      %add3A_137 = arith.addi %mul3A_24, %add3A_136 : vector<16xi32>
      %gather3A_138 = tpu.vector_load_idx %arg7[%add3A_137] : memref<12288xf32, #tpu.memory_space<vmem>>[vector<16xi32>], vector<16xf32>,
      %add3A_139 = arith.constant 17 : i32
      %add3A_140 = vector.broadcast %add3A_139 : i32 to vector<16xi32>
      %add3A_141 = arith.addi %mul3A_24, %add3A_140 : vector<16xi32>
      %gather3A_142 = tpu.vector_load_idx %arg7[%add3A_141] : memref<12288xf32, #tpu.memory_space<vmem>>[vector<16xi32>], vector<16xf32>,
      %add3A_143 = arith.constant 18 : i32
      %add3A_144 = vector.broadcast %add3A_143 : i32 to vector<16xi32>
      %add3A_145 = arith.addi %mul3A_24, %add3A_144 : vector<16xi32>
      %gather3A_146 = tpu.vector_load_idx %arg7[%add3A_145] : memref<12288xf32, #tpu.memory_space<vmem>>[vector<16xi32>], vector<16xf32>,
      %add3A_147 = arith.constant 19 : i32
      %add3A_148 = vector.broadcast %add3A_147 : i32 to vector<16xi32>
      %add3A_149 = arith.addi %mul3A_24, %add3A_148 : vector<16xi32>
      %gather3A_150 = tpu.vector_load_idx %arg7[%add3A_149] : memref<12288xf32, #tpu.memory_space<vmem>>[vector<16xi32>], vector<16xf32>,
      %add3A_151 = arith.constant 20 : i32
      %add3A_152 = vector.broadcast %add3A_151 : i32 to vector<16xi32>
      %add3A_153 = arith.addi %mul3A_24, %add3A_152 : vector<16xi32>
      %gather3A_154 = tpu.vector_load_idx %arg7[%add3A_153] : memref<12288xf32, #tpu.memory_space<vmem>>[vector<16xi32>], vector<16xf32>,
      %add3A_155 = arith.constant 21 : i32
      %add3A_156 = vector.broadcast %add3A_155 : i32 to vector<16xi32>
      %add3A_157 = arith.addi %mul3A_24, %add3A_156 : vector<16xi32>
      %gather3A_158 = tpu.vector_load_idx %arg7[%add3A_157] : memref<12288xf32, #tpu.memory_space<vmem>>[vector<16xi32>], vector<16xf32>,
      %add3A_159 = arith.constant 22 : i32
      %add3A_160 = vector.broadcast %add3A_159 : i32 to vector<16xi32>
      %add3A_161 = arith.addi %mul3A_24, %add3A_160 : vector<16xi32>
      %gather3A_162 = tpu.vector_load_idx %arg7[%add3A_161] : memref<12288xf32, #tpu.memory_space<vmem>>[vector<16xi32>], vector<16xf32>,
      %add3A_163 = arith.constant 23 : i32
      %add3A_164 = vector.broadcast %add3A_163 : i32 to vector<16xi32>
      %add3A_165 = arith.addi %mul3A_24, %add3A_164 : vector<16xi32>
      %gather3A_166 = tpu.vector_load_idx %arg7[%add3A_165] : memref<12288xf32, #tpu.memory_space<vmem>>[vector<16xi32>], vector<16xf32>,
      %get3A = arith.constant 2304 : index
      %get3A_167 = tpu.vector_load %arg8[%get3A] {strides = array<i32>} : memref<2336xf32, #tpu.memory_space<vmem>>, vector<16xf32>,
      %get3A_168 = arith.constant 0 : index
      %get3A_169 = tpu.vector_load %arg8[%get3A_168] {strides = array<i32>} : memref<2336xf32, #tpu.memory_space<vmem>>, vector<16xf32>,
      %mul3A_170 = arith.mulf %get3A_167, %gather3A : vector<16xf32>
      %add3A_171 = arith.addf %gather3A_162, %mul3A_170 : vector<16xf32>
      %add3A_172 = arith.addf %add3A_171, %get3A_169 : vector<16xf32>
      %get3A_173 = arith.constant 96 : index
      %get3A_174 = tpu.vector_load %arg8[%get3A_173] {strides = array<i32>} : memref<2336xf32, #tpu.memory_space<vmem>>, vector<16xf32>,
      %mul3A_175 = arith.mulf %get3A_167, %gather3A_34 : vector<16xf32>
      %add3A_176 = arith.addf %gather3A_162, %mul3A_175 : vector<16xf32>
      %add3A_177 = arith.addf %add3A_176, %get3A_174 : vector<16xf32>
      %get3A_178 = arith.constant 128 : index
      %get3A_179 = tpu.vector_load %arg8[%get3A_178] {strides = array<i32>} : memref<2336xf32, #tpu.memory_space<vmem>>, vector<16xf32>,
      %mul3A_180 = arith.mulf %get3A_167, %gather3A_38 : vector<16xf32>
      %add3A_181 = arith.addf %gather3A_162, %mul3A_180 : vector<16xf32>
      %add3A_182 = arith.addf %add3A_181, %get3A_179 : vector<16xf32>
      %get3A_183 = arith.constant 208 : index
      %get3A_184 = tpu.vector_load %arg8[%get3A_183] {strides = array<i32>} : memref<2336xf32, #tpu.memory_space<vmem>>, vector<16xf32>,
      %mul3A_185 = arith.mulf %get3A_167, %gather3A_42 : vector<16xf32>
      %add3A_186 = arith.addf %gather3A_162, %mul3A_185 : vector<16xf32>
      %add3A_187 = arith.addf %add3A_186, %get3A_184 : vector<16xf32>
      %get3A_188 = arith.constant 240 : index
      %get3A_189 = tpu.vector_load %arg8[%get3A_188] {strides = array<i32>} : memref<2336xf32, #tpu.memory_space<vmem>>, vector<16xf32>,
      %mul3A_190 = arith.mulf %get3A_167, %gather3A_46 : vector<16xf32>
      %add3A_191 = arith.addf %gather3A_162, %mul3A_190 : vector<16xf32>
      %add3A_192 = arith.addf %add3A_191, %get3A_189 : vector<16xf32>
      %get3A_193 = arith.constant 288 : index
      %get3A_194 = tpu.vector_load %arg8[%get3A_193] {strides = array<i32>} : memref<2336xf32, #tpu.memory_space<vmem>>, vector<16xf32>,
      %mul3A_195 = arith.mulf %get3A_167, %gather3A_50 : vector<16xf32>
      %add3A_196 = arith.addf %gather3A_162, %mul3A_195 : vector<16xf32>
      %add3A_197 = arith.addf %add3A_196, %get3A_194 : vector<16xf32>
      %get3A_198 = arith.constant 320 : index
      %get3A_199 = tpu.vector_load %arg8[%get3A_198] {strides = array<i32>} : memref<2336xf32, #tpu.memory_space<vmem>>, vector<16xf32>,
      %mul3A_200 = arith.mulf %get3A_167, %gather3A_66 : vector<16xf32>
      %add3A_201 = arith.addf %gather3A_162, %mul3A_200 : vector<16xf32>
      %add3A_202 = arith.addf %add3A_201, %get3A_199 : vector<16xf32>
      %get3A_203 = arith.constant 368 : index
      %get3A_204 = tpu.vector_load %arg8[%get3A_203] {strides = array<i32>} : memref<2336xf32, #tpu.memory_space<vmem>>, vector<16xf32>,
      %mul3A_205 = arith.mulf %get3A_167, %gather3A_70 : vector<16xf32>
      %add3A_206 = arith.addf %gather3A_162, %mul3A_205 : vector<16xf32>
      %add3A_207 = arith.addf %add3A_206, %get3A_204 : vector<16xf32>
      %get3A_208 = arith.constant 768 : index
      %get3A_209 = tpu.vector_load %arg8[%get3A_208] {strides = array<i32>} : memref<2336xf32, #tpu.memory_space<vmem>>, vector<16xf32>,
      %get3A_210 = arith.constant 1536 : index
      %get3A_211 = tpu.vector_load %arg8[%get3A_210] {strides = array<i32>} : memref<2336xf32, #tpu.memory_space<vmem>>, vector<16xf32>,
      %mul3A_212 = arith.mulf %gather3A_38, %add3A_172 : vector<16xf32>
      %add3A_213 = arith.addf %mul3A_212, %gather3A_82 : vector<16xf32>
      %mul3A_214 = arith.mulf %get3A_209, %gather3A : vector<16xf32>
      %add3A_215 = arith.addf %add3A_213, %mul3A_214 : vector<16xf32>
      %add3A_216 = arith.addf %add3A_215, %get3A_211 : vector<16xf32>
      %get3A_217 = arith.constant 784 : index
      %get3A_218 = tpu.vector_load %arg8[%get3A_217] {strides = array<i32>} : memref<2336xf32, #tpu.memory_space<vmem>>, vector<16xf32>,
      %get3A_219 = arith.constant 1552 : index
      %get3A_220 = tpu.vector_load %arg8[%get3A_219] {strides = array<i32>} : memref<2336xf32, #tpu.memory_space<vmem>>, vector<16xf32>,
      %mul3A_221 = arith.mulf %gather3A_42, %add3A_172 : vector<16xf32>
      %add3A_222 = arith.addf %mul3A_221, %gather3A_86 : vector<16xf32>
      %mul3A_223 = arith.mulf %get3A_218, %gather3A : vector<16xf32>
      %add3A_224 = arith.addf %add3A_222, %mul3A_223 : vector<16xf32>
      %add3A_225 = arith.addf %add3A_224, %get3A_220 : vector<16xf32>
      %get3A_226 = arith.constant 800 : index
      %get3A_227 = tpu.vector_load %arg8[%get3A_226] {strides = array<i32>} : memref<2336xf32, #tpu.memory_space<vmem>>, vector<16xf32>,
      %get3A_228 = arith.constant 1568 : index
      %get3A_229 = tpu.vector_load %arg8[%get3A_228] {strides = array<i32>} : memref<2336xf32, #tpu.memory_space<vmem>>, vector<16xf32>,
      %mul3A_230 = arith.mulf %gather3A_50, %add3A_172 : vector<16xf32>
      %add3A_231 = arith.addf %mul3A_230, %gather3A_94 : vector<16xf32>
      %mul3A_232 = arith.mulf %get3A_227, %gather3A : vector<16xf32>
      %add3A_233 = arith.addf %add3A_231, %mul3A_232 : vector<16xf32>
      %add3A_234 = arith.addf %add3A_233, %get3A_229 : vector<16xf32>
      %get3A_235 = arith.constant 816 : index
      %get3A_236 = tpu.vector_load %arg8[%get3A_235] {strides = array<i32>} : memref<2336xf32, #tpu.memory_space<vmem>>, vector<16xf32>,
      %get3A_237 = arith.constant 1584 : index
      %get3A_238 = tpu.vector_load %arg8[%get3A_237] {strides = array<i32>} : memref<2336xf32, #tpu.memory_space<vmem>>, vector<16xf32>,
      %mul3A_239 = arith.mulf %gather3A_54, %add3A_172 : vector<16xf32>
      %add3A_240 = arith.addf %mul3A_239, %gather3A_98 : vector<16xf32>
      %mul3A_241 = arith.mulf %get3A_236, %gather3A : vector<16xf32>
      %add3A_242 = arith.addf %add3A_240, %mul3A_241 : vector<16xf32>
      %add3A_243 = arith.addf %add3A_242, %get3A_238 : vector<16xf32>
      %get3A_244 = arith.constant 832 : index
      %get3A_245 = tpu.vector_load %arg8[%get3A_244] {strides = array<i32>} : memref<2336xf32, #tpu.memory_space<vmem>>, vector<16xf32>,
      %get3A_246 = arith.constant 1600 : index
      %get3A_247 = tpu.vector_load %arg8[%get3A_246] {strides = array<i32>} : memref<2336xf32, #tpu.memory_space<vmem>>, vector<16xf32>,
      %mul3A_248 = arith.mulf %gather3A_58, %add3A_172 : vector<16xf32>
      %add3A_249 = arith.addf %mul3A_248, %gather3A_102 : vector<16xf32>
      %mul3A_250 = arith.mulf %get3A_245, %gather3A : vector<16xf32>
      %add3A_251 = arith.addf %add3A_249, %mul3A_250 : vector<16xf32>
      %add3A_252 = arith.addf %add3A_251, %get3A_247 : vector<16xf32>
      %get3A_253 = arith.constant 848 : index
      %get3A_254 = tpu.vector_load %arg8[%get3A_253] {strides = array<i32>} : memref<2336xf32, #tpu.memory_space<vmem>>, vector<16xf32>,
      %get3A_255 = arith.constant 1616 : index
      %get3A_256 = tpu.vector_load %arg8[%get3A_255] {strides = array<i32>} : memref<2336xf32, #tpu.memory_space<vmem>>, vector<16xf32>,
      %mul3A_257 = arith.mulf %gather3A_66, %add3A_172 : vector<16xf32>
      %add3A_258 = arith.addf %mul3A_257, %gather3A_110 : vector<16xf32>
      %mul3A_259 = arith.mulf %get3A_254, %gather3A : vector<16xf32>
      %add3A_260 = arith.addf %add3A_258, %mul3A_259 : vector<16xf32>
      %add3A_261 = arith.addf %add3A_260, %get3A_256 : vector<16xf32>
      %get3A_262 = arith.constant 864 : index
      %get3A_263 = tpu.vector_load %arg8[%get3A_262] {strides = array<i32>} : memref<2336xf32, #tpu.memory_space<vmem>>, vector<16xf32>,
      %get3A_264 = arith.constant 1632 : index
      %get3A_265 = tpu.vector_load %arg8[%get3A_264] {strides = array<i32>} : memref<2336xf32, #tpu.memory_space<vmem>>, vector<16xf32>,
      %mul3A_266 = arith.mulf %gather3A_38, %add3A_177 : vector<16xf32>
      %add3A_267 = arith.addf %mul3A_266, %gather3A_82 : vector<16xf32>
      %mul3A_268 = arith.mulf %get3A_263, %gather3A_34 : vector<16xf32>
      %add3A_269 = arith.addf %add3A_267, %mul3A_268 : vector<16xf32>
      %add3A_270 = arith.addf %add3A_269, %get3A_265 : vector<16xf32>
      %get3A_271 = arith.constant 880 : index
      %get3A_272 = tpu.vector_load %arg8[%get3A_271] {strides = array<i32>} : memref<2336xf32, #tpu.memory_space<vmem>>, vector<16xf32>,
      %get3A_273 = arith.constant 1648 : index
      %get3A_274 = tpu.vector_load %arg8[%get3A_273] {strides = array<i32>} : memref<2336xf32, #tpu.memory_space<vmem>>, vector<16xf32>,
      %mul3A_275 = arith.mulf %gather3A_70, %add3A_177 : vector<16xf32>
      %add3A_276 = arith.addf %mul3A_275, %gather3A_114 : vector<16xf32>
      %mul3A_277 = arith.mulf %get3A_272, %gather3A_34 : vector<16xf32>
      %add3A_278 = arith.addf %add3A_276, %mul3A_277 : vector<16xf32>
      %add3A_279 = arith.addf %add3A_278, %get3A_274 : vector<16xf32>
      %get3A_280 = arith.constant 896 : index
      %get3A_281 = tpu.vector_load %arg8[%get3A_280] {strides = array<i32>} : memref<2336xf32, #tpu.memory_space<vmem>>, vector<16xf32>,
      %get3A_282 = arith.constant 1664 : index
      %get3A_283 = tpu.vector_load %arg8[%get3A_282] {strides = array<i32>} : memref<2336xf32, #tpu.memory_space<vmem>>, vector<16xf32>,
      %mul3A_284 = arith.mulf %gather3A, %add3A_182 : vector<16xf32>
      %add3A_285 = arith.addf %mul3A_284, %gather3A_74 : vector<16xf32>
      %mul3A_286 = arith.mulf %get3A_281, %gather3A_38 : vector<16xf32>
      %add3A_287 = arith.addf %add3A_285, %mul3A_286 : vector<16xf32>
      %add3A_288 = arith.addf %add3A_287, %get3A_283 : vector<16xf32>
      %get3A_289 = arith.constant 912 : index
      %get3A_290 = tpu.vector_load %arg8[%get3A_289] {strides = array<i32>} : memref<2336xf32, #tpu.memory_space<vmem>>, vector<16xf32>,
      %get3A_291 = arith.constant 1680 : index
      %get3A_292 = tpu.vector_load %arg8[%get3A_291] {strides = array<i32>} : memref<2336xf32, #tpu.memory_space<vmem>>, vector<16xf32>,
      %mul3A_293 = arith.mulf %gather3A_34, %add3A_182 : vector<16xf32>
      %add3A_294 = arith.addf %mul3A_293, %gather3A_78 : vector<16xf32>
      %mul3A_295 = arith.mulf %get3A_290, %gather3A_38 : vector<16xf32>
      %add3A_296 = arith.addf %add3A_294, %mul3A_295 : vector<16xf32>
      %add3A_297 = arith.addf %add3A_296, %get3A_292 : vector<16xf32>
      %get3A_298 = arith.constant 928 : index
      %get3A_299 = tpu.vector_load %arg8[%get3A_298] {strides = array<i32>} : memref<2336xf32, #tpu.memory_space<vmem>>, vector<16xf32>,
      %get3A_300 = arith.constant 1696 : index
      %get3A_301 = tpu.vector_load %arg8[%get3A_300] {strides = array<i32>} : memref<2336xf32, #tpu.memory_space<vmem>>, vector<16xf32>,
      %mul3A_302 = arith.mulf %gather3A_50, %add3A_182 : vector<16xf32>
      %add3A_303 = arith.addf %mul3A_302, %gather3A_94 : vector<16xf32>
      %mul3A_304 = arith.mulf %get3A_299, %gather3A_38 : vector<16xf32>
      %add3A_305 = arith.addf %add3A_303, %mul3A_304 : vector<16xf32>
      %add3A_306 = arith.addf %add3A_305, %get3A_301 : vector<16xf32>
      %get3A_307 = arith.constant 944 : index
      %get3A_308 = tpu.vector_load %arg8[%get3A_307] {strides = array<i32>} : memref<2336xf32, #tpu.memory_space<vmem>>, vector<16xf32>,
      %get3A_309 = arith.constant 1712 : index
      %get3A_310 = tpu.vector_load %arg8[%get3A_309] {strides = array<i32>} : memref<2336xf32, #tpu.memory_space<vmem>>, vector<16xf32>,
      %mul3A_311 = arith.mulf %gather3A_54, %add3A_182 : vector<16xf32>
      %add3A_312 = arith.addf %mul3A_311, %gather3A_98 : vector<16xf32>
      %mul3A_313 = arith.mulf %get3A_308, %gather3A_38 : vector<16xf32>
      %add3A_314 = arith.addf %add3A_312, %mul3A_313 : vector<16xf32>
      %add3A_315 = arith.addf %add3A_314, %get3A_310 : vector<16xf32>
      %get3A_316 = arith.constant 960 : index
      %get3A_317 = tpu.vector_load %arg8[%get3A_316] {strides = array<i32>} : memref<2336xf32, #tpu.memory_space<vmem>>, vector<16xf32>,
      %get3A_318 = arith.constant 1728 : index
      %get3A_319 = tpu.vector_load %arg8[%get3A_318] {strides = array<i32>} : memref<2336xf32, #tpu.memory_space<vmem>>, vector<16xf32>,
      %mul3A_320 = arith.mulf %gather3A_66, %add3A_182 : vector<16xf32>
      %add3A_321 = arith.addf %mul3A_320, %gather3A_110 : vector<16xf32>
      %mul3A_322 = arith.mulf %get3A_317, %gather3A_38 : vector<16xf32>
      %add3A_323 = arith.addf %add3A_321, %mul3A_322 : vector<16xf32>
      %add3A_324 = arith.addf %add3A_323, %get3A_319 : vector<16xf32>
      %get3A_325 = arith.constant 976 : index
      %get3A_326 = tpu.vector_load %arg8[%get3A_325] {strides = array<i32>} : memref<2336xf32, #tpu.memory_space<vmem>>, vector<16xf32>,
      %get3A_327 = arith.constant 1744 : index
      %get3A_328 = tpu.vector_load %arg8[%get3A_327] {strides = array<i32>} : memref<2336xf32, #tpu.memory_space<vmem>>, vector<16xf32>,
      %mul3A_329 = arith.mulf %gather3A, %add3A_187 : vector<16xf32>
      %add3A_330 = arith.addf %mul3A_329, %gather3A_74 : vector<16xf32>
      %mul3A_331 = arith.mulf %get3A_326, %gather3A_42 : vector<16xf32>
      %add3A_332 = arith.addf %add3A_330, %mul3A_331 : vector<16xf32>
      %add3A_333 = arith.addf %add3A_332, %get3A_328 : vector<16xf32>
      %get3A_334 = arith.constant 992 : index
      %get3A_335 = tpu.vector_load %arg8[%get3A_334] {strides = array<i32>} : memref<2336xf32, #tpu.memory_space<vmem>>, vector<16xf32>,
      %get3A_336 = arith.constant 1760 : index
      %get3A_337 = tpu.vector_load %arg8[%get3A_336] {strides = array<i32>} : memref<2336xf32, #tpu.memory_space<vmem>>, vector<16xf32>,
      %mul3A_338 = arith.mulf %gather3A_70, %add3A_187 : vector<16xf32>
      %add3A_339 = arith.addf %mul3A_338, %gather3A_114 : vector<16xf32>
      %mul3A_340 = arith.mulf %get3A_335, %gather3A_42 : vector<16xf32>
      %add3A_341 = arith.addf %add3A_339, %mul3A_340 : vector<16xf32>
      %add3A_342 = arith.addf %add3A_341, %get3A_337 : vector<16xf32>
      %get3A_343 = arith.constant 1008 : index
      %get3A_344 = tpu.vector_load %arg8[%get3A_343] {strides = array<i32>} : memref<2336xf32, #tpu.memory_space<vmem>>, vector<16xf32>,
      %get3A_345 = arith.constant 1776 : index
      %get3A_346 = tpu.vector_load %arg8[%get3A_345] {strides = array<i32>} : memref<2336xf32, #tpu.memory_space<vmem>>, vector<16xf32>,
      %mul3A_347 = arith.mulf %gather3A, %add3A_192 : vector<16xf32>
      %add3A_348 = arith.addf %mul3A_347, %gather3A_74 : vector<16xf32>
      %mul3A_349 = arith.mulf %get3A_344, %gather3A_46 : vector<16xf32>
      %add3A_350 = arith.addf %add3A_348, %mul3A_349 : vector<16xf32>
      %add3A_351 = arith.addf %add3A_350, %get3A_346 : vector<16xf32>
      %get3A_352 = arith.constant 1024 : index
      %get3A_353 = tpu.vector_load %arg8[%get3A_352] {strides = array<i32>} : memref<2336xf32, #tpu.memory_space<vmem>>, vector<16xf32>,
      %get3A_354 = arith.constant 1792 : index
      %get3A_355 = tpu.vector_load %arg8[%get3A_354] {strides = array<i32>} : memref<2336xf32, #tpu.memory_space<vmem>>, vector<16xf32>,
      %mul3A_356 = arith.mulf %gather3A_62, %add3A_192 : vector<16xf32>
      %add3A_357 = arith.addf %mul3A_356, %gather3A_106 : vector<16xf32>
      %mul3A_358 = arith.mulf %get3A_353, %gather3A_46 : vector<16xf32>
      %add3A_359 = arith.addf %add3A_357, %mul3A_358 : vector<16xf32>
      %add3A_360 = arith.addf %add3A_359, %get3A_355 : vector<16xf32>
      %get3A_361 = arith.constant 1040 : index
      %get3A_362 = tpu.vector_load %arg8[%get3A_361] {strides = array<i32>} : memref<2336xf32, #tpu.memory_space<vmem>>, vector<16xf32>,
      %get3A_363 = arith.constant 1808 : index
      %get3A_364 = tpu.vector_load %arg8[%get3A_363] {strides = array<i32>} : memref<2336xf32, #tpu.memory_space<vmem>>, vector<16xf32>,
      %mul3A_365 = arith.mulf %gather3A_66, %add3A_192 : vector<16xf32>
      %add3A_366 = arith.addf %mul3A_365, %gather3A_110 : vector<16xf32>
      %mul3A_367 = arith.mulf %get3A_362, %gather3A_46 : vector<16xf32>
      %add3A_368 = arith.addf %add3A_366, %mul3A_367 : vector<16xf32>
      %add3A_369 = arith.addf %add3A_368, %get3A_364 : vector<16xf32>
      %get3A_370 = arith.constant 1056 : index
      %get3A_371 = tpu.vector_load %arg8[%get3A_370] {strides = array<i32>} : memref<2336xf32, #tpu.memory_space<vmem>>, vector<16xf32>,
      %get3A_372 = arith.constant 1824 : index
      %get3A_373 = tpu.vector_load %arg8[%get3A_372] {strides = array<i32>} : memref<2336xf32, #tpu.memory_space<vmem>>, vector<16xf32>,
      %mul3A_374 = arith.mulf %gather3A, %add3A_197 : vector<16xf32>
      %add3A_375 = arith.addf %mul3A_374, %gather3A_74 : vector<16xf32>
      %mul3A_376 = arith.mulf %get3A_371, %gather3A_50 : vector<16xf32>
      %add3A_377 = arith.addf %add3A_375, %mul3A_376 : vector<16xf32>
      %add3A_378 = arith.addf %add3A_377, %get3A_373 : vector<16xf32>
      %get3A_379 = arith.constant 1072 : index
      %get3A_380 = tpu.vector_load %arg8[%get3A_379] {strides = array<i32>} : memref<2336xf32, #tpu.memory_space<vmem>>, vector<16xf32>,
      %get3A_381 = arith.constant 1840 : index
      %get3A_382 = tpu.vector_load %arg8[%get3A_381] {strides = array<i32>} : memref<2336xf32, #tpu.memory_space<vmem>>, vector<16xf32>,
      %mul3A_383 = arith.mulf %gather3A_54, %add3A_197 : vector<16xf32>
      %add3A_384 = arith.addf %mul3A_383, %gather3A_98 : vector<16xf32>
      %mul3A_385 = arith.mulf %get3A_380, %gather3A_50 : vector<16xf32>
      %add3A_386 = arith.addf %add3A_384, %mul3A_385 : vector<16xf32>
      %add3A_387 = arith.addf %add3A_386, %get3A_382 : vector<16xf32>
      %get3A_388 = arith.constant 1088 : index
      %get3A_389 = tpu.vector_load %arg8[%get3A_388] {strides = array<i32>} : memref<2336xf32, #tpu.memory_space<vmem>>, vector<16xf32>,
      %get3A_390 = arith.constant 1856 : index
      %get3A_391 = tpu.vector_load %arg8[%get3A_390] {strides = array<i32>} : memref<2336xf32, #tpu.memory_space<vmem>>, vector<16xf32>,
      %mul3A_392 = arith.mulf %gather3A_46, %add3A_202 : vector<16xf32>
      %add3A_393 = arith.addf %mul3A_392, %gather3A_90 : vector<16xf32>
      %mul3A_394 = arith.mulf %get3A_389, %gather3A_66 : vector<16xf32>
      %add3A_395 = arith.addf %add3A_393, %mul3A_394 : vector<16xf32>
      %add3A_396 = arith.addf %add3A_395, %get3A_391 : vector<16xf32>
      %get3A_397 = arith.constant 1104 : index
      %get3A_398 = tpu.vector_load %arg8[%get3A_397] {strides = array<i32>} : memref<2336xf32, #tpu.memory_space<vmem>>, vector<16xf32>,
      %get3A_399 = arith.constant 1872 : index
      %get3A_400 = tpu.vector_load %arg8[%get3A_399] {strides = array<i32>} : memref<2336xf32, #tpu.memory_space<vmem>>, vector<16xf32>,
      %mul3A_401 = arith.mulf %gather3A_58, %add3A_202 : vector<16xf32>
      %add3A_402 = arith.addf %mul3A_401, %gather3A_102 : vector<16xf32>
      %mul3A_403 = arith.mulf %get3A_398, %gather3A_66 : vector<16xf32>
      %add3A_404 = arith.addf %add3A_402, %mul3A_403 : vector<16xf32>
      %add3A_405 = arith.addf %add3A_404, %get3A_400 : vector<16xf32>
      %get3A_406 = arith.constant 1120 : index
      %get3A_407 = tpu.vector_load %arg8[%get3A_406] {strides = array<i32>} : memref<2336xf32, #tpu.memory_space<vmem>>, vector<16xf32>,
      %get3A_408 = arith.constant 1888 : index
      %get3A_409 = tpu.vector_load %arg8[%get3A_408] {strides = array<i32>} : memref<2336xf32, #tpu.memory_space<vmem>>, vector<16xf32>,
      %mul3A_410 = arith.mulf %gather3A_62, %add3A_202 : vector<16xf32>
      %add3A_411 = arith.addf %mul3A_410, %gather3A_106 : vector<16xf32>
      %mul3A_412 = arith.mulf %get3A_407, %gather3A_66 : vector<16xf32>
      %add3A_413 = arith.addf %add3A_411, %mul3A_412 : vector<16xf32>
      %add3A_414 = arith.addf %add3A_413, %get3A_409 : vector<16xf32>
      %get3A_415 = arith.constant 1136 : index
      %get3A_416 = tpu.vector_load %arg8[%get3A_415] {strides = array<i32>} : memref<2336xf32, #tpu.memory_space<vmem>>, vector<16xf32>,
      %get3A_417 = arith.constant 1904 : index
      %get3A_418 = tpu.vector_load %arg8[%get3A_417] {strides = array<i32>} : memref<2336xf32, #tpu.memory_space<vmem>>, vector<16xf32>,
      %mul3A_419 = arith.mulf %gather3A_42, %add3A_207 : vector<16xf32>
      %add3A_420 = arith.addf %mul3A_419, %gather3A_86 : vector<16xf32>
      %mul3A_421 = arith.mulf %get3A_416, %gather3A_70 : vector<16xf32>
      %add3A_422 = arith.addf %add3A_420, %mul3A_421 : vector<16xf32>
      %add3A_423 = arith.addf %add3A_422, %get3A_418 : vector<16xf32>
      %max3A = arith.maximumf %add3A_216, %add3A_225 : vector<16xf32>
      %max3A_424 = arith.maximumf %max3A, %add3A_234 : vector<16xf32>
      %max3A_425 = arith.maximumf %max3A_424, %add3A_243 : vector<16xf32>
      %max3A_426 = arith.maximumf %max3A_425, %add3A_252 : vector<16xf32>
      %max3A_427 = arith.maximumf %max3A_426, %add3A_261 : vector<16xf32>
      %sub3A = arith.subf %add3A_216, %max3A_427 : vector<16xf32>
      %exp3A = math.exp %sub3A : vector<16xf32>
      %sub3A_428 = arith.subf %add3A_225, %max3A_427 : vector<16xf32>
      %exp3A_429 = math.exp %sub3A_428 : vector<16xf32>
      %sub3A_430 = arith.subf %add3A_234, %max3A_427 : vector<16xf32>
      %exp3A_431 = math.exp %sub3A_430 : vector<16xf32>
      %sub3A_432 = arith.subf %add3A_243, %max3A_427 : vector<16xf32>
      %exp3A_433 = math.exp %sub3A_432 : vector<16xf32>
      %sub3A_434 = arith.subf %add3A_252, %max3A_427 : vector<16xf32>
      %exp3A_435 = math.exp %sub3A_434 : vector<16xf32>
      %sub3A_436 = arith.subf %add3A_261, %max3A_427 : vector<16xf32>
      %exp3A_437 = math.exp %sub3A_436 : vector<16xf32>
      %add3A_438 = arith.addf %exp3A, %exp3A_429 : vector<16xf32>
      %add3A_439 = arith.addf %add3A_438, %exp3A_431 : vector<16xf32>
      %add3A_440 = arith.addf %add3A_439, %exp3A_433 : vector<16xf32>
      %add3A_441 = arith.addf %add3A_440, %exp3A_435 : vector<16xf32>
      %add3A_442 = arith.addf %add3A_441, %exp3A_437 : vector<16xf32>
      %div3A = arith.constant 1.000000e+00 : f32
      %div3A_443 = vector.broadcast %div3A : f32 to vector<16xf32>
      %div3A_444 = arith.divf %div3A_443, %add3A_442 : vector<16xf32>
      %mul3A_445 = arith.mulf %exp3A, %div3A_444 : vector<16xf32>
      %mul3A_446 = arith.mulf %exp3A_429, %div3A_444 : vector<16xf32>
      %mul3A_447 = arith.mulf %exp3A_431, %div3A_444 : vector<16xf32>
      %mul3A_448 = arith.mulf %exp3A_433, %div3A_444 : vector<16xf32>
      %mul3A_449 = arith.mulf %exp3A_435, %div3A_444 : vector<16xf32>
      %mul3A_450 = arith.mulf %exp3A_437, %div3A_444 : vector<16xf32>
      %add3A_451 = arith.constant 0 : i32
      %add3A_452 = vector.broadcast %add3A_451 : i32 to vector<16xi32>
      %add3A_453 = arith.addi %mul3A_27, %add3A_452 : vector<16xi32>
      tpu.vector_store_idx %arg9[%add3A_453], %mul3A_445 : memref<24576xf32, #tpu.memory_space<vmem>>[vector<16xi32>], vector<16xf32>,
      %add3A_454 = arith.constant 1 : i32
      %add3A_455 = vector.broadcast %add3A_454 : i32 to vector<16xi32>
      %add3A_456 = arith.addi %mul3A_27, %add3A_455 : vector<16xi32>
      tpu.vector_store_idx %arg9[%add3A_456], %mul3A_446 : memref<24576xf32, #tpu.memory_space<vmem>>[vector<16xi32>], vector<16xf32>,
      %add3A_457 = arith.constant 2 : i32
      %add3A_458 = vector.broadcast %add3A_457 : i32 to vector<16xi32>
      %add3A_459 = arith.addi %mul3A_27, %add3A_458 : vector<16xi32>
      tpu.vector_store_idx %arg9[%add3A_459], %mul3A_447 : memref<24576xf32, #tpu.memory_space<vmem>>[vector<16xi32>], vector<16xf32>,
      %add3A_460 = arith.constant 3 : i32
      %add3A_461 = vector.broadcast %add3A_460 : i32 to vector<16xi32>
      %add3A_462 = arith.addi %mul3A_27, %add3A_461 : vector<16xi32>
      tpu.vector_store_idx %arg9[%add3A_462], %mul3A_448 : memref<24576xf32, #tpu.memory_space<vmem>>[vector<16xi32>], vector<16xf32>,
      %add3A_463 = arith.constant 4 : i32
      %add3A_464 = vector.broadcast %add3A_463 : i32 to vector<16xi32>
      %add3A_465 = arith.addi %mul3A_27, %add3A_464 : vector<16xi32>
      tpu.vector_store_idx %arg9[%add3A_465], %mul3A_449 : memref<24576xf32, #tpu.memory_space<vmem>>[vector<16xi32>], vector<16xf32>,
      %add3A_466 = arith.constant 5 : i32
      %add3A_467 = vector.broadcast %add3A_466 : i32 to vector<16xi32>
      %add3A_468 = arith.addi %mul3A_27, %add3A_467 : vector<16xi32>
      tpu.vector_store_idx %arg9[%add3A_468], %mul3A_450 : memref<24576xf32, #tpu.memory_space<vmem>>[vector<16xi32>], vector<16xf32>,
      %max3A_469 = arith.maximumf %add3A_270, %add3A_279 : vector<16xf32>
      %sub3A_470 = arith.subf %add3A_270, %max3A_469 : vector<16xf32>
      %exp3A_471 = math.exp %sub3A_470 : vector<16xf32>
      %sub3A_472 = arith.subf %add3A_279, %max3A_469 : vector<16xf32>
      %exp3A_473 = math.exp %sub3A_472 : vector<16xf32>
      %add3A_474 = arith.addf %exp3A_471, %exp3A_473 : vector<16xf32>
      %div3A_475 = arith.constant 1.000000e+00 : f32
      %div3A_476 = vector.broadcast %div3A_475 : f32 to vector<16xf32>
      %div3A_477 = arith.divf %div3A_476, %add3A_474 : vector<16xf32>
      %mul3A_478 = arith.mulf %exp3A_471, %div3A_477 : vector<16xf32>
      %mul3A_479 = arith.mulf %exp3A_473, %div3A_477 : vector<16xf32>
      %add3A_480 = arith.constant 6 : i32
      %add3A_481 = vector.broadcast %add3A_480 : i32 to vector<16xi32>
      %add3A_482 = arith.addi %mul3A_27, %add3A_481 : vector<16xi32>
      tpu.vector_store_idx %arg9[%add3A_482], %mul3A_478 : memref<24576xf32, #tpu.memory_space<vmem>>[vector<16xi32>], vector<16xf32>,
      %add3A_483 = arith.constant 7 : i32
      %add3A_484 = vector.broadcast %add3A_483 : i32 to vector<16xi32>
      %add3A_485 = arith.addi %mul3A_27, %add3A_484 : vector<16xi32>
      tpu.vector_store_idx %arg9[%add3A_485], %mul3A_479 : memref<24576xf32, #tpu.memory_space<vmem>>[vector<16xi32>], vector<16xf32>,
      %max3A_486 = arith.maximumf %add3A_288, %add3A_297 : vector<16xf32>
      %max3A_487 = arith.maximumf %max3A_486, %add3A_306 : vector<16xf32>
      %max3A_488 = arith.maximumf %max3A_487, %add3A_315 : vector<16xf32>
      %max3A_489 = arith.maximumf %max3A_488, %add3A_324 : vector<16xf32>
      %sub3A_490 = arith.subf %add3A_288, %max3A_489 : vector<16xf32>
      %exp3A_491 = math.exp %sub3A_490 : vector<16xf32>
      %sub3A_492 = arith.subf %add3A_297, %max3A_489 : vector<16xf32>
      %exp3A_493 = math.exp %sub3A_492 : vector<16xf32>
      %sub3A_494 = arith.subf %add3A_306, %max3A_489 : vector<16xf32>
      %exp3A_495 = math.exp %sub3A_494 : vector<16xf32>
      %sub3A_496 = arith.subf %add3A_315, %max3A_489 : vector<16xf32>
      %exp3A_497 = math.exp %sub3A_496 : vector<16xf32>
      %sub3A_498 = arith.subf %add3A_324, %max3A_489 : vector<16xf32>
      %exp3A_499 = math.exp %sub3A_498 : vector<16xf32>
      %add3A_500 = arith.addf %exp3A_491, %exp3A_493 : vector<16xf32>
      %add3A_501 = arith.addf %add3A_500, %exp3A_495 : vector<16xf32>
      %add3A_502 = arith.addf %add3A_501, %exp3A_497 : vector<16xf32>
      %add3A_503 = arith.addf %add3A_502, %exp3A_499 : vector<16xf32>
      %div3A_504 = arith.constant 1.000000e+00 : f32
      %div3A_505 = vector.broadcast %div3A_504 : f32 to vector<16xf32>
      %div3A_506 = arith.divf %div3A_505, %add3A_503 : vector<16xf32>
      %mul3A_507 = arith.mulf %exp3A_491, %div3A_506 : vector<16xf32>
      %mul3A_508 = arith.mulf %exp3A_493, %div3A_506 : vector<16xf32>
      %mul3A_509 = arith.mulf %exp3A_495, %div3A_506 : vector<16xf32>
      %mul3A_510 = arith.mulf %exp3A_497, %div3A_506 : vector<16xf32>
      %mul3A_511 = arith.mulf %exp3A_499, %div3A_506 : vector<16xf32>
      %add3A_512 = arith.constant 8 : i32
      %add3A_513 = vector.broadcast %add3A_512 : i32 to vector<16xi32>
      %add3A_514 = arith.addi %mul3A_27, %add3A_513 : vector<16xi32>
      tpu.vector_store_idx %arg9[%add3A_514], %mul3A_507 : memref<24576xf32, #tpu.memory_space<vmem>>[vector<16xi32>], vector<16xf32>,
      %add3A_515 = arith.constant 9 : i32
      %add3A_516 = vector.broadcast %add3A_515 : i32 to vector<16xi32>
      %add3A_517 = arith.addi %mul3A_27, %add3A_516 : vector<16xi32>
      tpu.vector_store_idx %arg9[%add3A_517], %mul3A_508 : memref<24576xf32, #tpu.memory_space<vmem>>[vector<16xi32>], vector<16xf32>,
      %add3A_518 = arith.constant 10 : i32
      %add3A_519 = vector.broadcast %add3A_518 : i32 to vector<16xi32>
      %add3A_520 = arith.addi %mul3A_27, %add3A_519 : vector<16xi32>
      tpu.vector_store_idx %arg9[%add3A_520], %mul3A_509 : memref<24576xf32, #tpu.memory_space<vmem>>[vector<16xi32>], vector<16xf32>,
      %add3A_521 = arith.constant 11 : i32
      %add3A_522 = vector.broadcast %add3A_521 : i32 to vector<16xi32>
      %add3A_523 = arith.addi %mul3A_27, %add3A_522 : vector<16xi32>
      tpu.vector_store_idx %arg9[%add3A_523], %mul3A_510 : memref<24576xf32, #tpu.memory_space<vmem>>[vector<16xi32>], vector<16xf32>,
      %add3A_524 = arith.constant 12 : i32
      %add3A_525 = vector.broadcast %add3A_524 : i32 to vector<16xi32>
      %add3A_526 = arith.addi %mul3A_27, %add3A_525 : vector<16xi32>
      tpu.vector_store_idx %arg9[%add3A_526], %mul3A_511 : memref<24576xf32, #tpu.memory_space<vmem>>[vector<16xi32>], vector<16xf32>,
      %max3A_527 = arith.maximumf %add3A_333, %add3A_342 : vector<16xf32>
      %sub3A_528 = arith.subf %add3A_333, %max3A_527 : vector<16xf32>
      %exp3A_529 = math.exp %sub3A_528 : vector<16xf32>
      %sub3A_530 = arith.subf %add3A_342, %max3A_527 : vector<16xf32>
      %exp3A_531 = math.exp %sub3A_530 : vector<16xf32>
      %add3A_532 = arith.addf %exp3A_529, %exp3A_531 : vector<16xf32>
      %div3A_533 = arith.constant 1.000000e+00 : f32
      %div3A_534 = vector.broadcast %div3A_533 : f32 to vector<16xf32>
      %div3A_535 = arith.divf %div3A_534, %add3A_532 : vector<16xf32>
      %mul3A_536 = arith.mulf %exp3A_529, %div3A_535 : vector<16xf32>
      %mul3A_537 = arith.mulf %exp3A_531, %div3A_535 : vector<16xf32>
      %add3A_538 = arith.constant 13 : i32
      %add3A_539 = vector.broadcast %add3A_538 : i32 to vector<16xi32>
      %add3A_540 = arith.addi %mul3A_27, %add3A_539 : vector<16xi32>
      tpu.vector_store_idx %arg9[%add3A_540], %mul3A_536 : memref<24576xf32, #tpu.memory_space<vmem>>[vector<16xi32>], vector<16xf32>,
      %add3A_541 = arith.constant 14 : i32
      %add3A_542 = vector.broadcast %add3A_541 : i32 to vector<16xi32>
      %add3A_543 = arith.addi %mul3A_27, %add3A_542 : vector<16xi32>
      tpu.vector_store_idx %arg9[%add3A_543], %mul3A_537 : memref<24576xf32, #tpu.memory_space<vmem>>[vector<16xi32>], vector<16xf32>,
      %max3A_544 = arith.maximumf %add3A_351, %add3A_360 : vector<16xf32>
      %max3A_545 = arith.maximumf %max3A_544, %add3A_369 : vector<16xf32>
      %sub3A_546 = arith.subf %add3A_351, %max3A_545 : vector<16xf32>
      %exp3A_547 = math.exp %sub3A_546 : vector<16xf32>
      %sub3A_548 = arith.subf %add3A_360, %max3A_545 : vector<16xf32>
      %exp3A_549 = math.exp %sub3A_548 : vector<16xf32>
      %sub3A_550 = arith.subf %add3A_369, %max3A_545 : vector<16xf32>
      %exp3A_551 = math.exp %sub3A_550 : vector<16xf32>
      %add3A_552 = arith.addf %exp3A_547, %exp3A_549 : vector<16xf32>
      %add3A_553 = arith.addf %add3A_552, %exp3A_551 : vector<16xf32>
      %div3A_554 = arith.constant 1.000000e+00 : f32
      %div3A_555 = vector.broadcast %div3A_554 : f32 to vector<16xf32>
      %div3A_556 = arith.divf %div3A_555, %add3A_553 : vector<16xf32>
      %mul3A_557 = arith.mulf %exp3A_547, %div3A_556 : vector<16xf32>
      %mul3A_558 = arith.mulf %exp3A_549, %div3A_556 : vector<16xf32>
      %mul3A_559 = arith.mulf %exp3A_551, %div3A_556 : vector<16xf32>
      %add3A_560 = arith.constant 15 : i32
      %add3A_561 = vector.broadcast %add3A_560 : i32 to vector<16xi32>
      %add3A_562 = arith.addi %mul3A_27, %add3A_561 : vector<16xi32>
      tpu.vector_store_idx %arg9[%add3A_562], %mul3A_557 : memref<24576xf32, #tpu.memory_space<vmem>>[vector<16xi32>], vector<16xf32>,
      %add3A_563 = arith.constant 16 : i32
      %add3A_564 = vector.broadcast %add3A_563 : i32 to vector<16xi32>
      %add3A_565 = arith.addi %mul3A_27, %add3A_564 : vector<16xi32>
      tpu.vector_store_idx %arg9[%add3A_565], %mul3A_558 : memref<24576xf32, #tpu.memory_space<vmem>>[vector<16xi32>], vector<16xf32>,
      %add3A_566 = arith.constant 17 : i32
      %add3A_567 = vector.broadcast %add3A_566 : i32 to vector<16xi32>
      %add3A_568 = arith.addi %mul3A_27, %add3A_567 : vector<16xi32>
      tpu.vector_store_idx %arg9[%add3A_568], %mul3A_559 : memref<24576xf32, #tpu.memory_space<vmem>>[vector<16xi32>], vector<16xf32>,
      %max3A_569 = arith.maximumf %add3A_378, %add3A_387 : vector<16xf32>
      %sub3A_570 = arith.subf %add3A_378, %max3A_569 : vector<16xf32>
      %exp3A_571 = math.exp %sub3A_570 : vector<16xf32>
      %sub3A_572 = arith.subf %add3A_387, %max3A_569 : vector<16xf32>
      %exp3A_573 = math.exp %sub3A_572 : vector<16xf32>
      %add3A_574 = arith.addf %exp3A_571, %exp3A_573 : vector<16xf32>
      %div3A_575 = arith.constant 1.000000e+00 : f32
      %div3A_576 = vector.broadcast %div3A_575 : f32 to vector<16xf32>
      %div3A_577 = arith.divf %div3A_576, %add3A_574 : vector<16xf32>
      %mul3A_578 = arith.mulf %exp3A_571, %div3A_577 : vector<16xf32>
      %mul3A_579 = arith.mulf %exp3A_573, %div3A_577 : vector<16xf32>
      %add3A_580 = arith.constant 18 : i32
      %add3A_581 = vector.broadcast %add3A_580 : i32 to vector<16xi32>
      %add3A_582 = arith.addi %mul3A_27, %add3A_581 : vector<16xi32>
      tpu.vector_store_idx %arg9[%add3A_582], %mul3A_578 : memref<24576xf32, #tpu.memory_space<vmem>>[vector<16xi32>], vector<16xf32>,
      %add3A_583 = arith.constant 19 : i32
      %add3A_584 = vector.broadcast %add3A_583 : i32 to vector<16xi32>
      %add3A_585 = arith.addi %mul3A_27, %add3A_584 : vector<16xi32>
      tpu.vector_store_idx %arg9[%add3A_585], %mul3A_579 : memref<24576xf32, #tpu.memory_space<vmem>>[vector<16xi32>], vector<16xf32>,
      %max3A_586 = arith.maximumf %add3A_396, %add3A_405 : vector<16xf32>
      %max3A_587 = arith.maximumf %max3A_586, %add3A_414 : vector<16xf32>
      %sub3A_588 = arith.subf %add3A_396, %max3A_587 : vector<16xf32>
      %exp3A_589 = math.exp %sub3A_588 : vector<16xf32>
      %sub3A_590 = arith.subf %add3A_405, %max3A_587 : vector<16xf32>
      %exp3A_591 = math.exp %sub3A_590 : vector<16xf32>
      %sub3A_592 = arith.subf %add3A_414, %max3A_587 : vector<16xf32>
      %exp3A_593 = math.exp %sub3A_592 : vector<16xf32>
      %add3A_594 = arith.addf %exp3A_589, %exp3A_591 : vector<16xf32>
      %add3A_595 = arith.addf %add3A_594, %exp3A_593 : vector<16xf32>
      %div3A_596 = arith.constant 1.000000e+00 : f32
      %div3A_597 = vector.broadcast %div3A_596 : f32 to vector<16xf32>
      %div3A_598 = arith.divf %div3A_597, %add3A_595 : vector<16xf32>
      %mul3A_599 = arith.mulf %exp3A_589, %div3A_598 : vector<16xf32>
      %mul3A_600 = arith.mulf %exp3A_591, %div3A_598 : vector<16xf32>
      %mul3A_601 = arith.mulf %exp3A_593, %div3A_598 : vector<16xf32>
      %add3A_602 = arith.constant 20 : i32
      %add3A_603 = vector.broadcast %add3A_602 : i32 to vector<16xi32>
      %add3A_604 = arith.addi %mul3A_27, %add3A_603 : vector<16xi32>
      tpu.vector_store_idx %arg9[%add3A_604], %mul3A_599 : memref<24576xf32, #tpu.memory_space<vmem>>[vector<16xi32>], vector<16xf32>,
      %add3A_605 = arith.constant 21 : i32
      %add3A_606 = vector.broadcast %add3A_605 : i32 to vector<16xi32>
      %add3A_607 = arith.addi %mul3A_27, %add3A_606 : vector<16xi32>
      tpu.vector_store_idx %arg9[%add3A_607], %mul3A_600 : memref<24576xf32, #tpu.memory_space<vmem>>[vector<16xi32>], vector<16xf32>,
      %add3A_608 = arith.constant 22 : i32
      %add3A_609 = vector.broadcast %add3A_608 : i32 to vector<16xi32>
      %add3A_610 = arith.addi %mul3A_27, %add3A_609 : vector<16xi32>
      tpu.vector_store_idx %arg9[%add3A_610], %mul3A_601 : memref<24576xf32, #tpu.memory_space<vmem>>[vector<16xi32>], vector<16xf32>,
      %broadcast_in_dim3A = arith.constant 1.000000e+00 : f32
      %broadcast_in_dim3A_611 = vector.broadcast %broadcast_in_dim3A : f32 to vector<16xf32>
      %add3A_612 = arith.constant 23 : i32
      %add3A_613 = vector.broadcast %add3A_612 : i32 to vector<16xi32>
      %add3A_614 = arith.addi %mul3A_27, %add3A_613 : vector<16xi32>
      tpu.vector_store_idx %arg9[%add3A_614], %broadcast_in_dim3A_611 : memref<24576xf32, #tpu.memory_space<vmem>>[vector<16xi32>], vector<16xf32>,
      %get3A_615 = arith.constant 2320 : index
      %get3A_616 = tpu.vector_load %arg8[%get3A_615] {strides = array<i32>} : memref<2336xf32, #tpu.memory_space<vmem>>, vector<16xf32>,
      %get3A_617 = arith.constant 384 : index
      %get3A_618 = tpu.vector_load %arg8[%get3A_617] {strides = array<i32>} : memref<2336xf32, #tpu.memory_space<vmem>>, vector<16xf32>,
      %mul3A_619 = arith.mulf %get3A_616, %gather3A : vector<16xf32>
      %add3A_620 = arith.addf %gather3A_166, %mul3A_619 : vector<16xf32>
      %add3A_621 = arith.addf %add3A_620, %get3A_618 : vector<16xf32>
      %get3A_622 = arith.constant 480 : index
      %get3A_623 = tpu.vector_load %arg8[%get3A_622] {strides = array<i32>} : memref<2336xf32, #tpu.memory_space<vmem>>, vector<16xf32>,
      %mul3A_624 = arith.mulf %get3A_616, %gather3A_34 : vector<16xf32>
      %add3A_625 = arith.addf %gather3A_166, %mul3A_624 : vector<16xf32>
      %add3A_626 = arith.addf %add3A_625, %get3A_623 : vector<16xf32>
      %get3A_627 = arith.constant 512 : index
      %get3A_628 = tpu.vector_load %arg8[%get3A_627] {strides = array<i32>} : memref<2336xf32, #tpu.memory_space<vmem>>, vector<16xf32>,
      %mul3A_629 = arith.mulf %get3A_616, %gather3A_38 : vector<16xf32>
      %add3A_630 = arith.addf %gather3A_166, %mul3A_629 : vector<16xf32>
      %add3A_631 = arith.addf %add3A_630, %get3A_628 : vector<16xf32>
      %get3A_632 = arith.constant 592 : index
      %get3A_633 = tpu.vector_load %arg8[%get3A_632] {strides = array<i32>} : memref<2336xf32, #tpu.memory_space<vmem>>, vector<16xf32>,
      %mul3A_634 = arith.mulf %get3A_616, %gather3A_42 : vector<16xf32>
      %add3A_635 = arith.addf %gather3A_166, %mul3A_634 : vector<16xf32>
      %add3A_636 = arith.addf %add3A_635, %get3A_633 : vector<16xf32>
      %get3A_637 = arith.constant 624 : index
      %get3A_638 = tpu.vector_load %arg8[%get3A_637] {strides = array<i32>} : memref<2336xf32, #tpu.memory_space<vmem>>, vector<16xf32>,
      %mul3A_639 = arith.mulf %get3A_616, %gather3A_46 : vector<16xf32>
      %add3A_640 = arith.addf %gather3A_166, %mul3A_639 : vector<16xf32>
      %add3A_641 = arith.addf %add3A_640, %get3A_638 : vector<16xf32>
      %get3A_642 = arith.constant 672 : index
      %get3A_643 = tpu.vector_load %arg8[%get3A_642] {strides = array<i32>} : memref<2336xf32, #tpu.memory_space<vmem>>, vector<16xf32>,
      %mul3A_644 = arith.mulf %get3A_616, %gather3A_50 : vector<16xf32>
      %add3A_645 = arith.addf %gather3A_166, %mul3A_644 : vector<16xf32>
      %add3A_646 = arith.addf %add3A_645, %get3A_643 : vector<16xf32>
      %get3A_647 = arith.constant 704 : index
      %get3A_648 = tpu.vector_load %arg8[%get3A_647] {strides = array<i32>} : memref<2336xf32, #tpu.memory_space<vmem>>, vector<16xf32>,
      %mul3A_649 = arith.mulf %get3A_616, %gather3A_66 : vector<16xf32>
      %add3A_650 = arith.addf %gather3A_166, %mul3A_649 : vector<16xf32>
      %add3A_651 = arith.addf %add3A_650, %get3A_648 : vector<16xf32>
      %get3A_652 = arith.constant 752 : index
      %get3A_653 = tpu.vector_load %arg8[%get3A_652] {strides = array<i32>} : memref<2336xf32, #tpu.memory_space<vmem>>, vector<16xf32>,
      %mul3A_654 = arith.mulf %get3A_616, %gather3A_70 : vector<16xf32>
      %add3A_655 = arith.addf %gather3A_166, %mul3A_654 : vector<16xf32>
      %add3A_656 = arith.addf %add3A_655, %get3A_653 : vector<16xf32>
      %get3A_657 = arith.constant 1152 : index
      %get3A_658 = tpu.vector_load %arg8[%get3A_657] {strides = array<i32>} : memref<2336xf32, #tpu.memory_space<vmem>>, vector<16xf32>,
      %get3A_659 = arith.constant 1920 : index
      %get3A_660 = tpu.vector_load %arg8[%get3A_659] {strides = array<i32>} : memref<2336xf32, #tpu.memory_space<vmem>>, vector<16xf32>,
      %mul3A_661 = arith.mulf %gather3A_38, %add3A_621 : vector<16xf32>
      %add3A_662 = arith.addf %mul3A_661, %gather3A_126 : vector<16xf32>
      %mul3A_663 = arith.mulf %get3A_658, %gather3A : vector<16xf32>
      %add3A_664 = arith.addf %add3A_662, %mul3A_663 : vector<16xf32>
      %add3A_665 = arith.addf %add3A_664, %get3A_660 : vector<16xf32>
      %get3A_666 = arith.constant 1168 : index
      %get3A_667 = tpu.vector_load %arg8[%get3A_666] {strides = array<i32>} : memref<2336xf32, #tpu.memory_space<vmem>>, vector<16xf32>,
      %get3A_668 = arith.constant 1936 : index
      %get3A_669 = tpu.vector_load %arg8[%get3A_668] {strides = array<i32>} : memref<2336xf32, #tpu.memory_space<vmem>>, vector<16xf32>,
      %mul3A_670 = arith.mulf %gather3A_42, %add3A_621 : vector<16xf32>
      %add3A_671 = arith.addf %mul3A_670, %gather3A_130 : vector<16xf32>
      %mul3A_672 = arith.mulf %get3A_667, %gather3A : vector<16xf32>
      %add3A_673 = arith.addf %add3A_671, %mul3A_672 : vector<16xf32>
      %add3A_674 = arith.addf %add3A_673, %get3A_669 : vector<16xf32>
      %get3A_675 = arith.constant 1184 : index
      %get3A_676 = tpu.vector_load %arg8[%get3A_675] {strides = array<i32>} : memref<2336xf32, #tpu.memory_space<vmem>>, vector<16xf32>,
      %get3A_677 = arith.constant 1952 : index
      %get3A_678 = tpu.vector_load %arg8[%get3A_677] {strides = array<i32>} : memref<2336xf32, #tpu.memory_space<vmem>>, vector<16xf32>,
      %mul3A_679 = arith.mulf %gather3A_50, %add3A_621 : vector<16xf32>
      %add3A_680 = arith.addf %mul3A_679, %gather3A_138 : vector<16xf32>
      %mul3A_681 = arith.mulf %get3A_676, %gather3A : vector<16xf32>
      %add3A_682 = arith.addf %add3A_680, %mul3A_681 : vector<16xf32>
      %add3A_683 = arith.addf %add3A_682, %get3A_678 : vector<16xf32>
      %get3A_684 = arith.constant 1200 : index
      %get3A_685 = tpu.vector_load %arg8[%get3A_684] {strides = array<i32>} : memref<2336xf32, #tpu.memory_space<vmem>>, vector<16xf32>,
      %get3A_686 = arith.constant 1968 : index
      %get3A_687 = tpu.vector_load %arg8[%get3A_686] {strides = array<i32>} : memref<2336xf32, #tpu.memory_space<vmem>>, vector<16xf32>,
      %mul3A_688 = arith.mulf %gather3A_54, %add3A_621 : vector<16xf32>
      %add3A_689 = arith.addf %mul3A_688, %gather3A_142 : vector<16xf32>
      %mul3A_690 = arith.mulf %get3A_685, %gather3A : vector<16xf32>
      %add3A_691 = arith.addf %add3A_689, %mul3A_690 : vector<16xf32>
      %add3A_692 = arith.addf %add3A_691, %get3A_687 : vector<16xf32>
      %get3A_693 = arith.constant 1216 : index
      %get3A_694 = tpu.vector_load %arg8[%get3A_693] {strides = array<i32>} : memref<2336xf32, #tpu.memory_space<vmem>>, vector<16xf32>,
      %get3A_695 = arith.constant 1984 : index
      %get3A_696 = tpu.vector_load %arg8[%get3A_695] {strides = array<i32>} : memref<2336xf32, #tpu.memory_space<vmem>>, vector<16xf32>,
      %mul3A_697 = arith.mulf %gather3A_58, %add3A_621 : vector<16xf32>
      %add3A_698 = arith.addf %mul3A_697, %gather3A_146 : vector<16xf32>
      %mul3A_699 = arith.mulf %get3A_694, %gather3A : vector<16xf32>
      %add3A_700 = arith.addf %add3A_698, %mul3A_699 : vector<16xf32>
      %add3A_701 = arith.addf %add3A_700, %get3A_696 : vector<16xf32>
      %get3A_702 = arith.constant 1232 : index
      %get3A_703 = tpu.vector_load %arg8[%get3A_702] {strides = array<i32>} : memref<2336xf32, #tpu.memory_space<vmem>>, vector<16xf32>,
      %get3A_704 = arith.constant 2000 : index
      %get3A_705 = tpu.vector_load %arg8[%get3A_704] {strides = array<i32>} : memref<2336xf32, #tpu.memory_space<vmem>>, vector<16xf32>,
      %mul3A_706 = arith.mulf %gather3A_66, %add3A_621 : vector<16xf32>
      %add3A_707 = arith.addf %mul3A_706, %gather3A_154 : vector<16xf32>
      %mul3A_708 = arith.mulf %get3A_703, %gather3A : vector<16xf32>
      %add3A_709 = arith.addf %add3A_707, %mul3A_708 : vector<16xf32>
      %add3A_710 = arith.addf %add3A_709, %get3A_705 : vector<16xf32>
      %get3A_711 = arith.constant 1248 : index
      %get3A_712 = tpu.vector_load %arg8[%get3A_711] {strides = array<i32>} : memref<2336xf32, #tpu.memory_space<vmem>>, vector<16xf32>,
      %get3A_713 = arith.constant 2016 : index
      %get3A_714 = tpu.vector_load %arg8[%get3A_713] {strides = array<i32>} : memref<2336xf32, #tpu.memory_space<vmem>>, vector<16xf32>,
      %mul3A_715 = arith.mulf %gather3A_38, %add3A_626 : vector<16xf32>
      %add3A_716 = arith.addf %mul3A_715, %gather3A_126 : vector<16xf32>
      %mul3A_717 = arith.mulf %get3A_712, %gather3A_34 : vector<16xf32>
      %add3A_718 = arith.addf %add3A_716, %mul3A_717 : vector<16xf32>
      %add3A_719 = arith.addf %add3A_718, %get3A_714 : vector<16xf32>
      %get3A_720 = arith.constant 1264 : index
      %get3A_721 = tpu.vector_load %arg8[%get3A_720] {strides = array<i32>} : memref<2336xf32, #tpu.memory_space<vmem>>, vector<16xf32>,
      %get3A_722 = arith.constant 2032 : index
      %get3A_723 = tpu.vector_load %arg8[%get3A_722] {strides = array<i32>} : memref<2336xf32, #tpu.memory_space<vmem>>, vector<16xf32>,
      %mul3A_724 = arith.mulf %gather3A_70, %add3A_626 : vector<16xf32>
      %add3A_725 = arith.addf %mul3A_724, %gather3A_158 : vector<16xf32>
      %mul3A_726 = arith.mulf %get3A_721, %gather3A_34 : vector<16xf32>
      %add3A_727 = arith.addf %add3A_725, %mul3A_726 : vector<16xf32>
      %add3A_728 = arith.addf %add3A_727, %get3A_723 : vector<16xf32>
      %get3A_729 = arith.constant 1280 : index
      %get3A_730 = tpu.vector_load %arg8[%get3A_729] {strides = array<i32>} : memref<2336xf32, #tpu.memory_space<vmem>>, vector<16xf32>,
      %get3A_731 = arith.constant 2048 : index
      %get3A_732 = tpu.vector_load %arg8[%get3A_731] {strides = array<i32>} : memref<2336xf32, #tpu.memory_space<vmem>>, vector<16xf32>,
      %mul3A_733 = arith.mulf %gather3A, %add3A_631 : vector<16xf32>
      %add3A_734 = arith.addf %mul3A_733, %gather3A_118 : vector<16xf32>
      %mul3A_735 = arith.mulf %get3A_730, %gather3A_38 : vector<16xf32>
      %add3A_736 = arith.addf %add3A_734, %mul3A_735 : vector<16xf32>
      %add3A_737 = arith.addf %add3A_736, %get3A_732 : vector<16xf32>
      %get3A_738 = arith.constant 1296 : index
      %get3A_739 = tpu.vector_load %arg8[%get3A_738] {strides = array<i32>} : memref<2336xf32, #tpu.memory_space<vmem>>, vector<16xf32>,
      %get3A_740 = arith.constant 2064 : index
      %get3A_741 = tpu.vector_load %arg8[%get3A_740] {strides = array<i32>} : memref<2336xf32, #tpu.memory_space<vmem>>, vector<16xf32>,
      %mul3A_742 = arith.mulf %gather3A_34, %add3A_631 : vector<16xf32>
      %add3A_743 = arith.addf %mul3A_742, %gather3A_122 : vector<16xf32>
      %mul3A_744 = arith.mulf %get3A_739, %gather3A_38 : vector<16xf32>
      %add3A_745 = arith.addf %add3A_743, %mul3A_744 : vector<16xf32>
      %add3A_746 = arith.addf %add3A_745, %get3A_741 : vector<16xf32>
      %get3A_747 = arith.constant 1312 : index
      %get3A_748 = tpu.vector_load %arg8[%get3A_747] {strides = array<i32>} : memref<2336xf32, #tpu.memory_space<vmem>>, vector<16xf32>,
      %get3A_749 = arith.constant 2080 : index
      %get3A_750 = tpu.vector_load %arg8[%get3A_749] {strides = array<i32>} : memref<2336xf32, #tpu.memory_space<vmem>>, vector<16xf32>,
      %mul3A_751 = arith.mulf %gather3A_50, %add3A_631 : vector<16xf32>
      %add3A_752 = arith.addf %mul3A_751, %gather3A_138 : vector<16xf32>
      %mul3A_753 = arith.mulf %get3A_748, %gather3A_38 : vector<16xf32>
      %add3A_754 = arith.addf %add3A_752, %mul3A_753 : vector<16xf32>
      %add3A_755 = arith.addf %add3A_754, %get3A_750 : vector<16xf32>
      %get3A_756 = arith.constant 1328 : index
      %get3A_757 = tpu.vector_load %arg8[%get3A_756] {strides = array<i32>} : memref<2336xf32, #tpu.memory_space<vmem>>, vector<16xf32>,
      %get3A_758 = arith.constant 2096 : index
      %get3A_759 = tpu.vector_load %arg8[%get3A_758] {strides = array<i32>} : memref<2336xf32, #tpu.memory_space<vmem>>, vector<16xf32>,
      %mul3A_760 = arith.mulf %gather3A_54, %add3A_631 : vector<16xf32>
      %add3A_761 = arith.addf %mul3A_760, %gather3A_142 : vector<16xf32>
      %mul3A_762 = arith.mulf %get3A_757, %gather3A_38 : vector<16xf32>
      %add3A_763 = arith.addf %add3A_761, %mul3A_762 : vector<16xf32>
      %add3A_764 = arith.addf %add3A_763, %get3A_759 : vector<16xf32>
      %get3A_765 = arith.constant 1344 : index
      %get3A_766 = tpu.vector_load %arg8[%get3A_765] {strides = array<i32>} : memref<2336xf32, #tpu.memory_space<vmem>>, vector<16xf32>,
      %get3A_767 = arith.constant 2112 : index
      %get3A_768 = tpu.vector_load %arg8[%get3A_767] {strides = array<i32>} : memref<2336xf32, #tpu.memory_space<vmem>>, vector<16xf32>,
      %mul3A_769 = arith.mulf %gather3A_66, %add3A_631 : vector<16xf32>
      %add3A_770 = arith.addf %mul3A_769, %gather3A_154 : vector<16xf32>
      %mul3A_771 = arith.mulf %get3A_766, %gather3A_38 : vector<16xf32>
      %add3A_772 = arith.addf %add3A_770, %mul3A_771 : vector<16xf32>
      %add3A_773 = arith.addf %add3A_772, %get3A_768 : vector<16xf32>
      %get3A_774 = arith.constant 1360 : index
      %get3A_775 = tpu.vector_load %arg8[%get3A_774] {strides = array<i32>} : memref<2336xf32, #tpu.memory_space<vmem>>, vector<16xf32>,
      %get3A_776 = arith.constant 2128 : index
      %get3A_777 = tpu.vector_load %arg8[%get3A_776] {strides = array<i32>} : memref<2336xf32, #tpu.memory_space<vmem>>, vector<16xf32>,
      %mul3A_778 = arith.mulf %gather3A, %add3A_636 : vector<16xf32>
      %add3A_779 = arith.addf %mul3A_778, %gather3A_118 : vector<16xf32>
      %mul3A_780 = arith.mulf %get3A_775, %gather3A_42 : vector<16xf32>
      %add3A_781 = arith.addf %add3A_779, %mul3A_780 : vector<16xf32>
      %add3A_782 = arith.addf %add3A_781, %get3A_777 : vector<16xf32>
      %get3A_783 = arith.constant 1376 : index
      %get3A_784 = tpu.vector_load %arg8[%get3A_783] {strides = array<i32>} : memref<2336xf32, #tpu.memory_space<vmem>>, vector<16xf32>,
      %get3A_785 = arith.constant 2144 : index
      %get3A_786 = tpu.vector_load %arg8[%get3A_785] {strides = array<i32>} : memref<2336xf32, #tpu.memory_space<vmem>>, vector<16xf32>,
      %mul3A_787 = arith.mulf %gather3A_70, %add3A_636 : vector<16xf32>
      %add3A_788 = arith.addf %mul3A_787, %gather3A_158 : vector<16xf32>
      %mul3A_789 = arith.mulf %get3A_784, %gather3A_42 : vector<16xf32>
      %add3A_790 = arith.addf %add3A_788, %mul3A_789 : vector<16xf32>
      %add3A_791 = arith.addf %add3A_790, %get3A_786 : vector<16xf32>
      %get3A_792 = arith.constant 1392 : index
      %get3A_793 = tpu.vector_load %arg8[%get3A_792] {strides = array<i32>} : memref<2336xf32, #tpu.memory_space<vmem>>, vector<16xf32>,
      %get3A_794 = arith.constant 2160 : index
      %get3A_795 = tpu.vector_load %arg8[%get3A_794] {strides = array<i32>} : memref<2336xf32, #tpu.memory_space<vmem>>, vector<16xf32>,
      %mul3A_796 = arith.mulf %gather3A, %add3A_641 : vector<16xf32>
      %add3A_797 = arith.addf %mul3A_796, %gather3A_118 : vector<16xf32>
      %mul3A_798 = arith.mulf %get3A_793, %gather3A_46 : vector<16xf32>
      %add3A_799 = arith.addf %add3A_797, %mul3A_798 : vector<16xf32>
      %add3A_800 = arith.addf %add3A_799, %get3A_795 : vector<16xf32>
      %get3A_801 = arith.constant 1408 : index
      %get3A_802 = tpu.vector_load %arg8[%get3A_801] {strides = array<i32>} : memref<2336xf32, #tpu.memory_space<vmem>>, vector<16xf32>,
      %get3A_803 = arith.constant 2176 : index
      %get3A_804 = tpu.vector_load %arg8[%get3A_803] {strides = array<i32>} : memref<2336xf32, #tpu.memory_space<vmem>>, vector<16xf32>,
      %mul3A_805 = arith.mulf %gather3A_62, %add3A_641 : vector<16xf32>
      %add3A_806 = arith.addf %mul3A_805, %gather3A_150 : vector<16xf32>
      %mul3A_807 = arith.mulf %get3A_802, %gather3A_46 : vector<16xf32>
      %add3A_808 = arith.addf %add3A_806, %mul3A_807 : vector<16xf32>
      %add3A_809 = arith.addf %add3A_808, %get3A_804 : vector<16xf32>
      %get3A_810 = arith.constant 1424 : index
      %get3A_811 = tpu.vector_load %arg8[%get3A_810] {strides = array<i32>} : memref<2336xf32, #tpu.memory_space<vmem>>, vector<16xf32>,
      %get3A_812 = arith.constant 2192 : index
      %get3A_813 = tpu.vector_load %arg8[%get3A_812] {strides = array<i32>} : memref<2336xf32, #tpu.memory_space<vmem>>, vector<16xf32>,
      %mul3A_814 = arith.mulf %gather3A_66, %add3A_641 : vector<16xf32>
      %add3A_815 = arith.addf %mul3A_814, %gather3A_154 : vector<16xf32>
      %mul3A_816 = arith.mulf %get3A_811, %gather3A_46 : vector<16xf32>
      %add3A_817 = arith.addf %add3A_815, %mul3A_816 : vector<16xf32>
      %add3A_818 = arith.addf %add3A_817, %get3A_813 : vector<16xf32>
      %get3A_819 = arith.constant 1440 : index
      %get3A_820 = tpu.vector_load %arg8[%get3A_819] {strides = array<i32>} : memref<2336xf32, #tpu.memory_space<vmem>>, vector<16xf32>,
      %get3A_821 = arith.constant 2208 : index
      %get3A_822 = tpu.vector_load %arg8[%get3A_821] {strides = array<i32>} : memref<2336xf32, #tpu.memory_space<vmem>>, vector<16xf32>,
      %mul3A_823 = arith.mulf %gather3A, %add3A_646 : vector<16xf32>
      %add3A_824 = arith.addf %mul3A_823, %gather3A_118 : vector<16xf32>
      %mul3A_825 = arith.mulf %get3A_820, %gather3A_50 : vector<16xf32>
      %add3A_826 = arith.addf %add3A_824, %mul3A_825 : vector<16xf32>
      %add3A_827 = arith.addf %add3A_826, %get3A_822 : vector<16xf32>
      %get3A_828 = arith.constant 1456 : index
      %get3A_829 = tpu.vector_load %arg8[%get3A_828] {strides = array<i32>} : memref<2336xf32, #tpu.memory_space<vmem>>, vector<16xf32>,
      %get3A_830 = arith.constant 2224 : index
      %get3A_831 = tpu.vector_load %arg8[%get3A_830] {strides = array<i32>} : memref<2336xf32, #tpu.memory_space<vmem>>, vector<16xf32>,
      %mul3A_832 = arith.mulf %gather3A_54, %add3A_646 : vector<16xf32>
      %add3A_833 = arith.addf %mul3A_832, %gather3A_142 : vector<16xf32>
      %mul3A_834 = arith.mulf %get3A_829, %gather3A_50 : vector<16xf32>
      %add3A_835 = arith.addf %add3A_833, %mul3A_834 : vector<16xf32>
      %add3A_836 = arith.addf %add3A_835, %get3A_831 : vector<16xf32>
      %get3A_837 = arith.constant 1472 : index
      %get3A_838 = tpu.vector_load %arg8[%get3A_837] {strides = array<i32>} : memref<2336xf32, #tpu.memory_space<vmem>>, vector<16xf32>,
      %get3A_839 = arith.constant 2240 : index
      %get3A_840 = tpu.vector_load %arg8[%get3A_839] {strides = array<i32>} : memref<2336xf32, #tpu.memory_space<vmem>>, vector<16xf32>,
      %mul3A_841 = arith.mulf %gather3A_46, %add3A_651 : vector<16xf32>
      %add3A_842 = arith.addf %mul3A_841, %gather3A_134 : vector<16xf32>
      %mul3A_843 = arith.mulf %get3A_838, %gather3A_66 : vector<16xf32>
      %add3A_844 = arith.addf %add3A_842, %mul3A_843 : vector<16xf32>
      %add3A_845 = arith.addf %add3A_844, %get3A_840 : vector<16xf32>
      %get3A_846 = arith.constant 1488 : index
      %get3A_847 = tpu.vector_load %arg8[%get3A_846] {strides = array<i32>} : memref<2336xf32, #tpu.memory_space<vmem>>, vector<16xf32>,
      %get3A_848 = arith.constant 2256 : index
      %get3A_849 = tpu.vector_load %arg8[%get3A_848] {strides = array<i32>} : memref<2336xf32, #tpu.memory_space<vmem>>, vector<16xf32>,
      %mul3A_850 = arith.mulf %gather3A_58, %add3A_651 : vector<16xf32>
      %add3A_851 = arith.addf %mul3A_850, %gather3A_146 : vector<16xf32>
      %mul3A_852 = arith.mulf %get3A_847, %gather3A_66 : vector<16xf32>
      %add3A_853 = arith.addf %add3A_851, %mul3A_852 : vector<16xf32>
      %add3A_854 = arith.addf %add3A_853, %get3A_849 : vector<16xf32>
      %get3A_855 = arith.constant 1504 : index
      %get3A_856 = tpu.vector_load %arg8[%get3A_855] {strides = array<i32>} : memref<2336xf32, #tpu.memory_space<vmem>>, vector<16xf32>,
      %get3A_857 = arith.constant 2272 : index
      %get3A_858 = tpu.vector_load %arg8[%get3A_857] {strides = array<i32>} : memref<2336xf32, #tpu.memory_space<vmem>>, vector<16xf32>,
      %mul3A_859 = arith.mulf %gather3A_62, %add3A_651 : vector<16xf32>
      %add3A_860 = arith.addf %mul3A_859, %gather3A_150 : vector<16xf32>
      %mul3A_861 = arith.mulf %get3A_856, %gather3A_66 : vector<16xf32>
      %add3A_862 = arith.addf %add3A_860, %mul3A_861 : vector<16xf32>
      %add3A_863 = arith.addf %add3A_862, %get3A_858 : vector<16xf32>
      %get3A_864 = arith.constant 1520 : index
      %get3A_865 = tpu.vector_load %arg8[%get3A_864] {strides = array<i32>} : memref<2336xf32, #tpu.memory_space<vmem>>, vector<16xf32>,
      %get3A_866 = arith.constant 2288 : index
      %get3A_867 = tpu.vector_load %arg8[%get3A_866] {strides = array<i32>} : memref<2336xf32, #tpu.memory_space<vmem>>, vector<16xf32>,
      %mul3A_868 = arith.mulf %gather3A_42, %add3A_656 : vector<16xf32>
      %add3A_869 = arith.addf %mul3A_868, %gather3A_130 : vector<16xf32>
      %mul3A_870 = arith.mulf %get3A_865, %gather3A_70 : vector<16xf32>
      %add3A_871 = arith.addf %add3A_869, %mul3A_870 : vector<16xf32>
      %add3A_872 = arith.addf %add3A_871, %get3A_867 : vector<16xf32>
      %max3A_873 = arith.maximumf %add3A_665, %add3A_674 : vector<16xf32>
      %max3A_874 = arith.maximumf %max3A_873, %add3A_683 : vector<16xf32>
      %max3A_875 = arith.maximumf %max3A_874, %add3A_692 : vector<16xf32>
      %max3A_876 = arith.maximumf %max3A_875, %add3A_701 : vector<16xf32>
      %max3A_877 = arith.maximumf %max3A_876, %add3A_710 : vector<16xf32>
      %sub3A_878 = arith.subf %add3A_665, %max3A_877 : vector<16xf32>
      %exp3A_879 = math.exp %sub3A_878 : vector<16xf32>
      %sub3A_880 = arith.subf %add3A_674, %max3A_877 : vector<16xf32>
      %exp3A_881 = math.exp %sub3A_880 : vector<16xf32>
      %sub3A_882 = arith.subf %add3A_683, %max3A_877 : vector<16xf32>
      %exp3A_883 = math.exp %sub3A_882 : vector<16xf32>
      %sub3A_884 = arith.subf %add3A_692, %max3A_877 : vector<16xf32>
      %exp3A_885 = math.exp %sub3A_884 : vector<16xf32>
      %sub3A_886 = arith.subf %add3A_701, %max3A_877 : vector<16xf32>
      %exp3A_887 = math.exp %sub3A_886 : vector<16xf32>
      %sub3A_888 = arith.subf %add3A_710, %max3A_877 : vector<16xf32>
      %exp3A_889 = math.exp %sub3A_888 : vector<16xf32>
      %add3A_890 = arith.addf %exp3A_879, %exp3A_881 : vector<16xf32>
      %add3A_891 = arith.addf %add3A_890, %exp3A_883 : vector<16xf32>
      %add3A_892 = arith.addf %add3A_891, %exp3A_885 : vector<16xf32>
      %add3A_893 = arith.addf %add3A_892, %exp3A_887 : vector<16xf32>
      %add3A_894 = arith.addf %add3A_893, %exp3A_889 : vector<16xf32>
      %div3A_895 = arith.constant 1.000000e+00 : f32
      %div3A_896 = vector.broadcast %div3A_895 : f32 to vector<16xf32>
      %div3A_897 = arith.divf %div3A_896, %add3A_894 : vector<16xf32>
      %mul3A_898 = arith.mulf %exp3A_879, %div3A_897 : vector<16xf32>
      %mul3A_899 = arith.mulf %exp3A_881, %div3A_897 : vector<16xf32>
      %mul3A_900 = arith.mulf %exp3A_883, %div3A_897 : vector<16xf32>
      %mul3A_901 = arith.mulf %exp3A_885, %div3A_897 : vector<16xf32>
      %mul3A_902 = arith.mulf %exp3A_887, %div3A_897 : vector<16xf32>
      %mul3A_903 = arith.mulf %exp3A_889, %div3A_897 : vector<16xf32>
      %add3A_904 = arith.constant 24 : i32
      %add3A_905 = vector.broadcast %add3A_904 : i32 to vector<16xi32>
      %add3A_906 = arith.addi %mul3A_27, %add3A_905 : vector<16xi32>
      tpu.vector_store_idx %arg9[%add3A_906], %mul3A_898 : memref<24576xf32, #tpu.memory_space<vmem>>[vector<16xi32>], vector<16xf32>,
      %add3A_907 = arith.constant 25 : i32
      %add3A_908 = vector.broadcast %add3A_907 : i32 to vector<16xi32>
      %add3A_909 = arith.addi %mul3A_27, %add3A_908 : vector<16xi32>
      tpu.vector_store_idx %arg9[%add3A_909], %mul3A_899 : memref<24576xf32, #tpu.memory_space<vmem>>[vector<16xi32>], vector<16xf32>,
      %add3A_910 = arith.constant 26 : i32
      %add3A_911 = vector.broadcast %add3A_910 : i32 to vector<16xi32>
      %add3A_912 = arith.addi %mul3A_27, %add3A_911 : vector<16xi32>
      tpu.vector_store_idx %arg9[%add3A_912], %mul3A_900 : memref<24576xf32, #tpu.memory_space<vmem>>[vector<16xi32>], vector<16xf32>,
      %add3A_913 = arith.constant 27 : i32
      %add3A_914 = vector.broadcast %add3A_913 : i32 to vector<16xi32>
      %add3A_915 = arith.addi %mul3A_27, %add3A_914 : vector<16xi32>
      tpu.vector_store_idx %arg9[%add3A_915], %mul3A_901 : memref<24576xf32, #tpu.memory_space<vmem>>[vector<16xi32>], vector<16xf32>,
      %add3A_916 = arith.constant 28 : i32
      %add3A_917 = vector.broadcast %add3A_916 : i32 to vector<16xi32>
      %add3A_918 = arith.addi %mul3A_27, %add3A_917 : vector<16xi32>
      tpu.vector_store_idx %arg9[%add3A_918], %mul3A_902 : memref<24576xf32, #tpu.memory_space<vmem>>[vector<16xi32>], vector<16xf32>,
      %add3A_919 = arith.constant 29 : i32
      %add3A_920 = vector.broadcast %add3A_919 : i32 to vector<16xi32>
      %add3A_921 = arith.addi %mul3A_27, %add3A_920 : vector<16xi32>
      tpu.vector_store_idx %arg9[%add3A_921], %mul3A_903 : memref<24576xf32, #tpu.memory_space<vmem>>[vector<16xi32>], vector<16xf32>,
      %max3A_922 = arith.maximumf %add3A_719, %add3A_728 : vector<16xf32>
      %sub3A_923 = arith.subf %add3A_719, %max3A_922 : vector<16xf32>
      %exp3A_924 = math.exp %sub3A_923 : vector<16xf32>
      %sub3A_925 = arith.subf %add3A_728, %max3A_922 : vector<16xf32>
      %exp3A_926 = math.exp %sub3A_925 : vector<16xf32>
      %add3A_927 = arith.addf %exp3A_924, %exp3A_926 : vector<16xf32>
      %div3A_928 = arith.constant 1.000000e+00 : f32
      %div3A_929 = vector.broadcast %div3A_928 : f32 to vector<16xf32>
      %div3A_930 = arith.divf %div3A_929, %add3A_927 : vector<16xf32>
      %mul3A_931 = arith.mulf %exp3A_924, %div3A_930 : vector<16xf32>
      %mul3A_932 = arith.mulf %exp3A_926, %div3A_930 : vector<16xf32>
      %add3A_933 = arith.constant 30 : i32
      %add3A_934 = vector.broadcast %add3A_933 : i32 to vector<16xi32>
      %add3A_935 = arith.addi %mul3A_27, %add3A_934 : vector<16xi32>
      tpu.vector_store_idx %arg9[%add3A_935], %mul3A_931 : memref<24576xf32, #tpu.memory_space<vmem>>[vector<16xi32>], vector<16xf32>,
      %add3A_936 = arith.constant 31 : i32
      %add3A_937 = vector.broadcast %add3A_936 : i32 to vector<16xi32>
      %add3A_938 = arith.addi %mul3A_27, %add3A_937 : vector<16xi32>
      tpu.vector_store_idx %arg9[%add3A_938], %mul3A_932 : memref<24576xf32, #tpu.memory_space<vmem>>[vector<16xi32>], vector<16xf32>,
      %max3A_939 = arith.maximumf %add3A_737, %add3A_746 : vector<16xf32>
      %max3A_940 = arith.maximumf %max3A_939, %add3A_755 : vector<16xf32>
      %max3A_941 = arith.maximumf %max3A_940, %add3A_764 : vector<16xf32>
      %max3A_942 = arith.maximumf %max3A_941, %add3A_773 : vector<16xf32>
      %sub3A_943 = arith.subf %add3A_737, %max3A_942 : vector<16xf32>
      %exp3A_944 = math.exp %sub3A_943 : vector<16xf32>
      %sub3A_945 = arith.subf %add3A_746, %max3A_942 : vector<16xf32>
      %exp3A_946 = math.exp %sub3A_945 : vector<16xf32>
      %sub3A_947 = arith.subf %add3A_755, %max3A_942 : vector<16xf32>
      %exp3A_948 = math.exp %sub3A_947 : vector<16xf32>
      %sub3A_949 = arith.subf %add3A_764, %max3A_942 : vector<16xf32>
      %exp3A_950 = math.exp %sub3A_949 : vector<16xf32>
      %sub3A_951 = arith.subf %add3A_773, %max3A_942 : vector<16xf32>
      %exp3A_952 = math.exp %sub3A_951 : vector<16xf32>
      %add3A_953 = arith.addf %exp3A_944, %exp3A_946 : vector<16xf32>
      %add3A_954 = arith.addf %add3A_953, %exp3A_948 : vector<16xf32>
      %add3A_955 = arith.addf %add3A_954, %exp3A_950 : vector<16xf32>
      %add3A_956 = arith.addf %add3A_955, %exp3A_952 : vector<16xf32>
      %div3A_957 = arith.constant 1.000000e+00 : f32
      %div3A_958 = vector.broadcast %div3A_957 : f32 to vector<16xf32>
      %div3A_959 = arith.divf %div3A_958, %add3A_956 : vector<16xf32>
      %mul3A_960 = arith.mulf %exp3A_944, %div3A_959 : vector<16xf32>
      %mul3A_961 = arith.mulf %exp3A_946, %div3A_959 : vector<16xf32>
      %mul3A_962 = arith.mulf %exp3A_948, %div3A_959 : vector<16xf32>
      %mul3A_963 = arith.mulf %exp3A_950, %div3A_959 : vector<16xf32>
      %mul3A_964 = arith.mulf %exp3A_952, %div3A_959 : vector<16xf32>
      %add3A_965 = arith.constant 32 : i32
      %add3A_966 = vector.broadcast %add3A_965 : i32 to vector<16xi32>
      %add3A_967 = arith.addi %mul3A_27, %add3A_966 : vector<16xi32>
      tpu.vector_store_idx %arg9[%add3A_967], %mul3A_960 : memref<24576xf32, #tpu.memory_space<vmem>>[vector<16xi32>], vector<16xf32>,
      %add3A_968 = arith.constant 33 : i32
      %add3A_969 = vector.broadcast %add3A_968 : i32 to vector<16xi32>
      %add3A_970 = arith.addi %mul3A_27, %add3A_969 : vector<16xi32>
      tpu.vector_store_idx %arg9[%add3A_970], %mul3A_961 : memref<24576xf32, #tpu.memory_space<vmem>>[vector<16xi32>], vector<16xf32>,
      %add3A_971 = arith.constant 34 : i32
      %add3A_972 = vector.broadcast %add3A_971 : i32 to vector<16xi32>
      %add3A_973 = arith.addi %mul3A_27, %add3A_972 : vector<16xi32>
      tpu.vector_store_idx %arg9[%add3A_973], %mul3A_962 : memref<24576xf32, #tpu.memory_space<vmem>>[vector<16xi32>], vector<16xf32>,
      %add3A_974 = arith.constant 35 : i32
      %add3A_975 = vector.broadcast %add3A_974 : i32 to vector<16xi32>
      %add3A_976 = arith.addi %mul3A_27, %add3A_975 : vector<16xi32>
      tpu.vector_store_idx %arg9[%add3A_976], %mul3A_963 : memref<24576xf32, #tpu.memory_space<vmem>>[vector<16xi32>], vector<16xf32>,
      %add3A_977 = arith.constant 36 : i32
      %add3A_978 = vector.broadcast %add3A_977 : i32 to vector<16xi32>
      %add3A_979 = arith.addi %mul3A_27, %add3A_978 : vector<16xi32>
      tpu.vector_store_idx %arg9[%add3A_979], %mul3A_964 : memref<24576xf32, #tpu.memory_space<vmem>>[vector<16xi32>], vector<16xf32>,
      %max3A_980 = arith.maximumf %add3A_782, %add3A_791 : vector<16xf32>
      %sub3A_981 = arith.subf %add3A_782, %max3A_980 : vector<16xf32>
      %exp3A_982 = math.exp %sub3A_981 : vector<16xf32>
      %sub3A_983 = arith.subf %add3A_791, %max3A_980 : vector<16xf32>
      %exp3A_984 = math.exp %sub3A_983 : vector<16xf32>
      %add3A_985 = arith.addf %exp3A_982, %exp3A_984 : vector<16xf32>
      %div3A_986 = arith.constant 1.000000e+00 : f32
      %div3A_987 = vector.broadcast %div3A_986 : f32 to vector<16xf32>
      %div3A_988 = arith.divf %div3A_987, %add3A_985 : vector<16xf32>
      %mul3A_989 = arith.mulf %exp3A_982, %div3A_988 : vector<16xf32>
      %mul3A_990 = arith.mulf %exp3A_984, %div3A_988 : vector<16xf32>
      %add3A_991 = arith.constant 37 : i32
      %add3A_992 = vector.broadcast %add3A_991 : i32 to vector<16xi32>
      %add3A_993 = arith.addi %mul3A_27, %add3A_992 : vector<16xi32>
      tpu.vector_store_idx %arg9[%add3A_993], %mul3A_989 : memref<24576xf32, #tpu.memory_space<vmem>>[vector<16xi32>], vector<16xf32>,
      %add3A_994 = arith.constant 38 : i32
      %add3A_995 = vector.broadcast %add3A_994 : i32 to vector<16xi32>
      %add3A_996 = arith.addi %mul3A_27, %add3A_995 : vector<16xi32>
      tpu.vector_store_idx %arg9[%add3A_996], %mul3A_990 : memref<24576xf32, #tpu.memory_space<vmem>>[vector<16xi32>], vector<16xf32>,
      %max3A_997 = arith.maximumf %add3A_800, %add3A_809 : vector<16xf32>
      %max3A_998 = arith.maximumf %max3A_997, %add3A_818 : vector<16xf32>
      %sub3A_999 = arith.subf %add3A_800, %max3A_998 : vector<16xf32>
      %exp3A_1000 = math.exp %sub3A_999 : vector<16xf32>
      %sub3A_1001 = arith.subf %add3A_809, %max3A_998 : vector<16xf32>
      %exp3A_1002 = math.exp %sub3A_1001 : vector<16xf32>
      %sub3A_1003 = arith.subf %add3A_818, %max3A_998 : vector<16xf32>
      %exp3A_1004 = math.exp %sub3A_1003 : vector<16xf32>
      %add3A_1005 = arith.addf %exp3A_1000, %exp3A_1002 : vector<16xf32>
      %add3A_1006 = arith.addf %add3A_1005, %exp3A_1004 : vector<16xf32>
      %div3A_1007 = arith.constant 1.000000e+00 : f32
      %div3A_1008 = vector.broadcast %div3A_1007 : f32 to vector<16xf32>
      %div3A_1009 = arith.divf %div3A_1008, %add3A_1006 : vector<16xf32>
      %mul3A_1010 = arith.mulf %exp3A_1000, %div3A_1009 : vector<16xf32>
      %mul3A_1011 = arith.mulf %exp3A_1002, %div3A_1009 : vector<16xf32>
      %mul3A_1012 = arith.mulf %exp3A_1004, %div3A_1009 : vector<16xf32>
      %add3A_1013 = arith.constant 39 : i32
      %add3A_1014 = vector.broadcast %add3A_1013 : i32 to vector<16xi32>
      %add3A_1015 = arith.addi %mul3A_27, %add3A_1014 : vector<16xi32>
      tpu.vector_store_idx %arg9[%add3A_1015], %mul3A_1010 : memref<24576xf32, #tpu.memory_space<vmem>>[vector<16xi32>], vector<16xf32>,
      %add3A_1016 = arith.constant 40 : i32
      %add3A_1017 = vector.broadcast %add3A_1016 : i32 to vector<16xi32>
      %add3A_1018 = arith.addi %mul3A_27, %add3A_1017 : vector<16xi32>
      tpu.vector_store_idx %arg9[%add3A_1018], %mul3A_1011 : memref<24576xf32, #tpu.memory_space<vmem>>[vector<16xi32>], vector<16xf32>,
      %add3A_1019 = arith.constant 41 : i32
      %add3A_1020 = vector.broadcast %add3A_1019 : i32 to vector<16xi32>
      %add3A_1021 = arith.addi %mul3A_27, %add3A_1020 : vector<16xi32>
      tpu.vector_store_idx %arg9[%add3A_1021], %mul3A_1012 : memref<24576xf32, #tpu.memory_space<vmem>>[vector<16xi32>], vector<16xf32>,
      %max3A_1022 = arith.maximumf %add3A_827, %add3A_836 : vector<16xf32>
      %sub3A_1023 = arith.subf %add3A_827, %max3A_1022 : vector<16xf32>
      %exp3A_1024 = math.exp %sub3A_1023 : vector<16xf32>
      %sub3A_1025 = arith.subf %add3A_836, %max3A_1022 : vector<16xf32>
      %exp3A_1026 = math.exp %sub3A_1025 : vector<16xf32>
      %add3A_1027 = arith.addf %exp3A_1024, %exp3A_1026 : vector<16xf32>
      %div3A_1028 = arith.constant 1.000000e+00 : f32
      %div3A_1029 = vector.broadcast %div3A_1028 : f32 to vector<16xf32>
      %div3A_1030 = arith.divf %div3A_1029, %add3A_1027 : vector<16xf32>
      %mul3A_1031 = arith.mulf %exp3A_1024, %div3A_1030 : vector<16xf32>
      %mul3A_1032 = arith.mulf %exp3A_1026, %div3A_1030 : vector<16xf32>
      %add3A_1033 = arith.constant 42 : i32
      %add3A_1034 = vector.broadcast %add3A_1033 : i32 to vector<16xi32>
      %add3A_1035 = arith.addi %mul3A_27, %add3A_1034 : vector<16xi32>
      tpu.vector_store_idx %arg9[%add3A_1035], %mul3A_1031 : memref<24576xf32, #tpu.memory_space<vmem>>[vector<16xi32>], vector<16xf32>,
      %add3A_1036 = arith.constant 43 : i32
      %add3A_1037 = vector.broadcast %add3A_1036 : i32 to vector<16xi32>
      %add3A_1038 = arith.addi %mul3A_27, %add3A_1037 : vector<16xi32>
      tpu.vector_store_idx %arg9[%add3A_1038], %mul3A_1032 : memref<24576xf32, #tpu.memory_space<vmem>>[vector<16xi32>], vector<16xf32>,
      %max3A_1039 = arith.maximumf %add3A_845, %add3A_854 : vector<16xf32>
      %max3A_1040 = arith.maximumf %max3A_1039, %add3A_863 : vector<16xf32>
      %sub3A_1041 = arith.subf %add3A_845, %max3A_1040 : vector<16xf32>
      %exp3A_1042 = math.exp %sub3A_1041 : vector<16xf32>
      %sub3A_1043 = arith.subf %add3A_854, %max3A_1040 : vector<16xf32>
      %exp3A_1044 = math.exp %sub3A_1043 : vector<16xf32>
      %sub3A_1045 = arith.subf %add3A_863, %max3A_1040 : vector<16xf32>
      %exp3A_1046 = math.exp %sub3A_1045 : vector<16xf32>
      %add3A_1047 = arith.addf %exp3A_1042, %exp3A_1044 : vector<16xf32>
      %add3A_1048 = arith.addf %add3A_1047, %exp3A_1046 : vector<16xf32>
      %div3A_1049 = arith.constant 1.000000e+00 : f32
      %div3A_1050 = vector.broadcast %div3A_1049 : f32 to vector<16xf32>
      %div3A_1051 = arith.divf %div3A_1050, %add3A_1048 : vector<16xf32>
      %mul3A_1052 = arith.mulf %exp3A_1042, %div3A_1051 : vector<16xf32>
      %mul3A_1053 = arith.mulf %exp3A_1044, %div3A_1051 : vector<16xf32>
      %mul3A_1054 = arith.mulf %exp3A_1046, %div3A_1051 : vector<16xf32>
      %add3A_1055 = arith.constant 44 : i32
      %add3A_1056 = vector.broadcast %add3A_1055 : i32 to vector<16xi32>
      %add3A_1057 = arith.addi %mul3A_27, %add3A_1056 : vector<16xi32>
      tpu.vector_store_idx %arg9[%add3A_1057], %mul3A_1052 : memref<24576xf32, #tpu.memory_space<vmem>>[vector<16xi32>], vector<16xf32>,
      %add3A_1058 = arith.constant 45 : i32
      %add3A_1059 = vector.broadcast %add3A_1058 : i32 to vector<16xi32>
      %add3A_1060 = arith.addi %mul3A_27, %add3A_1059 : vector<16xi32>
      tpu.vector_store_idx %arg9[%add3A_1060], %mul3A_1053 : memref<24576xf32, #tpu.memory_space<vmem>>[vector<16xi32>], vector<16xf32>,
      %add3A_1061 = arith.constant 46 : i32
      %add3A_1062 = vector.broadcast %add3A_1061 : i32 to vector<16xi32>
      %add3A_1063 = arith.addi %mul3A_27, %add3A_1062 : vector<16xi32>
      tpu.vector_store_idx %arg9[%add3A_1063], %mul3A_1054 : memref<24576xf32, #tpu.memory_space<vmem>>[vector<16xi32>], vector<16xf32>,
      %broadcast_in_dim3A_1064 = arith.constant 1.000000e+00 : f32
      %broadcast_in_dim3A_1065 = vector.broadcast %broadcast_in_dim3A_1064 : f32 to vector<16xf32>
      %add3A_1066 = arith.constant 47 : i32
      %add3A_1067 = vector.broadcast %add3A_1066 : i32 to vector<16xi32>
      %add3A_1068 = arith.addi %mul3A_27, %add3A_1067 : vector<16xi32>
      tpu.vector_store_idx %arg9[%add3A_1068], %broadcast_in_dim3A_1065 : memref<24576xf32, #tpu.memory_space<vmem>>[vector<16xi32>], vector<16xf32>,
    }
    %scan3A_11 = arith.constant 32 : i32
    %mul3A_12 = arith.constant 48 : i32
    %mul3A_13 = arith.muli %mul3A_2, %mul3A_12 : i32
    "tpu.region"() ({
      %run_scoped3A = tpu.sem_alloc : memref<!tpu.dma_semaphore, #tpu.memory_space<semaphore_mem>>
      %dma_start3A = tpu.memref_slice %arg5[%mul3A_13] : memref<786432xf32, #tpu.memory_space<hbm>> -> memref<24576xf32, #tpu.memory_space<hbm>>
      %dma_start3A_14 = tpu.memref_slice %arg5[%mul3A_13] : memref<786432xf32, #tpu.memory_space<hbm>> -> memref<24576xf32, #tpu.memory_space<hbm>>
      tpu.enqueue_dma source(%arg9 : memref<24576xf32, #tpu.memory_space<vmem>>) target(%dma_start3A_14 : memref<24576xf32, #tpu.memory_space<hbm>>) target_semaphore(%run_scoped3A : memref<!tpu.dma_semaphore, #tpu.memory_space<semaphore_mem>>)
      %dma_wait3A = tpu.memref_slice %arg5[%mul3A_13] : memref<786432xf32, #tpu.memory_space<hbm>> -> memref<24576xf32, #tpu.memory_space<hbm>>
      %dma_wait3A_15 = tpu.memref_slice %arg5[%mul3A_13] : memref<786432xf32, #tpu.memory_space<hbm>> -> memref<24576xf32, #tpu.memory_space<hbm>>
      tpu.wait_dma2 semaphore(%run_scoped3A : memref<!tpu.dma_semaphore, #tpu.memory_space<semaphore_mem>>) src(%arg9 : memref<24576xf32, #tpu.memory_space<vmem>>) dst(%dma_wait3A_15 : memref<24576xf32, #tpu.memory_space<hbm>>)
      tpu.yield
    }) : () -> ()
    return
  }
}

module attributes {stable_mosaic.version = 14 : i64} {
  func.func @_prep_body(%arg0: memref<193x64xf32, #tpu.memory_space<vmem>>, %arg1: memref<5x64xf32, #tpu.memory_space<vmem>>, %arg2: memref<64x64xf32, #tpu.memory_space<vmem>>, %arg3: memref<64x64xf32, #tpu.memory_space<vmem>>, %arg4: memref<64x64xf32, #tpu.memory_space<vmem>>, %arg5: memref<64x64xf32, #tpu.memory_space<vmem>>, %arg6: memref<25x2xf32, #tpu.memory_space<vmem>>, %arg7: memref<1x64xf32, #tpu.memory_space<vmem>>, %arg8: memref<1x64xf32, #tpu.memory_space<vmem>>, %arg9: memref<1x64xf32, #tpu.memory_space<vmem>>, %arg10: memref<1x64xf32, #tpu.memory_space<vmem>>, %arg11: memref<1x64xf32, #tpu.memory_space<vmem>>, %arg12: memref<1x64xf32, #tpu.memory_space<vmem>>, %arg13: memref<1x64xf32, #tpu.memory_space<vmem>>, %arg14: memref<11x5xf32, #tpu.memory_space<vmem>>, %arg15: memref<24x11xf32, #tpu.memory_space<vmem>>, %arg16: memref<24x11xf32, #tpu.memory_space<vmem>>, %arg17: memref<24x25xf32, #tpu.memory_space<vmem>>, %arg18: memref<64x2xf32, #tpu.memory_space<vmem>>, %arg19: memref<1x64xf32, #tpu.memory_space<vmem>>, %arg20: memref<1x64xf32, #tpu.memory_space<vmem>>, %arg21: memref<704x11xf32, #tpu.memory_space<vmem>>, %arg22: memref<11x11xf32, #tpu.memory_space<vmem>>, %arg23: memref<64x1xf32, #tpu.memory_space<vmem>>, %arg24: memref<128x715xbf16, #tpu.memory_space<vmem>>, %arg25: memref<128x24xbf16, #tpu.memory_space<vmem>>, %arg26: memref<107x715xbf16, #tpu.memory_space<vmem>>, %arg27: memref<146x16xf32, #tpu.memory_space<vmem>>, %arg28: memref<1x11xf32, #tpu.memory_space<vmem>>, %arg29: memref<3x704xf32, #tpu.memory_space<vmem>>) attributes {dimension_semantics = [], scalar_prefetch = 0 : i64, scratch_operands = 0 : i64, tpu.core_type = #tpu.core_type<tc>} {
    %get3A = arith.constant 0 : index
    %get3A_0 = arith.constant 0 : index
    %get3A_1 = vector.load %arg0[%get3A, %get3A_0] : memref<193x64xf32, #tpu.memory_space<vmem>>, vector<193x64xf32>
    %slice3A = vector.extract_strided_slice %get3A_1 {offsets = [0, 0], sizes = [128, 64], strides = [1, 1]} : vector<193x64xf32> to vector<128x64xf32>
    %slice3A_2 = vector.extract_strided_slice %get3A_1 {offsets = [128, 0], sizes = [1, 64], strides = [1, 1]} : vector<193x64xf32> to vector<1x64xf32>
    %slice3A_3 = vector.extract_strided_slice %get3A_1 {offsets = [129, 0], sizes = [64, 64], strides = [1, 1]} : vector<193x64xf32> to vector<64x64xf32>
    %get3A_4 = arith.constant 0 : index
    %get3A_5 = arith.constant 0 : index
    %get3A_6 = vector.load %arg2[%get3A_4, %get3A_5] : memref<64x64xf32, #tpu.memory_space<vmem>>, vector<64x64xf32>
    %get3A_7 = arith.constant 0 : index
    %get3A_8 = arith.constant 0 : index
    %get3A_9 = vector.load %arg3[%get3A_7, %get3A_8] : memref<64x64xf32, #tpu.memory_space<vmem>>, vector<64x64xf32>
    %get3A_10 = arith.constant 0 : index
    %get3A_11 = arith.constant 0 : index
    %get3A_12 = vector.load %arg4[%get3A_10, %get3A_11] : memref<64x64xf32, #tpu.memory_space<vmem>>, vector<64x64xf32>
    %get3A_13 = arith.constant 0 : index
    %get3A_14 = arith.constant 0 : index
    %get3A_15 = vector.load %arg5[%get3A_13, %get3A_14] : memref<64x64xf32, #tpu.memory_space<vmem>>, vector<64x64xf32>
    %get3A_16 = arith.constant 0 : index
    %get3A_17 = arith.constant 0 : index
    %get3A_18 = vector.load %arg18[%get3A_16, %get3A_17] : memref<64x2xf32, #tpu.memory_space<vmem>>, vector<64x2xf32>
    %get3A_19 = arith.constant 0 : index
    %get3A_20 = arith.constant 0 : index
    %get3A_21 = vector.load %arg19[%get3A_19, %get3A_20] : memref<1x64xf32, #tpu.memory_space<vmem>>, vector<1x64xf32>
    %get3A_22 = arith.constant 0 : index
    %get3A_23 = arith.constant 0 : index
    %get3A_24 = vector.load %arg20[%get3A_22, %get3A_23] : memref<1x64xf32, #tpu.memory_space<vmem>>, vector<1x64xf32>
    %get3A_25 = arith.constant 0 : index
    %get3A_26 = arith.constant 0 : index
    %get3A_27 = vector.load %arg15[%get3A_25, %get3A_26] : memref<24x11xf32, #tpu.memory_space<vmem>>, vector<24x11xf32>
    %get3A_28 = arith.constant 0 : index
    %get3A_29 = arith.constant 0 : index
    %get3A_30 = vector.load %arg16[%get3A_28, %get3A_29] : memref<24x11xf32, #tpu.memory_space<vmem>>, vector<24x11xf32>
    %get3A_31 = arith.constant 0 : index
    %get3A_32 = arith.constant 0 : index
    %get3A_33 = vector.load %arg21[%get3A_31, %get3A_32] : memref<704x11xf32, #tpu.memory_space<vmem>>, vector<704x11xf32>
    %get3A_34 = arith.constant 0 : index
    %get3A_35 = arith.constant 0 : index
    %get3A_36 = vector.load %arg14[%get3A_34, %get3A_35] : memref<11x5xf32, #tpu.memory_space<vmem>>, vector<11x5xf32>
    %get3A_37 = arith.constant 0 : index
    %get3A_38 = arith.constant 0 : index
    %get3A_39 = vector.load %arg1[%get3A_37, %get3A_38] : memref<5x64xf32, #tpu.memory_space<vmem>>, vector<5x64xf32>
    %dot_general3A = arith.constant dense<0.000000e+00> : vector<11x64xf32>
    %dot_general3A_40 = tpu.matmul %get3A_36, %get3A_39, %dot_general3A {dimension_numbers = #tpu.dot_dimension_numbers<[1], [0], [0], [1], [0, 0, 1, 1], [], []>, transpose_lhs_hint = false} : vector<11x5xf32>, vector<5x64xf32>, vector<11x64xf32> -> vector<11x64xf32>
    %dot_general3A_41 = arith.constant dense<0.000000e+00> : vector<11x64xf32>
    %dot_general3A_42 = tpu.matmul %dot_general3A_40, %slice3A_3, %dot_general3A_41 {dimension_numbers = #tpu.dot_dimension_numbers<[1], [0], [0], [1], [0, 0, 1, 1], [], []>, transpose_lhs_hint = false} : vector<11x64xf32>, vector<64x64xf32>, vector<11x64xf32> -> vector<11x64xf32>
    %get3A_43 = arith.constant 0 : index
    %get3A_44 = arith.constant 0 : index
    %get3A_45 = vector.load %arg7[%get3A_43, %get3A_44] : memref<1x64xf32, #tpu.memory_space<vmem>>, vector<1x64xf32>
    %add3A = vector.broadcast %get3A_45 : vector<1x64xf32> to vector<11x64xf32>
    %add3A_46 = arith.addf %dot_general3A_42, %add3A : vector<11x64xf32>
    %dot_general3A_47 = arith.constant dense<0.000000e+00> : vector<11x64xf32>
    %dot_general3A_48 = tpu.matmul %add3A_46, %get3A_6, %dot_general3A_47 {dimension_numbers = #tpu.dot_dimension_numbers<[1], [0], [0], [1], [0, 0, 1, 1], [], []>, transpose_lhs_hint = false} : vector<11x64xf32>, vector<64x64xf32>, vector<11x64xf32> -> vector<11x64xf32>
    %get3A_49 = arith.constant 0 : index
    %get3A_50 = arith.constant 0 : index
    %get3A_51 = vector.load %arg8[%get3A_49, %get3A_50] : memref<1x64xf32, #tpu.memory_space<vmem>>, vector<1x64xf32>
    %add3A_52 = vector.broadcast %get3A_51 : vector<1x64xf32> to vector<11x64xf32>
    %add3A_53 = arith.addf %dot_general3A_48, %add3A_52 : vector<11x64xf32>
    %dot_general3A_54 = arith.constant dense<0.000000e+00> : vector<11x64xf32>
    %dot_general3A_55 = tpu.matmul %add3A_46, %get3A_9, %dot_general3A_54 {dimension_numbers = #tpu.dot_dimension_numbers<[1], [0], [0], [1], [0, 0, 1, 1], [], []>, transpose_lhs_hint = false} : vector<11x64xf32>, vector<64x64xf32>, vector<11x64xf32> -> vector<11x64xf32>
    %get3A_56 = arith.constant 0 : index
    %get3A_57 = arith.constant 0 : index
    %get3A_58 = vector.load %arg9[%get3A_56, %get3A_57] : memref<1x64xf32, #tpu.memory_space<vmem>>, vector<1x64xf32>
    %add3A_59 = vector.broadcast %get3A_58 : vector<1x64xf32> to vector<11x64xf32>
    %add3A_60 = arith.addf %dot_general3A_55, %add3A_59 : vector<11x64xf32>
    %dot_general3A_61 = arith.constant dense<0.000000e+00> : vector<11x64xf32>
    %dot_general3A_62 = tpu.matmul %add3A_46, %get3A_12, %dot_general3A_61 {dimension_numbers = #tpu.dot_dimension_numbers<[1], [0], [0], [1], [0, 0, 1, 1], [], []>, transpose_lhs_hint = false} : vector<11x64xf32>, vector<64x64xf32>, vector<11x64xf32> -> vector<11x64xf32>
    %get3A_63 = arith.constant 0 : index
    %get3A_64 = arith.constant 0 : index
    %get3A_65 = vector.load %arg10[%get3A_63, %get3A_64] : memref<1x64xf32, #tpu.memory_space<vmem>>, vector<1x64xf32>
    %add3A_66 = vector.broadcast %get3A_65 : vector<1x64xf32> to vector<11x64xf32>
    %add3A_67 = arith.addf %dot_general3A_62, %add3A_66 : vector<11x64xf32>
    %dot_general3A_68 = arith.constant dense<0.000000e+00> : vector<1x64xf32>
    %dot_general3A_69 = tpu.matmul %slice3A_2, %get3A_6, %dot_general3A_68 {dimension_numbers = #tpu.dot_dimension_numbers<[1], [0], [0], [1], [0, 0, 1, 1], [], []>, transpose_lhs_hint = false} : vector<1x64xf32>, vector<64x64xf32>, vector<1x64xf32> -> vector<1x64xf32>
    %dot_general3A_70 = arith.constant dense<0.000000e+00> : vector<1x64xf32>
    %dot_general3A_71 = tpu.matmul %slice3A_2, %get3A_9, %dot_general3A_70 {dimension_numbers = #tpu.dot_dimension_numbers<[1], [0], [0], [1], [0, 0, 1, 1], [], []>, transpose_lhs_hint = false} : vector<1x64xf32>, vector<64x64xf32>, vector<1x64xf32> -> vector<1x64xf32>
    %dot_general3A_72 = arith.constant dense<0.000000e+00> : vector<1x64xf32>
    %dot_general3A_73 = tpu.matmul %slice3A_2, %get3A_12, %dot_general3A_72 {dimension_numbers = #tpu.dot_dimension_numbers<[1], [0], [0], [1], [0, 0, 1, 1], [], []>, transpose_lhs_hint = false} : vector<1x64xf32>, vector<64x64xf32>, vector<1x64xf32> -> vector<1x64xf32>
    %dot_general3A_74 = arith.constant dense<0.000000e+00> : vector<128x64xf32>
    %dot_general3A_75 = tpu.matmul %slice3A, %get3A_6, %dot_general3A_74 {dimension_numbers = #tpu.dot_dimension_numbers<[1], [0], [0], [1], [0, 0, 1, 1], [], []>, transpose_lhs_hint = false} : vector<128x64xf32>, vector<64x64xf32>, vector<128x64xf32> -> vector<128x64xf32>
    %mul3A = vector.broadcast %dot_general3A_71 : vector<1x64xf32> to vector<128x64xf32>
    %mul3A_76 = arith.mulf %dot_general3A_75, %mul3A : vector<128x64xf32>
    %dot_general3A_77 = arith.constant dense<0.000000e+00> : vector<128x2xf32>
    %dot_general3A_78 = tpu.matmul %mul3A_76, %get3A_18, %dot_general3A_77 {dimension_numbers = #tpu.dot_dimension_numbers<[1], [0], [0], [1], [0, 0, 1, 1], [], []>, transpose_lhs_hint = false} : vector<128x64xf32>, vector<64x2xf32>, vector<128x2xf32> -> vector<128x2xf32>
    %mul3A_79 = arith.constant 0.176776692 : f32
    %mul3A_80 = vector.broadcast %mul3A_79 : f32 to vector<128x2xf32>
    %mul3A_81 = arith.mulf %dot_general3A_78, %mul3A_80 : vector<128x2xf32>
    %mul3A_82 = vector.broadcast %get3A_21 : vector<1x64xf32> to vector<11x64xf32>
    %mul3A_83 = arith.mulf %add3A_60, %mul3A_82 : vector<11x64xf32>
    %transpose3A = tpu.transpose %mul3A_83, [1, 0] : vector<11x64xf32> -> vector<64x11xf32>
    %dot_general3A_84 = arith.constant dense<0.000000e+00> : vector<128x11xf32>
    %dot_general3A_85 = tpu.matmul %dot_general3A_75, %transpose3A, %dot_general3A_84 {dimension_numbers = #tpu.dot_dimension_numbers<[1], [0], [0], [1], [0, 0, 1, 1], [], []>, transpose_lhs_hint = false} : vector<128x64xf32>, vector<64x11xf32>, vector<128x11xf32> -> vector<128x11xf32>
    %mul3A_86 = arith.constant 0.176776692 : f32
    %mul3A_87 = vector.broadcast %mul3A_86 : f32 to vector<128x11xf32>
    %mul3A_88 = arith.mulf %dot_general3A_85, %mul3A_87 : vector<128x11xf32>
    %mul3A_89 = vector.broadcast %get3A_24 : vector<1x64xf32> to vector<11x64xf32>
    %mul3A_90 = arith.mulf %add3A_60, %mul3A_89 : vector<11x64xf32>
    %transpose3A_91 = tpu.transpose %mul3A_90, [1, 0] : vector<11x64xf32> -> vector<64x11xf32>
    %dot_general3A_92 = arith.constant dense<0.000000e+00> : vector<128x11xf32>
    %dot_general3A_93 = tpu.matmul %dot_general3A_75, %transpose3A_91, %dot_general3A_92 {dimension_numbers = #tpu.dot_dimension_numbers<[1], [0], [0], [1], [0, 0, 1, 1], [], []>, transpose_lhs_hint = false} : vector<128x64xf32>, vector<64x11xf32>, vector<128x11xf32> -> vector<128x11xf32>
    %mul3A_94 = arith.constant 0.176776692 : f32
    %mul3A_95 = vector.broadcast %mul3A_94 : f32 to vector<128x11xf32>
    %mul3A_96 = arith.mulf %dot_general3A_93, %mul3A_95 : vector<128x11xf32>
    %concatenate3A = tpu.concatenate %mul3A_88, %mul3A_96 in 1 : vector<128x11xf32>, vector<128x11xf32> -> vector<128x22xf32>
    %concatenate3A_97 = tpu.concatenate %concatenate3A, %mul3A_81 in 1 : vector<128x22xf32>, vector<128x2xf32> -> vector<128x24xf32>
    %convert_element_type3A = arith.truncf %concatenate3A_97 : vector<128x24xf32> to vector<128x24xbf16>
    %swap3A = arith.constant 0 : index
    %swap3A_98 = arith.constant 0 : index
    %swap3A_99 = vector.load %arg25[%swap3A, %swap3A_98] : memref<128x24xbf16, #tpu.memory_space<vmem>>, vector<128x24xbf16>
    tpu.vector_store %arg25[%swap3A, %swap3A_98], %convert_element_type3A {strides = array<i32>} : memref<128x24xbf16, #tpu.memory_space<vmem>>, vector<128x24xbf16>,
    %mul3A_100 = arith.mulf %dot_general3A_69, %dot_general3A_71 : vector<1x64xf32>
    %dot_general3A_101 = arith.constant dense<0.000000e+00> : vector<1x2xf32>
    %dot_general3A_102 = tpu.matmul %mul3A_100, %get3A_18, %dot_general3A_101 {dimension_numbers = #tpu.dot_dimension_numbers<[1], [0], [0], [1], [0, 0, 1, 1], [], []>, transpose_lhs_hint = false} : vector<1x64xf32>, vector<64x2xf32>, vector<1x2xf32> -> vector<1x2xf32>
    %mul3A_103 = arith.constant 0.176776692 : f32
    %mul3A_104 = vector.broadcast %mul3A_103 : f32 to vector<1x2xf32>
    %mul3A_105 = arith.mulf %dot_general3A_102, %mul3A_104 : vector<1x2xf32>
    %mul3A_106 = vector.broadcast %dot_general3A_69 : vector<1x64xf32> to vector<11x64xf32>
    %mul3A_107 = arith.mulf %add3A_60, %mul3A_106 : vector<11x64xf32>
    %dot_general3A_108 = arith.constant dense<0.000000e+00> : vector<11x2xf32>
    %dot_general3A_109 = tpu.matmul %mul3A_107, %get3A_18, %dot_general3A_108 {dimension_numbers = #tpu.dot_dimension_numbers<[1], [0], [0], [1], [0, 0, 1, 1], [], []>, transpose_lhs_hint = false} : vector<11x64xf32>, vector<64x2xf32>, vector<11x2xf32> -> vector<11x2xf32>
    %mul3A_110 = arith.constant 0.176776692 : f32
    %mul3A_111 = vector.broadcast %mul3A_110 : f32 to vector<11x2xf32>
    %mul3A_112 = arith.mulf %dot_general3A_109, %mul3A_111 : vector<11x2xf32>
    %mul3A_113 = vector.broadcast %dot_general3A_71 : vector<1x64xf32> to vector<11x64xf32>
    %mul3A_114 = arith.mulf %add3A_53, %mul3A_113 : vector<11x64xf32>
    %dot_general3A_115 = arith.constant dense<0.000000e+00> : vector<11x2xf32>
    %dot_general3A_116 = tpu.matmul %mul3A_114, %get3A_18, %dot_general3A_115 {dimension_numbers = #tpu.dot_dimension_numbers<[1], [0], [0], [1], [0, 0, 1, 1], [], []>, transpose_lhs_hint = false} : vector<11x64xf32>, vector<64x2xf32>, vector<11x2xf32> -> vector<11x2xf32>
    %mul3A_117 = arith.constant 0.176776692 : f32
    %mul3A_118 = vector.broadcast %mul3A_117 : f32 to vector<11x2xf32>
    %mul3A_119 = arith.mulf %dot_general3A_116, %mul3A_118 : vector<11x2xf32>
    %dot_general3A_120 = arith.constant dense<0.000000e+00> : vector<24x64xf32>
    %dot_general3A_121 = tpu.matmul %get3A_27, %add3A_53, %dot_general3A_120 {dimension_numbers = #tpu.dot_dimension_numbers<[1], [0], [0], [1], [0, 0, 1, 1], [], []>, transpose_lhs_hint = false} : vector<24x11xf32>, vector<11x64xf32>, vector<24x64xf32> -> vector<24x64xf32>
    %dot_general3A_122 = arith.constant dense<0.000000e+00> : vector<24x64xf32>
    %dot_general3A_123 = tpu.matmul %get3A_30, %add3A_60, %dot_general3A_122 {dimension_numbers = #tpu.dot_dimension_numbers<[1], [0], [0], [1], [0, 0, 1, 1], [], []>, transpose_lhs_hint = false} : vector<24x11xf32>, vector<11x64xf32>, vector<24x64xf32> -> vector<24x64xf32>
    %mul3A_124 = arith.mulf %dot_general3A_121, %dot_general3A_123 : vector<24x64xf32>
    %dot_general3A_125 = arith.constant dense<0.000000e+00> : vector<24x2xf32>
    %dot_general3A_126 = tpu.matmul %mul3A_124, %get3A_18, %dot_general3A_125 {dimension_numbers = #tpu.dot_dimension_numbers<[1], [0], [0], [1], [0, 0, 1, 1], [], []>, transpose_lhs_hint = false} : vector<24x64xf32>, vector<64x2xf32>, vector<24x2xf32> -> vector<24x2xf32>
    %mul3A_127 = arith.constant 0.176776692 : f32
    %mul3A_128 = vector.broadcast %mul3A_127 : f32 to vector<24x2xf32>
    %mul3A_129 = arith.mulf %dot_general3A_126, %mul3A_128 : vector<24x2xf32>
    %get3A_130 = arith.constant 0 : index
    %get3A_131 = arith.constant 0 : index
    %get3A_132 = vector.load %arg17[%get3A_130, %get3A_131] : memref<24x25xf32, #tpu.memory_space<vmem>>, vector<24x25xf32>
    %get3A_133 = arith.constant 0 : index
    %get3A_134 = arith.constant 0 : index
    %get3A_135 = vector.load %arg6[%get3A_133, %get3A_134] : memref<25x2xf32, #tpu.memory_space<vmem>>, vector<25x2xf32>
    %dot_general3A_136 = arith.constant dense<0.000000e+00> : vector<24x2xf32>
    %dot_general3A_137 = tpu.matmul %get3A_132, %get3A_135, %dot_general3A_136 {dimension_numbers = #tpu.dot_dimension_numbers<[1], [0], [0], [1], [0, 0, 1, 1], [], []>, transpose_lhs_hint = false} : vector<24x25xf32>, vector<25x2xf32>, vector<24x2xf32> -> vector<24x2xf32>
    %add3A_138 = arith.addf %mul3A_129, %dot_general3A_137 : vector<24x2xf32>
    %dot_general3A_139 = arith.constant dense<0.000000e+00> : vector<24x2xf32>
    %dot_general3A_140 = tpu.matmul %get3A_27, %mul3A_119, %dot_general3A_139 {dimension_numbers = #tpu.dot_dimension_numbers<[1], [0], [0], [1], [0, 0, 1, 1], [], []>, transpose_lhs_hint = false} : vector<24x11xf32>, vector<11x2xf32>, vector<24x2xf32> -> vector<24x2xf32>
    %dot_general3A_141 = arith.constant dense<0.000000e+00> : vector<24x2xf32>
    %dot_general3A_142 = tpu.matmul %get3A_30, %mul3A_112, %dot_general3A_141 {dimension_numbers = #tpu.dot_dimension_numbers<[1], [0], [0], [1], [0, 0, 1, 1], [], []>, transpose_lhs_hint = false} : vector<24x11xf32>, vector<11x2xf32>, vector<24x2xf32> -> vector<24x2xf32>
    %slice3A_143 = vector.extract_strided_slice %dot_general3A_140 {offsets = [0, 0], sizes = [24, 1], strides = [1, 1]} : vector<24x2xf32> to vector<24x1xf32>
    %slice3A_144 = vector.extract_strided_slice %dot_general3A_140 {offsets = [0, 1], sizes = [24, 1], strides = [1, 1]} : vector<24x2xf32> to vector<24x1xf32>
    %slice3A_145 = vector.extract_strided_slice %dot_general3A_142 {offsets = [0, 0], sizes = [24, 1], strides = [1, 1]} : vector<24x2xf32> to vector<24x1xf32>
    %slice3A_146 = vector.extract_strided_slice %dot_general3A_142 {offsets = [0, 1], sizes = [24, 1], strides = [1, 1]} : vector<24x2xf32> to vector<24x1xf32>
    %slice3A_147 = vector.extract_strided_slice %add3A_138 {offsets = [0, 0], sizes = [24, 1], strides = [1, 1]} : vector<24x2xf32> to vector<24x1xf32>
    %slice3A_148 = vector.extract_strided_slice %add3A_138 {offsets = [0, 1], sizes = [24, 1], strides = [1, 1]} : vector<24x2xf32> to vector<24x1xf32>
    %transpose3A_149 = tpu.transpose %mul3A_105, [1, 0] : vector<1x2xf32> -> vector<2x1xf32>
    %concatenate3A_150 = tpu.concatenate %slice3A_143, %slice3A_144, %slice3A_145, %slice3A_146, %slice3A_147, %slice3A_148, %transpose3A_149 in 0 : vector<24x1xf32>, vector<24x1xf32>, vector<24x1xf32>, vector<24x1xf32>, vector<24x1xf32>, vector<24x1xf32>, vector<2x1xf32> -> vector<146x1xf32>
    %broadcast_in_dim3A = vector.shape_cast %concatenate3A_150 : vector<146x1xf32> to vector<146x1xf32>
    %broadcast_in_dim3A_151 = vector.broadcast %broadcast_in_dim3A : vector<146x1xf32> to vector<146x16xf32>
    %swap3A_152 = arith.constant 0 : index
    %swap3A_153 = arith.constant 0 : index
    %swap3A_154 = vector.load %arg27[%swap3A_152, %swap3A_153] : memref<146x16xf32, #tpu.memory_space<vmem>>, vector<146x16xf32>
    tpu.vector_store %arg27[%swap3A_152, %swap3A_153], %broadcast_in_dim3A_151 {strides = array<i32>} : memref<146x16xf32, #tpu.memory_space<vmem>>, vector<146x16xf32>,
    %mul3A_155 = arith.mulf %dot_general3A_73, %get3A_21 : vector<1x64xf32>
    %dot_general3A_156 = arith.constant dense<0.000000e+00> : vector<1x64xf32>
    %dot_general3A_157 = tpu.matmul %mul3A_155, %get3A_15, %dot_general3A_156 {dimension_numbers = #tpu.dot_dimension_numbers<[1], [0], [0], [1], [0, 0, 1, 1], [], []>, transpose_lhs_hint = false} : vector<1x64xf32>, vector<64x64xf32>, vector<1x64xf32> -> vector<1x64xf32>
    %mul3A_158 = arith.mulf %dot_general3A_73, %get3A_24 : vector<1x64xf32>
    %dot_general3A_159 = arith.constant dense<0.000000e+00> : vector<1x64xf32>
    %dot_general3A_160 = tpu.matmul %mul3A_158, %get3A_15, %dot_general3A_159 {dimension_numbers = #tpu.dot_dimension_numbers<[1], [0], [0], [1], [0, 0, 1, 1], [], []>, transpose_lhs_hint = false} : vector<1x64xf32>, vector<64x64xf32>, vector<1x64xf32> -> vector<1x64xf32>
    %mul3A_161 = vector.broadcast %get3A_21 : vector<1x64xf32> to vector<11x64xf32>
    %mul3A_162 = arith.mulf %add3A_67, %mul3A_161 : vector<11x64xf32>
    %dot_general3A_163 = arith.constant dense<0.000000e+00> : vector<11x64xf32>
    %dot_general3A_164 = tpu.matmul %mul3A_162, %get3A_15, %dot_general3A_163 {dimension_numbers = #tpu.dot_dimension_numbers<[1], [0], [0], [1], [0, 0, 1, 1], [], []>, transpose_lhs_hint = false} : vector<11x64xf32>, vector<64x64xf32>, vector<11x64xf32> -> vector<11x64xf32>
    %mul3A_165 = vector.broadcast %get3A_24 : vector<1x64xf32> to vector<11x64xf32>
    %mul3A_166 = arith.mulf %add3A_67, %mul3A_165 : vector<11x64xf32>
    %dot_general3A_167 = arith.constant dense<0.000000e+00> : vector<11x64xf32>
    %dot_general3A_168 = tpu.matmul %mul3A_166, %get3A_15, %dot_general3A_167 {dimension_numbers = #tpu.dot_dimension_numbers<[1], [0], [0], [1], [0, 0, 1, 1], [], []>, transpose_lhs_hint = false} : vector<11x64xf32>, vector<64x64xf32>, vector<11x64xf32> -> vector<11x64xf32>
    %dot_general3A_169 = arith.constant dense<0.000000e+00> : vector<64x64xf32>
    %dot_general3A_170 = tpu.matmul %get3A_12, %get3A_15, %dot_general3A_169 {dimension_numbers = #tpu.dot_dimension_numbers<[1], [0], [0], [1], [0, 0, 1, 1], [], []>, transpose_lhs_hint = false} : vector<64x64xf32>, vector<64x64xf32>, vector<64x64xf32> -> vector<64x64xf32>
    %dot_general3A_171 = arith.constant dense<0.000000e+00> : vector<128x64xf32>
    %dot_general3A_172 = tpu.matmul %slice3A, %dot_general3A_170, %dot_general3A_171 {dimension_numbers = #tpu.dot_dimension_numbers<[1], [0], [0], [1], [0, 0, 1, 1], [], []>, transpose_lhs_hint = false} : vector<128x64xf32>, vector<64x64xf32>, vector<128x64xf32> -> vector<128x64xf32>
    %add3A_173 = arith.addf %slice3A, %dot_general3A_172 : vector<128x64xf32>
    %concatenate3A_174 = tpu.concatenate %add3A_173, %add3A_173, %add3A_173, %add3A_173, %add3A_173, %add3A_173, %slice3A, %slice3A, %slice3A, %add3A_173, %add3A_173 in 1 : vector<128x64xf32>, vector<128x64xf32>, vector<128x64xf32>, vector<128x64xf32>, vector<128x64xf32>, vector<128x64xf32>, vector<128x64xf32>, vector<128x64xf32>, vector<128x64xf32>, vector<128x64xf32>, vector<128x64xf32> -> vector<128x704xf32>
    %dot_general3A_175 = arith.constant dense<0.000000e+00> : vector<128x11xf32>
    %dot_general3A_176 = tpu.matmul %concatenate3A_174, %get3A_33, %dot_general3A_175 {dimension_numbers = #tpu.dot_dimension_numbers<[1], [0], [0], [1], [0, 0, 1, 1], [], []>, transpose_lhs_hint = false} : vector<128x704xf32>, vector<704x11xf32>, vector<128x11xf32> -> vector<128x11xf32>
    %mul3A_177 = arith.constant 1.562500e-02 : f32
    %mul3A_178 = vector.broadcast %mul3A_177 : f32 to vector<128x11xf32>
    %mul3A_179 = arith.mulf %dot_general3A_176, %mul3A_178 : vector<128x11xf32>
    %concatenate3A_180 = tpu.concatenate %concatenate3A_174, %mul3A_179 in 1 : vector<128x704xf32>, vector<128x11xf32> -> vector<128x715xf32>
    %convert_element_type3A_181 = arith.truncf %concatenate3A_180 : vector<128x715xf32> to vector<128x715xbf16>
    %swap3A_182 = arith.constant 0 : index
    %swap3A_183 = arith.constant 0 : index
    %swap3A_184 = vector.load %arg24[%swap3A_182, %swap3A_183] : memref<128x715xbf16, #tpu.memory_space<vmem>>, vector<128x715xbf16>
    tpu.vector_store %arg24[%swap3A_182, %swap3A_183], %convert_element_type3A_181 {strides = array<i32>} : memref<128x715xbf16, #tpu.memory_space<vmem>>, vector<128x715xbf16>,
    %dot_general3A_185 = arith.constant dense<0.000000e+00> : vector<24x64xf32>
    %dot_general3A_186 = tpu.matmul %get3A_30, %dot_general3A_164, %dot_general3A_185 {dimension_numbers = #tpu.dot_dimension_numbers<[1], [0], [0], [1], [0, 0, 1, 1], [], []>, transpose_lhs_hint = false} : vector<24x11xf32>, vector<11x64xf32>, vector<24x64xf32> -> vector<24x64xf32>
    %dot_general3A_187 = arith.constant dense<0.000000e+00> : vector<24x64xf32>
    %dot_general3A_188 = tpu.matmul %get3A_30, %dot_general3A_168, %dot_general3A_187 {dimension_numbers = #tpu.dot_dimension_numbers<[1], [0], [0], [1], [0, 0, 1, 1], [], []>, transpose_lhs_hint = false} : vector<24x11xf32>, vector<11x64xf32>, vector<24x64xf32> -> vector<24x64xf32>
    %slice3A_189 = vector.extract_strided_slice %get3A_27 {offsets = [0, 0], sizes = [24, 1], strides = [1, 1]} : vector<24x11xf32> to vector<24x1xf32>
    %mul3A_190 = vector.broadcast %slice3A_189 : vector<24x1xf32> to vector<24x64xf32>
    %mul3A_191 = arith.mulf %dot_general3A_186, %mul3A_190 : vector<24x64xf32>
    %slice3A_192 = vector.extract_strided_slice %get3A_27 {offsets = [0, 1], sizes = [24, 1], strides = [1, 1]} : vector<24x11xf32> to vector<24x1xf32>
    %mul3A_193 = vector.broadcast %slice3A_192 : vector<24x1xf32> to vector<24x64xf32>
    %mul3A_194 = arith.mulf %dot_general3A_186, %mul3A_193 : vector<24x64xf32>
    %slice3A_195 = vector.extract_strided_slice %get3A_27 {offsets = [0, 2], sizes = [24, 1], strides = [1, 1]} : vector<24x11xf32> to vector<24x1xf32>
    %mul3A_196 = vector.broadcast %slice3A_195 : vector<24x1xf32> to vector<24x64xf32>
    %mul3A_197 = arith.mulf %dot_general3A_186, %mul3A_196 : vector<24x64xf32>
    %slice3A_198 = vector.extract_strided_slice %get3A_27 {offsets = [0, 3], sizes = [24, 1], strides = [1, 1]} : vector<24x11xf32> to vector<24x1xf32>
    %mul3A_199 = vector.broadcast %slice3A_198 : vector<24x1xf32> to vector<24x64xf32>
    %mul3A_200 = arith.mulf %dot_general3A_186, %mul3A_199 : vector<24x64xf32>
    %slice3A_201 = vector.extract_strided_slice %get3A_27 {offsets = [0, 4], sizes = [24, 1], strides = [1, 1]} : vector<24x11xf32> to vector<24x1xf32>
    %mul3A_202 = vector.broadcast %slice3A_201 : vector<24x1xf32> to vector<24x64xf32>
    %mul3A_203 = arith.mulf %dot_general3A_186, %mul3A_202 : vector<24x64xf32>
    %slice3A_204 = vector.extract_strided_slice %get3A_27 {offsets = [0, 5], sizes = [24, 1], strides = [1, 1]} : vector<24x11xf32> to vector<24x1xf32>
    %mul3A_205 = vector.broadcast %slice3A_204 : vector<24x1xf32> to vector<24x64xf32>
    %mul3A_206 = arith.mulf %dot_general3A_186, %mul3A_205 : vector<24x64xf32>
    %slice3A_207 = vector.extract_strided_slice %get3A_27 {offsets = [0, 6], sizes = [24, 1], strides = [1, 1]} : vector<24x11xf32> to vector<24x1xf32>
    %mul3A_208 = vector.broadcast %slice3A_207 : vector<24x1xf32> to vector<24x64xf32>
    %mul3A_209 = arith.mulf %dot_general3A_186, %mul3A_208 : vector<24x64xf32>
    %slice3A_210 = vector.extract_strided_slice %get3A_27 {offsets = [0, 7], sizes = [24, 1], strides = [1, 1]} : vector<24x11xf32> to vector<24x1xf32>
    %mul3A_211 = vector.broadcast %slice3A_210 : vector<24x1xf32> to vector<24x64xf32>
    %mul3A_212 = arith.mulf %dot_general3A_186, %mul3A_211 : vector<24x64xf32>
    %slice3A_213 = vector.extract_strided_slice %get3A_27 {offsets = [0, 8], sizes = [24, 1], strides = [1, 1]} : vector<24x11xf32> to vector<24x1xf32>
    %mul3A_214 = vector.broadcast %slice3A_213 : vector<24x1xf32> to vector<24x64xf32>
    %mul3A_215 = arith.mulf %dot_general3A_186, %mul3A_214 : vector<24x64xf32>
    %slice3A_216 = vector.extract_strided_slice %get3A_27 {offsets = [0, 9], sizes = [24, 1], strides = [1, 1]} : vector<24x11xf32> to vector<24x1xf32>
    %mul3A_217 = vector.broadcast %slice3A_216 : vector<24x1xf32> to vector<24x64xf32>
    %mul3A_218 = arith.mulf %dot_general3A_186, %mul3A_217 : vector<24x64xf32>
    %slice3A_219 = vector.extract_strided_slice %get3A_27 {offsets = [0, 10], sizes = [24, 1], strides = [1, 1]} : vector<24x11xf32> to vector<24x1xf32>
    %mul3A_220 = vector.broadcast %slice3A_219 : vector<24x1xf32> to vector<24x64xf32>
    %mul3A_221 = arith.mulf %dot_general3A_186, %mul3A_220 : vector<24x64xf32>
    %concatenate3A_222 = tpu.concatenate %mul3A_191, %mul3A_194, %mul3A_197, %mul3A_200, %mul3A_203, %mul3A_206, %mul3A_209, %mul3A_212, %mul3A_215, %mul3A_218, %mul3A_221 in 1 : vector<24x64xf32>, vector<24x64xf32>, vector<24x64xf32>, vector<24x64xf32>, vector<24x64xf32>, vector<24x64xf32>, vector<24x64xf32>, vector<24x64xf32>, vector<24x64xf32>, vector<24x64xf32>, vector<24x64xf32> -> vector<24x704xf32>
    %slice3A_223 = vector.extract_strided_slice %get3A_27 {offsets = [0, 0], sizes = [24, 1], strides = [1, 1]} : vector<24x11xf32> to vector<24x1xf32>
    %mul3A_224 = vector.broadcast %slice3A_223 : vector<24x1xf32> to vector<24x64xf32>
    %mul3A_225 = arith.mulf %dot_general3A_188, %mul3A_224 : vector<24x64xf32>
    %slice3A_226 = vector.extract_strided_slice %get3A_27 {offsets = [0, 1], sizes = [24, 1], strides = [1, 1]} : vector<24x11xf32> to vector<24x1xf32>
    %mul3A_227 = vector.broadcast %slice3A_226 : vector<24x1xf32> to vector<24x64xf32>
    %mul3A_228 = arith.mulf %dot_general3A_188, %mul3A_227 : vector<24x64xf32>
    %slice3A_229 = vector.extract_strided_slice %get3A_27 {offsets = [0, 2], sizes = [24, 1], strides = [1, 1]} : vector<24x11xf32> to vector<24x1xf32>
    %mul3A_230 = vector.broadcast %slice3A_229 : vector<24x1xf32> to vector<24x64xf32>
    %mul3A_231 = arith.mulf %dot_general3A_188, %mul3A_230 : vector<24x64xf32>
    %slice3A_232 = vector.extract_strided_slice %get3A_27 {offsets = [0, 3], sizes = [24, 1], strides = [1, 1]} : vector<24x11xf32> to vector<24x1xf32>
    %mul3A_233 = vector.broadcast %slice3A_232 : vector<24x1xf32> to vector<24x64xf32>
    %mul3A_234 = arith.mulf %dot_general3A_188, %mul3A_233 : vector<24x64xf32>
    %slice3A_235 = vector.extract_strided_slice %get3A_27 {offsets = [0, 4], sizes = [24, 1], strides = [1, 1]} : vector<24x11xf32> to vector<24x1xf32>
    %mul3A_236 = vector.broadcast %slice3A_235 : vector<24x1xf32> to vector<24x64xf32>
    %mul3A_237 = arith.mulf %dot_general3A_188, %mul3A_236 : vector<24x64xf32>
    %slice3A_238 = vector.extract_strided_slice %get3A_27 {offsets = [0, 5], sizes = [24, 1], strides = [1, 1]} : vector<24x11xf32> to vector<24x1xf32>
    %mul3A_239 = vector.broadcast %slice3A_238 : vector<24x1xf32> to vector<24x64xf32>
    %mul3A_240 = arith.mulf %dot_general3A_188, %mul3A_239 : vector<24x64xf32>
    %slice3A_241 = vector.extract_strided_slice %get3A_27 {offsets = [0, 6], sizes = [24, 1], strides = [1, 1]} : vector<24x11xf32> to vector<24x1xf32>
    %mul3A_242 = vector.broadcast %slice3A_241 : vector<24x1xf32> to vector<24x64xf32>
    %mul3A_243 = arith.mulf %dot_general3A_188, %mul3A_242 : vector<24x64xf32>
    %slice3A_244 = vector.extract_strided_slice %get3A_27 {offsets = [0, 7], sizes = [24, 1], strides = [1, 1]} : vector<24x11xf32> to vector<24x1xf32>
    %mul3A_245 = vector.broadcast %slice3A_244 : vector<24x1xf32> to vector<24x64xf32>
    %mul3A_246 = arith.mulf %dot_general3A_188, %mul3A_245 : vector<24x64xf32>
    %slice3A_247 = vector.extract_strided_slice %get3A_27 {offsets = [0, 8], sizes = [24, 1], strides = [1, 1]} : vector<24x11xf32> to vector<24x1xf32>
    %mul3A_248 = vector.broadcast %slice3A_247 : vector<24x1xf32> to vector<24x64xf32>
    %mul3A_249 = arith.mulf %dot_general3A_188, %mul3A_248 : vector<24x64xf32>
    %slice3A_250 = vector.extract_strided_slice %get3A_27 {offsets = [0, 9], sizes = [24, 1], strides = [1, 1]} : vector<24x11xf32> to vector<24x1xf32>
    %mul3A_251 = vector.broadcast %slice3A_250 : vector<24x1xf32> to vector<24x64xf32>
    %mul3A_252 = arith.mulf %dot_general3A_188, %mul3A_251 : vector<24x64xf32>
    %slice3A_253 = vector.extract_strided_slice %get3A_27 {offsets = [0, 10], sizes = [24, 1], strides = [1, 1]} : vector<24x11xf32> to vector<24x1xf32>
    %mul3A_254 = vector.broadcast %slice3A_253 : vector<24x1xf32> to vector<24x64xf32>
    %mul3A_255 = arith.mulf %dot_general3A_188, %mul3A_254 : vector<24x64xf32>
    %concatenate3A_256 = tpu.concatenate %mul3A_225, %mul3A_228, %mul3A_231, %mul3A_234, %mul3A_237, %mul3A_240, %mul3A_243, %mul3A_246, %mul3A_249, %mul3A_252, %mul3A_255 in 1 : vector<24x64xf32>, vector<24x64xf32>, vector<24x64xf32>, vector<24x64xf32>, vector<24x64xf32>, vector<24x64xf32>, vector<24x64xf32>, vector<24x64xf32>, vector<24x64xf32>, vector<24x64xf32>, vector<24x64xf32> -> vector<24x704xf32>
    %slice3A_257 = vector.extract_strided_slice %get3A_27 {offsets = [0, 0], sizes = [24, 1], strides = [1, 1]} : vector<24x11xf32> to vector<24x1xf32>
    %mul3A_258 = vector.broadcast %slice3A_257 : vector<24x1xf32> to vector<24x64xf32>
    %mul3A_259 = vector.broadcast %dot_general3A_157 : vector<1x64xf32> to vector<24x64xf32>
    %mul3A_260 = arith.mulf %mul3A_258, %mul3A_259 : vector<24x64xf32>
    %slice3A_261 = vector.extract_strided_slice %get3A_27 {offsets = [0, 1], sizes = [24, 1], strides = [1, 1]} : vector<24x11xf32> to vector<24x1xf32>
    %mul3A_262 = vector.broadcast %slice3A_261 : vector<24x1xf32> to vector<24x64xf32>
    %mul3A_263 = vector.broadcast %dot_general3A_157 : vector<1x64xf32> to vector<24x64xf32>
    %mul3A_264 = arith.mulf %mul3A_262, %mul3A_263 : vector<24x64xf32>
    %slice3A_265 = vector.extract_strided_slice %get3A_27 {offsets = [0, 2], sizes = [24, 1], strides = [1, 1]} : vector<24x11xf32> to vector<24x1xf32>
    %mul3A_266 = vector.broadcast %slice3A_265 : vector<24x1xf32> to vector<24x64xf32>
    %mul3A_267 = vector.broadcast %dot_general3A_157 : vector<1x64xf32> to vector<24x64xf32>
    %mul3A_268 = arith.mulf %mul3A_266, %mul3A_267 : vector<24x64xf32>
    %slice3A_269 = vector.extract_strided_slice %get3A_27 {offsets = [0, 3], sizes = [24, 1], strides = [1, 1]} : vector<24x11xf32> to vector<24x1xf32>
    %mul3A_270 = vector.broadcast %slice3A_269 : vector<24x1xf32> to vector<24x64xf32>
    %mul3A_271 = vector.broadcast %dot_general3A_157 : vector<1x64xf32> to vector<24x64xf32>
    %mul3A_272 = arith.mulf %mul3A_270, %mul3A_271 : vector<24x64xf32>
    %slice3A_273 = vector.extract_strided_slice %get3A_27 {offsets = [0, 4], sizes = [24, 1], strides = [1, 1]} : vector<24x11xf32> to vector<24x1xf32>
    %mul3A_274 = vector.broadcast %slice3A_273 : vector<24x1xf32> to vector<24x64xf32>
    %mul3A_275 = vector.broadcast %dot_general3A_157 : vector<1x64xf32> to vector<24x64xf32>
    %mul3A_276 = arith.mulf %mul3A_274, %mul3A_275 : vector<24x64xf32>
    %slice3A_277 = vector.extract_strided_slice %get3A_27 {offsets = [0, 5], sizes = [24, 1], strides = [1, 1]} : vector<24x11xf32> to vector<24x1xf32>
    %mul3A_278 = vector.broadcast %slice3A_277 : vector<24x1xf32> to vector<24x64xf32>
    %mul3A_279 = vector.broadcast %dot_general3A_157 : vector<1x64xf32> to vector<24x64xf32>
    %mul3A_280 = arith.mulf %mul3A_278, %mul3A_279 : vector<24x64xf32>
    %slice3A_281 = vector.extract_strided_slice %get3A_27 {offsets = [0, 6], sizes = [24, 1], strides = [1, 1]} : vector<24x11xf32> to vector<24x1xf32>
    %mul3A_282 = vector.broadcast %slice3A_281 : vector<24x1xf32> to vector<24x64xf32>
    %mul3A_283 = vector.broadcast %dot_general3A_157 : vector<1x64xf32> to vector<24x64xf32>
    %mul3A_284 = arith.mulf %mul3A_282, %mul3A_283 : vector<24x64xf32>
    %slice3A_285 = vector.extract_strided_slice %get3A_27 {offsets = [0, 7], sizes = [24, 1], strides = [1, 1]} : vector<24x11xf32> to vector<24x1xf32>
    %mul3A_286 = vector.broadcast %slice3A_285 : vector<24x1xf32> to vector<24x64xf32>
    %mul3A_287 = vector.broadcast %dot_general3A_157 : vector<1x64xf32> to vector<24x64xf32>
    %mul3A_288 = arith.mulf %mul3A_286, %mul3A_287 : vector<24x64xf32>
    %slice3A_289 = vector.extract_strided_slice %get3A_27 {offsets = [0, 8], sizes = [24, 1], strides = [1, 1]} : vector<24x11xf32> to vector<24x1xf32>
    %mul3A_290 = vector.broadcast %slice3A_289 : vector<24x1xf32> to vector<24x64xf32>
    %mul3A_291 = vector.broadcast %dot_general3A_157 : vector<1x64xf32> to vector<24x64xf32>
    %mul3A_292 = arith.mulf %mul3A_290, %mul3A_291 : vector<24x64xf32>
    %slice3A_293 = vector.extract_strided_slice %get3A_27 {offsets = [0, 9], sizes = [24, 1], strides = [1, 1]} : vector<24x11xf32> to vector<24x1xf32>
    %mul3A_294 = vector.broadcast %slice3A_293 : vector<24x1xf32> to vector<24x64xf32>
    %mul3A_295 = vector.broadcast %dot_general3A_157 : vector<1x64xf32> to vector<24x64xf32>
    %mul3A_296 = arith.mulf %mul3A_294, %mul3A_295 : vector<24x64xf32>
    %slice3A_297 = vector.extract_strided_slice %get3A_27 {offsets = [0, 10], sizes = [24, 1], strides = [1, 1]} : vector<24x11xf32> to vector<24x1xf32>
    %mul3A_298 = vector.broadcast %slice3A_297 : vector<24x1xf32> to vector<24x64xf32>
    %mul3A_299 = vector.broadcast %dot_general3A_157 : vector<1x64xf32> to vector<24x64xf32>
    %mul3A_300 = arith.mulf %mul3A_298, %mul3A_299 : vector<24x64xf32>
    %concatenate3A_301 = tpu.concatenate %mul3A_260, %mul3A_264, %mul3A_268, %mul3A_272, %mul3A_276, %mul3A_280, %mul3A_284, %mul3A_288, %mul3A_292, %mul3A_296, %mul3A_300 in 1 : vector<24x64xf32>, vector<24x64xf32>, vector<24x64xf32>, vector<24x64xf32>, vector<24x64xf32>, vector<24x64xf32>, vector<24x64xf32>, vector<24x64xf32>, vector<24x64xf32>, vector<24x64xf32>, vector<24x64xf32> -> vector<24x704xf32>
    %slice3A_302 = vector.extract_strided_slice %get3A_27 {offsets = [0, 0], sizes = [24, 1], strides = [1, 1]} : vector<24x11xf32> to vector<24x1xf32>
    %mul3A_303 = vector.broadcast %slice3A_302 : vector<24x1xf32> to vector<24x64xf32>
    %mul3A_304 = vector.broadcast %dot_general3A_160 : vector<1x64xf32> to vector<24x64xf32>
    %mul3A_305 = arith.mulf %mul3A_303, %mul3A_304 : vector<24x64xf32>
    %slice3A_306 = vector.extract_strided_slice %get3A_27 {offsets = [0, 1], sizes = [24, 1], strides = [1, 1]} : vector<24x11xf32> to vector<24x1xf32>
    %mul3A_307 = vector.broadcast %slice3A_306 : vector<24x1xf32> to vector<24x64xf32>
    %mul3A_308 = vector.broadcast %dot_general3A_160 : vector<1x64xf32> to vector<24x64xf32>
    %mul3A_309 = arith.mulf %mul3A_307, %mul3A_308 : vector<24x64xf32>
    %slice3A_310 = vector.extract_strided_slice %get3A_27 {offsets = [0, 2], sizes = [24, 1], strides = [1, 1]} : vector<24x11xf32> to vector<24x1xf32>
    %mul3A_311 = vector.broadcast %slice3A_310 : vector<24x1xf32> to vector<24x64xf32>
    %mul3A_312 = vector.broadcast %dot_general3A_160 : vector<1x64xf32> to vector<24x64xf32>
    %mul3A_313 = arith.mulf %mul3A_311, %mul3A_312 : vector<24x64xf32>
    %slice3A_314 = vector.extract_strided_slice %get3A_27 {offsets = [0, 3], sizes = [24, 1], strides = [1, 1]} : vector<24x11xf32> to vector<24x1xf32>
    %mul3A_315 = vector.broadcast %slice3A_314 : vector<24x1xf32> to vector<24x64xf32>
    %mul3A_316 = vector.broadcast %dot_general3A_160 : vector<1x64xf32> to vector<24x64xf32>
    %mul3A_317 = arith.mulf %mul3A_315, %mul3A_316 : vector<24x64xf32>
    %slice3A_318 = vector.extract_strided_slice %get3A_27 {offsets = [0, 4], sizes = [24, 1], strides = [1, 1]} : vector<24x11xf32> to vector<24x1xf32>
    %mul3A_319 = vector.broadcast %slice3A_318 : vector<24x1xf32> to vector<24x64xf32>
    %mul3A_320 = vector.broadcast %dot_general3A_160 : vector<1x64xf32> to vector<24x64xf32>
    %mul3A_321 = arith.mulf %mul3A_319, %mul3A_320 : vector<24x64xf32>
    %slice3A_322 = vector.extract_strided_slice %get3A_27 {offsets = [0, 5], sizes = [24, 1], strides = [1, 1]} : vector<24x11xf32> to vector<24x1xf32>
    %mul3A_323 = vector.broadcast %slice3A_322 : vector<24x1xf32> to vector<24x64xf32>
    %mul3A_324 = vector.broadcast %dot_general3A_160 : vector<1x64xf32> to vector<24x64xf32>
    %mul3A_325 = arith.mulf %mul3A_323, %mul3A_324 : vector<24x64xf32>
    %slice3A_326 = vector.extract_strided_slice %get3A_27 {offsets = [0, 6], sizes = [24, 1], strides = [1, 1]} : vector<24x11xf32> to vector<24x1xf32>
    %mul3A_327 = vector.broadcast %slice3A_326 : vector<24x1xf32> to vector<24x64xf32>
    %mul3A_328 = vector.broadcast %dot_general3A_160 : vector<1x64xf32> to vector<24x64xf32>
    %mul3A_329 = arith.mulf %mul3A_327, %mul3A_328 : vector<24x64xf32>
    %slice3A_330 = vector.extract_strided_slice %get3A_27 {offsets = [0, 7], sizes = [24, 1], strides = [1, 1]} : vector<24x11xf32> to vector<24x1xf32>
    %mul3A_331 = vector.broadcast %slice3A_330 : vector<24x1xf32> to vector<24x64xf32>
    %mul3A_332 = vector.broadcast %dot_general3A_160 : vector<1x64xf32> to vector<24x64xf32>
    %mul3A_333 = arith.mulf %mul3A_331, %mul3A_332 : vector<24x64xf32>
    %slice3A_334 = vector.extract_strided_slice %get3A_27 {offsets = [0, 8], sizes = [24, 1], strides = [1, 1]} : vector<24x11xf32> to vector<24x1xf32>
    %mul3A_335 = vector.broadcast %slice3A_334 : vector<24x1xf32> to vector<24x64xf32>
    %mul3A_336 = vector.broadcast %dot_general3A_160 : vector<1x64xf32> to vector<24x64xf32>
    %mul3A_337 = arith.mulf %mul3A_335, %mul3A_336 : vector<24x64xf32>
    %slice3A_338 = vector.extract_strided_slice %get3A_27 {offsets = [0, 9], sizes = [24, 1], strides = [1, 1]} : vector<24x11xf32> to vector<24x1xf32>
    %mul3A_339 = vector.broadcast %slice3A_338 : vector<24x1xf32> to vector<24x64xf32>
    %mul3A_340 = vector.broadcast %dot_general3A_160 : vector<1x64xf32> to vector<24x64xf32>
    %mul3A_341 = arith.mulf %mul3A_339, %mul3A_340 : vector<24x64xf32>
    %slice3A_342 = vector.extract_strided_slice %get3A_27 {offsets = [0, 10], sizes = [24, 1], strides = [1, 1]} : vector<24x11xf32> to vector<24x1xf32>
    %mul3A_343 = vector.broadcast %slice3A_342 : vector<24x1xf32> to vector<24x64xf32>
    %mul3A_344 = vector.broadcast %dot_general3A_160 : vector<1x64xf32> to vector<24x64xf32>
    %mul3A_345 = arith.mulf %mul3A_343, %mul3A_344 : vector<24x64xf32>
    %concatenate3A_346 = tpu.concatenate %mul3A_305, %mul3A_309, %mul3A_313, %mul3A_317, %mul3A_321, %mul3A_325, %mul3A_329, %mul3A_333, %mul3A_337, %mul3A_341, %mul3A_345 in 1 : vector<24x64xf32>, vector<24x64xf32>, vector<24x64xf32>, vector<24x64xf32>, vector<24x64xf32>, vector<24x64xf32>, vector<24x64xf32>, vector<24x64xf32>, vector<24x64xf32>, vector<24x64xf32>, vector<24x64xf32> -> vector<24x704xf32>
    %get3A_347 = arith.constant 0 : index
    %get3A_348 = arith.constant 0 : index
    %get3A_349 = vector.load %arg22[%get3A_347, %get3A_348] : memref<11x11xf32, #tpu.memory_space<vmem>>, vector<11x11xf32>
    %slice3A_350 = vector.extract_strided_slice %get3A_349 {offsets = [0, 0], sizes = [11, 1], strides = [1, 1]} : vector<11x11xf32> to vector<11x1xf32>
    %mul3A_351 = vector.broadcast %slice3A_350 : vector<11x1xf32> to vector<11x64xf32>
    %mul3A_352 = vector.broadcast %slice3A_2 : vector<1x64xf32> to vector<11x64xf32>
    %mul3A_353 = arith.mulf %mul3A_351, %mul3A_352 : vector<11x64xf32>
    %slice3A_354 = vector.extract_strided_slice %get3A_349 {offsets = [0, 1], sizes = [11, 1], strides = [1, 1]} : vector<11x11xf32> to vector<11x1xf32>
    %mul3A_355 = vector.broadcast %slice3A_354 : vector<11x1xf32> to vector<11x64xf32>
    %mul3A_356 = vector.broadcast %slice3A_2 : vector<1x64xf32> to vector<11x64xf32>
    %mul3A_357 = arith.mulf %mul3A_355, %mul3A_356 : vector<11x64xf32>
    %slice3A_358 = vector.extract_strided_slice %get3A_349 {offsets = [0, 2], sizes = [11, 1], strides = [1, 1]} : vector<11x11xf32> to vector<11x1xf32>
    %mul3A_359 = vector.broadcast %slice3A_358 : vector<11x1xf32> to vector<11x64xf32>
    %mul3A_360 = vector.broadcast %slice3A_2 : vector<1x64xf32> to vector<11x64xf32>
    %mul3A_361 = arith.mulf %mul3A_359, %mul3A_360 : vector<11x64xf32>
    %slice3A_362 = vector.extract_strided_slice %get3A_349 {offsets = [0, 3], sizes = [11, 1], strides = [1, 1]} : vector<11x11xf32> to vector<11x1xf32>
    %mul3A_363 = vector.broadcast %slice3A_362 : vector<11x1xf32> to vector<11x64xf32>
    %mul3A_364 = vector.broadcast %slice3A_2 : vector<1x64xf32> to vector<11x64xf32>
    %mul3A_365 = arith.mulf %mul3A_363, %mul3A_364 : vector<11x64xf32>
    %slice3A_366 = vector.extract_strided_slice %get3A_349 {offsets = [0, 4], sizes = [11, 1], strides = [1, 1]} : vector<11x11xf32> to vector<11x1xf32>
    %mul3A_367 = vector.broadcast %slice3A_366 : vector<11x1xf32> to vector<11x64xf32>
    %mul3A_368 = vector.broadcast %slice3A_2 : vector<1x64xf32> to vector<11x64xf32>
    %mul3A_369 = arith.mulf %mul3A_367, %mul3A_368 : vector<11x64xf32>
    %slice3A_370 = vector.extract_strided_slice %get3A_349 {offsets = [0, 5], sizes = [11, 1], strides = [1, 1]} : vector<11x11xf32> to vector<11x1xf32>
    %mul3A_371 = vector.broadcast %slice3A_370 : vector<11x1xf32> to vector<11x64xf32>
    %mul3A_372 = vector.broadcast %slice3A_2 : vector<1x64xf32> to vector<11x64xf32>
    %mul3A_373 = arith.mulf %mul3A_371, %mul3A_372 : vector<11x64xf32>
    %slice3A_374 = vector.extract_strided_slice %get3A_349 {offsets = [0, 6], sizes = [11, 1], strides = [1, 1]} : vector<11x11xf32> to vector<11x1xf32>
    %mul3A_375 = vector.broadcast %slice3A_374 : vector<11x1xf32> to vector<11x64xf32>
    %mul3A_376 = vector.broadcast %slice3A_2 : vector<1x64xf32> to vector<11x64xf32>
    %mul3A_377 = arith.mulf %mul3A_375, %mul3A_376 : vector<11x64xf32>
    %slice3A_378 = vector.extract_strided_slice %get3A_349 {offsets = [0, 7], sizes = [11, 1], strides = [1, 1]} : vector<11x11xf32> to vector<11x1xf32>
    %mul3A_379 = vector.broadcast %slice3A_378 : vector<11x1xf32> to vector<11x64xf32>
    %mul3A_380 = vector.broadcast %slice3A_2 : vector<1x64xf32> to vector<11x64xf32>
    %mul3A_381 = arith.mulf %mul3A_379, %mul3A_380 : vector<11x64xf32>
    %slice3A_382 = vector.extract_strided_slice %get3A_349 {offsets = [0, 8], sizes = [11, 1], strides = [1, 1]} : vector<11x11xf32> to vector<11x1xf32>
    %mul3A_383 = vector.broadcast %slice3A_382 : vector<11x1xf32> to vector<11x64xf32>
    %mul3A_384 = vector.broadcast %slice3A_2 : vector<1x64xf32> to vector<11x64xf32>
    %mul3A_385 = arith.mulf %mul3A_383, %mul3A_384 : vector<11x64xf32>
    %slice3A_386 = vector.extract_strided_slice %get3A_349 {offsets = [0, 9], sizes = [11, 1], strides = [1, 1]} : vector<11x11xf32> to vector<11x1xf32>
    %mul3A_387 = vector.broadcast %slice3A_386 : vector<11x1xf32> to vector<11x64xf32>
    %mul3A_388 = vector.broadcast %slice3A_2 : vector<1x64xf32> to vector<11x64xf32>
    %mul3A_389 = arith.mulf %mul3A_387, %mul3A_388 : vector<11x64xf32>
    %slice3A_390 = vector.extract_strided_slice %get3A_349 {offsets = [0, 10], sizes = [11, 1], strides = [1, 1]} : vector<11x11xf32> to vector<11x1xf32>
    %mul3A_391 = vector.broadcast %slice3A_390 : vector<11x1xf32> to vector<11x64xf32>
    %mul3A_392 = vector.broadcast %slice3A_2 : vector<1x64xf32> to vector<11x64xf32>
    %mul3A_393 = arith.mulf %mul3A_391, %mul3A_392 : vector<11x64xf32>
    %concatenate3A_394 = tpu.concatenate %mul3A_353, %mul3A_357, %mul3A_361, %mul3A_365, %mul3A_369, %mul3A_373, %mul3A_377, %mul3A_381, %mul3A_385, %mul3A_389, %mul3A_393 in 1 : vector<11x64xf32>, vector<11x64xf32>, vector<11x64xf32>, vector<11x64xf32>, vector<11x64xf32>, vector<11x64xf32>, vector<11x64xf32>, vector<11x64xf32>, vector<11x64xf32>, vector<11x64xf32>, vector<11x64xf32> -> vector<11x704xf32>
    %concatenate3A_395 = tpu.concatenate %concatenate3A_222, %concatenate3A_256, %concatenate3A_301, %concatenate3A_346, %concatenate3A_394 in 0 : vector<24x704xf32>, vector<24x704xf32>, vector<24x704xf32>, vector<24x704xf32>, vector<11x704xf32> -> vector<107x704xf32>
    %dot_general3A_396 = arith.constant dense<0.000000e+00> : vector<107x11xf32>
    %dot_general3A_397 = tpu.matmul %concatenate3A_395, %get3A_33, %dot_general3A_396 {dimension_numbers = #tpu.dot_dimension_numbers<[1], [0], [0], [1], [0, 0, 1, 1], [], []>, transpose_lhs_hint = false} : vector<107x704xf32>, vector<704x11xf32>, vector<107x11xf32> -> vector<107x11xf32>
    %mul3A_398 = arith.constant 1.562500e-02 : f32
    %mul3A_399 = vector.broadcast %mul3A_398 : f32 to vector<107x11xf32>
    %mul3A_400 = arith.mulf %dot_general3A_397, %mul3A_399 : vector<107x11xf32>
    %concatenate3A_401 = tpu.concatenate %concatenate3A_395, %mul3A_400 in 1 : vector<107x704xf32>, vector<107x11xf32> -> vector<107x715xf32>
    %convert_element_type3A_402 = arith.truncf %concatenate3A_401 : vector<107x715xf32> to vector<107x715xbf16>
    %swap3A_403 = arith.constant 0 : index
    %swap3A_404 = arith.constant 0 : index
    %swap3A_405 = vector.load %arg26[%swap3A_403, %swap3A_404] : memref<107x715xbf16, #tpu.memory_space<vmem>>, vector<107x715xbf16>
    tpu.vector_store %arg26[%swap3A_403, %swap3A_404], %convert_element_type3A_402 {strides = array<i32>} : memref<107x715xbf16, #tpu.memory_space<vmem>>, vector<107x715xbf16>,
    %get3A_406 = arith.constant 0 : index
    %get3A_407 = arith.constant 0 : index
    %get3A_408 = vector.load %arg11[%get3A_406, %get3A_407] : memref<1x64xf32, #tpu.memory_space<vmem>>, vector<1x64xf32>
    %add3A_409 = vector.broadcast %get3A_408 : vector<1x64xf32> to vector<11x64xf32>
    %add3A_410 = arith.addf %add3A_46, %add3A_409 : vector<11x64xf32>
    %slice3A_411 = vector.extract_strided_slice %add3A_410 {offsets = [0, 0], sizes = [1, 64], strides = [1, 1]} : vector<11x64xf32> to vector<1x64xf32>
    %slice3A_412 = vector.extract_strided_slice %add3A_410 {offsets = [1, 0], sizes = [1, 64], strides = [1, 1]} : vector<11x64xf32> to vector<1x64xf32>
    %slice3A_413 = vector.extract_strided_slice %add3A_410 {offsets = [2, 0], sizes = [1, 64], strides = [1, 1]} : vector<11x64xf32> to vector<1x64xf32>
    %slice3A_414 = vector.extract_strided_slice %add3A_410 {offsets = [3, 0], sizes = [1, 64], strides = [1, 1]} : vector<11x64xf32> to vector<1x64xf32>
    %slice3A_415 = vector.extract_strided_slice %add3A_410 {offsets = [4, 0], sizes = [1, 64], strides = [1, 1]} : vector<11x64xf32> to vector<1x64xf32>
    %slice3A_416 = vector.extract_strided_slice %add3A_410 {offsets = [5, 0], sizes = [1, 64], strides = [1, 1]} : vector<11x64xf32> to vector<1x64xf32>
    %slice3A_417 = vector.extract_strided_slice %add3A_410 {offsets = [6, 0], sizes = [1, 64], strides = [1, 1]} : vector<11x64xf32> to vector<1x64xf32>
    %slice3A_418 = vector.extract_strided_slice %add3A_410 {offsets = [7, 0], sizes = [1, 64], strides = [1, 1]} : vector<11x64xf32> to vector<1x64xf32>
    %slice3A_419 = vector.extract_strided_slice %add3A_410 {offsets = [8, 0], sizes = [1, 64], strides = [1, 1]} : vector<11x64xf32> to vector<1x64xf32>
    %slice3A_420 = vector.extract_strided_slice %add3A_410 {offsets = [9, 0], sizes = [1, 64], strides = [1, 1]} : vector<11x64xf32> to vector<1x64xf32>
    %slice3A_421 = vector.extract_strided_slice %add3A_410 {offsets = [10, 0], sizes = [1, 64], strides = [1, 1]} : vector<11x64xf32> to vector<1x64xf32>
    %concatenate3A_422 = tpu.concatenate %slice3A_411, %slice3A_412, %slice3A_413, %slice3A_414, %slice3A_415, %slice3A_416, %slice3A_417, %slice3A_418, %slice3A_419, %slice3A_420, %slice3A_421 in 1 : vector<1x64xf32>, vector<1x64xf32>, vector<1x64xf32>, vector<1x64xf32>, vector<1x64xf32>, vector<1x64xf32>, vector<1x64xf32>, vector<1x64xf32>, vector<1x64xf32>, vector<1x64xf32>, vector<1x64xf32> -> vector<1x704xf32>
    %get3A_423 = arith.constant 0 : index
    %get3A_424 = arith.constant 0 : index
    %get3A_425 = vector.load %arg12[%get3A_423, %get3A_424] : memref<1x64xf32, #tpu.memory_space<vmem>>, vector<1x64xf32>
    %concatenate3A_426 = tpu.concatenate %get3A_425, %get3A_425, %get3A_425, %get3A_425, %get3A_425, %get3A_425, %get3A_425, %get3A_425, %get3A_425, %get3A_425, %get3A_425 in 1 : vector<1x64xf32>, vector<1x64xf32>, vector<1x64xf32>, vector<1x64xf32>, vector<1x64xf32>, vector<1x64xf32>, vector<1x64xf32>, vector<1x64xf32>, vector<1x64xf32>, vector<1x64xf32>, vector<1x64xf32> -> vector<1x704xf32>
    %get3A_427 = arith.constant 0 : index
    %get3A_428 = arith.constant 0 : index
    %get3A_429 = vector.load %arg13[%get3A_427, %get3A_428] : memref<1x64xf32, #tpu.memory_space<vmem>>, vector<1x64xf32>
    %concatenate3A_430 = tpu.concatenate %get3A_429, %get3A_429, %get3A_429, %get3A_429, %get3A_429, %get3A_429, %get3A_429, %get3A_429, %get3A_429, %get3A_429, %get3A_429 in 1 : vector<1x64xf32>, vector<1x64xf32>, vector<1x64xf32>, vector<1x64xf32>, vector<1x64xf32>, vector<1x64xf32>, vector<1x64xf32>, vector<1x64xf32>, vector<1x64xf32>, vector<1x64xf32>, vector<1x64xf32> -> vector<1x704xf32>
    %concatenate3A_431 = tpu.concatenate %concatenate3A_422, %concatenate3A_426, %concatenate3A_430 in 0 : vector<1x704xf32>, vector<1x704xf32>, vector<1x704xf32> -> vector<3x704xf32>
    %swap3A_432 = arith.constant 0 : index
    %swap3A_433 = arith.constant 0 : index
    %swap3A_434 = vector.load %arg29[%swap3A_432, %swap3A_433] : memref<3x704xf32, #tpu.memory_space<vmem>>, vector<3x704xf32>
    tpu.vector_store %arg29[%swap3A_432, %swap3A_433], %concatenate3A_431 {strides = array<i32>} : memref<3x704xf32, #tpu.memory_space<vmem>>, vector<3x704xf32>,
    %get3A_435 = arith.constant 0 : index
    %get3A_436 = arith.constant 0 : index
    %get3A_437 = vector.load %arg23[%get3A_435, %get3A_436] : memref<64x1xf32, #tpu.memory_space<vmem>>, vector<64x1xf32>
    %dot_general3A_438 = arith.constant dense<0.000000e+00> : vector<11x1xf32>
    %dot_general3A_439 = tpu.matmul %add3A_410, %get3A_437, %dot_general3A_438 {dimension_numbers = #tpu.dot_dimension_numbers<[1], [0], [0], [1], [0, 0, 1, 1], [], []>, transpose_lhs_hint = false} : vector<11x64xf32>, vector<64x1xf32>, vector<11x1xf32> -> vector<11x1xf32>
    %mul3A_440 = arith.constant 1.562500e-02 : f32
    %mul3A_441 = vector.broadcast %mul3A_440 : f32 to vector<11x1xf32>
    %mul3A_442 = arith.mulf %dot_general3A_439, %mul3A_441 : vector<11x1xf32>
    %transpose3A_443 = tpu.transpose %mul3A_442, [1, 0] : vector<11x1xf32> -> vector<1x11xf32>
    %swap3A_444 = arith.constant 0 : index
    %swap3A_445 = arith.constant 0 : index
    %swap3A_446 = vector.load %arg28[%swap3A_444, %swap3A_445] : memref<1x11xf32, #tpu.memory_space<vmem>>, vector<1x11xf32>
    tpu.vector_store %arg28[%swap3A_444, %swap3A_445], %transpose3A_443 {strides = array<i32>} : memref<1x11xf32, #tpu.memory_space<vmem>>, vector<1x11xf32>,
    return
  }
}

module attributes {stable_mosaic.version = 14 : i64} {
  func.func @_tc1_body(%arg0: i32, %arg1: memref<2048x128xf32, #tpu.memory_space<vmem>>, %arg2: memref<128x24xbf16, #tpu.memory_space<vmem>>, %arg3: memref<2048x24xf32, #tpu.memory_space<vmem>>) attributes {dimension_semantics = [#tpu.dimension_semantics<arbitrary>], iteration_bounds = array<i64: 8>, scalar_prefetch = 0 : i64, scratch_operands = 0 : i64, tpu.core_type = #tpu.core_type<tc>, window_params = [{transform_indices = @transform_0, window_bounds = array<i64: 2048, 128>}, {pipeline_mode = #tpu.pipeline_mode<synchronous>, transform_indices = @transform_1, window_bounds = array<i64: 128, 24>}, {transform_indices = @transform_2, window_bounds = array<i64: 2048, 24>}]} {
    %get3A = arith.constant 0 : index
    %get3A_0 = arith.constant 0 : index
    %get3A_1 = vector.load %arg1[%get3A, %get3A_0] : memref<2048x128xf32, #tpu.memory_space<vmem>>, vector<2048x128xf32>
    %get3A_2 = arith.constant 0 : index
    %get3A_3 = arith.constant 0 : index
    %get3A_4 = vector.load %arg2[%get3A_2, %get3A_3] : memref<128x24xbf16, #tpu.memory_space<vmem>>, vector<128x24xbf16>
    %convert_element_type3A = arith.truncf %get3A_1 : vector<2048x128xf32> to vector<2048x128xbf16>
    %dot_general3A = arith.constant dense<0.000000e+00> : vector<2048x24xf32>
    %dot_general3A_5 = tpu.matmul %convert_element_type3A, %get3A_4, %dot_general3A {dimension_numbers = #tpu.dot_dimension_numbers<[1], [0], [0], [1], [0, 0, 1, 1], [], []>, transpose_lhs_hint = false} : vector<2048x128xbf16>, vector<128x24xbf16>, vector<2048x24xf32> -> vector<2048x24xf32>
    %swap3A = arith.constant 0 : index
    %swap3A_6 = arith.constant 0 : index
    %swap3A_7 = vector.load %arg3[%swap3A, %swap3A_6] : memref<2048x24xf32, #tpu.memory_space<vmem>>, vector<2048x24xf32>
    tpu.vector_store %arg3[%swap3A, %swap3A_6], %dot_general3A_5 {strides = array<i32>} : memref<2048x24xf32, #tpu.memory_space<vmem>>, vector<2048x24xf32>,
    return
  }
  func.func @transform_0(%arg0: i32) -> (i32, i32) {
    %c0_i32 = arith.constant 0 : i32
    %c0_i32_0 = arith.constant 0 : i32
    return %arg0, %c0_i32 : i32, i32
  }
  func.func @transform_1(%arg0: i32) -> (i32, i32) {
    %c0_i32 = arith.constant 0 : i32
    %c0_i32_0 = arith.constant 0 : i32
    %c0_i32_1 = arith.constant 0 : i32
    return %c0_i32, %c0_i32_0 : i32, i32
  }
  func.func @transform_2(%arg0: i32) -> (i32, i32) {
    %c0_i32 = arith.constant 0 : i32
    %c0_i32_0 = arith.constant 0 : i32
    return %arg0, %c0_i32 : i32, i32
  }
}

module attributes {stable_mosaic.version = 14 : i64} {
  func.func @_tc2_body(%arg0: i32, %arg1: memref<2048x128xf32, #tpu.memory_space<vmem>>, %arg2: memref<2048x11xf32, #tpu.memory_space<vmem>>, %arg3: memref<2048x48xf32, #tpu.memory_space<vmem>>, %arg4: memref<128x715xbf16, #tpu.memory_space<vmem>>, %arg5: memref<107x715xbf16, #tpu.memory_space<vmem>>, %arg6: memref<11x48xbf16, #tpu.memory_space<vmem>>, %arg7: memref<1x11xf32, #tpu.memory_space<vmem>>, %arg8: memref<3x704xf32, #tpu.memory_space<vmem>>, %arg9: memref<704x11xbf16, #tpu.memory_space<vmem>>, %arg10: memref<11x704xbf16, #tpu.memory_space<vmem>>, %arg11: memref<2048x704xf32, #tpu.memory_space<vmem>>) attributes {dimension_semantics = [#tpu.dimension_semantics<arbitrary>], iteration_bounds = array<i64: 8>, scalar_prefetch = 0 : i64, scratch_operands = 0 : i64, tpu.core_type = #tpu.core_type<tc>, window_params = [{transform_indices = @transform_0, window_bounds = array<i64: 2048, 128>}, {transform_indices = @transform_1, window_bounds = array<i64: 2048, 11>}, {transform_indices = @transform_2, window_bounds = array<i64: 2048, 48>}, {pipeline_mode = #tpu.pipeline_mode<synchronous>, transform_indices = @transform_3, window_bounds = array<i64: 128, 715>}, {pipeline_mode = #tpu.pipeline_mode<synchronous>, transform_indices = @transform_4, window_bounds = array<i64: 107, 715>}, {pipeline_mode = #tpu.pipeline_mode<synchronous>, transform_indices = @transform_5, window_bounds = array<i64: 11, 48>}, {pipeline_mode = #tpu.pipeline_mode<synchronous>, transform_indices = @transform_6, window_bounds = array<i64: 1, 11>}, {pipeline_mode = #tpu.pipeline_mode<synchronous>, transform_indices = @transform_7, window_bounds = array<i64: 3, 704>}, {pipeline_mode = #tpu.pipeline_mode<synchronous>, transform_indices = @transform_8, window_bounds = array<i64: 704, 11>}, {pipeline_mode = #tpu.pipeline_mode<synchronous>, transform_indices = @transform_9, window_bounds = array<i64: 11, 704>}, {transform_indices = @transform_10, window_bounds = array<i64: 2048, 704>}]} {
    %get3A = arith.constant 0 : index
    %get3A_0 = arith.constant 0 : index
    %get3A_1 = vector.load %arg1[%get3A, %get3A_0] : memref<2048x128xf32, #tpu.memory_space<vmem>>, vector<2048x128xf32>
    %get3A_2 = arith.constant 0 : index
    %get3A_3 = arith.constant 0 : index
    %get3A_4 = vector.load %arg2[%get3A_2, %get3A_3] : memref<2048x11xf32, #tpu.memory_space<vmem>>, vector<2048x11xf32>
    %get3A_5 = arith.constant 0 : index
    %get3A_6 = arith.constant 0 : index
    %get3A_7 = vector.load %arg8[%get3A_5, %get3A_6] : memref<3x704xf32, #tpu.memory_space<vmem>>, vector<3x704xf32>
    %get3A_8 = arith.constant 0 : index
    %get3A_9 = arith.constant 0 : index
    %get3A_10 = vector.load %arg4[%get3A_8, %get3A_9] : memref<128x715xbf16, #tpu.memory_space<vmem>>, vector<128x715xbf16>
    %convert_element_type3A = arith.truncf %get3A_1 : vector<2048x128xf32> to vector<2048x128xbf16>
    %dot_general3A = arith.constant dense<0.000000e+00> : vector<2048x715xf32>
    %dot_general3A_11 = tpu.matmul %convert_element_type3A, %get3A_10, %dot_general3A {dimension_numbers = #tpu.dot_dimension_numbers<[1], [0], [0], [1], [0, 0, 1, 1], [], []>, transpose_lhs_hint = false} : vector<2048x128xbf16>, vector<128x715xbf16>, vector<2048x715xf32> -> vector<2048x715xf32>
    %get3A_12 = arith.constant 0 : index
    %get3A_13 = arith.constant 0 : index
    %get3A_14 = vector.load %arg3[%get3A_12, %get3A_13] : memref<2048x48xf32, #tpu.memory_space<vmem>>, vector<2048x48xf32>
    %get3A_15 = arith.constant 0 : index
    %get3A_16 = arith.constant 0 : index
    %get3A_17 = vector.load %arg6[%get3A_15, %get3A_16] : memref<11x48xbf16, #tpu.memory_space<vmem>>, vector<11x48xbf16>
    %convert_element_type3A_18 = arith.truncf %get3A_4 : vector<2048x11xf32> to vector<2048x11xbf16>
    %dot_general3A_19 = arith.constant dense<0.000000e+00> : vector<2048x48xf32>
    %dot_general3A_20 = tpu.matmul %convert_element_type3A_18, %get3A_17, %dot_general3A_19 {dimension_numbers = #tpu.dot_dimension_numbers<[1], [0], [0], [1], [0, 0, 1, 1], [], []>, transpose_lhs_hint = false} : vector<2048x11xbf16>, vector<11x48xbf16>, vector<2048x48xf32> -> vector<2048x48xf32>
    %mul3A = arith.mulf %get3A_14, %dot_general3A_20 : vector<2048x48xf32>
    %concatenate3A = tpu.concatenate %get3A_14, %mul3A, %get3A_4 in 1 : vector<2048x48xf32>, vector<2048x48xf32>, vector<2048x11xf32> -> vector<2048x107xf32>
    %get3A_21 = arith.constant 0 : index
    %get3A_22 = arith.constant 0 : index
    %get3A_23 = vector.load %arg5[%get3A_21, %get3A_22] : memref<107x715xbf16, #tpu.memory_space<vmem>>, vector<107x715xbf16>
    %convert_element_type3A_24 = arith.truncf %concatenate3A : vector<2048x107xf32> to vector<2048x107xbf16>
    %dot_general3A_25 = arith.constant dense<0.000000e+00> : vector<2048x715xf32>
    %dot_general3A_26 = tpu.matmul %convert_element_type3A_24, %get3A_23, %dot_general3A_25 {dimension_numbers = #tpu.dot_dimension_numbers<[1], [0], [0], [1], [0, 0, 1, 1], [], []>, transpose_lhs_hint = false} : vector<2048x107xbf16>, vector<107x715xbf16>, vector<2048x715xf32> -> vector<2048x715xf32>
    %slice3A = vector.extract_strided_slice %dot_general3A_11 {offsets = [0, 0], sizes = [2048, 704], strides = [1, 1]} : vector<2048x715xf32> to vector<2048x704xf32>
    %slice3A_27 = vector.extract_strided_slice %dot_general3A_26 {offsets = [0, 0], sizes = [2048, 704], strides = [1, 1]} : vector<2048x715xf32> to vector<2048x704xf32>
    %add3A = arith.addf %slice3A, %slice3A_27 : vector<2048x704xf32>
    %slice3A_28 = vector.extract_strided_slice %get3A_7 {offsets = [0, 0], sizes = [1, 704], strides = [1, 1]} : vector<3x704xf32> to vector<1x704xf32>
    %squeeze3A = vector.shape_cast %slice3A_28 : vector<1x704xf32> to vector<704xf32>
    %broadcast_in_dim3A = vector.shape_cast %squeeze3A : vector<704xf32> to vector<1x704xf32>
    %add3A_29 = vector.broadcast %broadcast_in_dim3A : vector<1x704xf32> to vector<2048x704xf32>
    %add3A_30 = arith.addf %add3A, %add3A_29 : vector<2048x704xf32>
    %slice3A_31 = vector.extract_strided_slice %dot_general3A_11 {offsets = [0, 704], sizes = [2048, 11], strides = [1, 1]} : vector<2048x715xf32> to vector<2048x11xf32>
    %slice3A_32 = vector.extract_strided_slice %dot_general3A_26 {offsets = [0, 704], sizes = [2048, 11], strides = [1, 1]} : vector<2048x715xf32> to vector<2048x11xf32>
    %add3A_33 = arith.addf %slice3A_31, %slice3A_32 : vector<2048x11xf32>
    %get3A_34 = arith.constant 0 : index
    %get3A_35 = arith.constant 0 : index
    %get3A_36 = vector.load %arg7[%get3A_34, %get3A_35] : memref<1x11xf32, #tpu.memory_space<vmem>>, vector<1x11xf32>
    %squeeze3A_37 = vector.shape_cast %get3A_36 : vector<1x11xf32> to vector<11xf32>
    %broadcast_in_dim3A_38 = vector.shape_cast %squeeze3A_37 : vector<11xf32> to vector<1x11xf32>
    %add3A_39 = vector.broadcast %broadcast_in_dim3A_38 : vector<1x11xf32> to vector<2048x11xf32>
    %add3A_40 = arith.addf %add3A_33, %add3A_39 : vector<2048x11xf32>
    %mul3A_41 = arith.mulf %add3A_30, %add3A_30 : vector<2048x704xf32>
    %get3A_42 = arith.constant 0 : index
    %get3A_43 = arith.constant 0 : index
    %get3A_44 = vector.load %arg9[%get3A_42, %get3A_43] : memref<704x11xbf16, #tpu.memory_space<vmem>>, vector<704x11xbf16>
    %convert_element_type3A_45 = arith.truncf %mul3A_41 : vector<2048x704xf32> to vector<2048x704xbf16>
    %dot_general3A_46 = arith.constant dense<0.000000e+00> : vector<2048x11xf32>
    %dot_general3A_47 = tpu.matmul %convert_element_type3A_45, %get3A_44, %dot_general3A_46 {dimension_numbers = #tpu.dot_dimension_numbers<[1], [0], [0], [1], [0, 0, 1, 1], [], []>, transpose_lhs_hint = false} : vector<2048x704xbf16>, vector<704x11xbf16>, vector<2048x11xf32> -> vector<2048x11xf32>
    %mul3A_48 = arith.constant 1.562500e-02 : f32
    %mul3A_49 = vector.broadcast %mul3A_48 : f32 to vector<2048x11xf32>
    %mul3A_50 = arith.mulf %dot_general3A_47, %mul3A_49 : vector<2048x11xf32>
    %mul3A_51 = arith.mulf %add3A_40, %add3A_40 : vector<2048x11xf32>
    %sub3A = arith.subf %mul3A_50, %mul3A_51 : vector<2048x11xf32>
    %add3A_52 = arith.constant 9.99999974E-6 : f32
    %add3A_53 = vector.broadcast %add3A_52 : f32 to vector<2048x11xf32>
    %add3A_54 = arith.addf %sub3A, %add3A_53 : vector<2048x11xf32>
    %rsqrt3A = math.rsqrt %add3A_54 : vector<2048x11xf32>
    %get3A_55 = arith.constant 0 : index
    %get3A_56 = arith.constant 0 : index
    %get3A_57 = vector.load %arg10[%get3A_55, %get3A_56] : memref<11x704xbf16, #tpu.memory_space<vmem>>, vector<11x704xbf16>
    %convert_element_type3A_58 = arith.truncf %rsqrt3A : vector<2048x11xf32> to vector<2048x11xbf16>
    %dot_general3A_59 = arith.constant dense<0.000000e+00> : vector<2048x704xf32>
    %dot_general3A_60 = tpu.matmul %convert_element_type3A_58, %get3A_57, %dot_general3A_59 {dimension_numbers = #tpu.dot_dimension_numbers<[1], [0], [0], [1], [0, 0, 1, 1], [], []>, transpose_lhs_hint = false} : vector<2048x11xbf16>, vector<11x704xbf16>, vector<2048x704xf32> -> vector<2048x704xf32>
    %mul3A_61 = arith.mulf %add3A_40, %rsqrt3A : vector<2048x11xf32>
    %get3A_62 = arith.constant 0 : index
    %get3A_63 = arith.constant 0 : index
    %get3A_64 = vector.load %arg10[%get3A_62, %get3A_63] : memref<11x704xbf16, #tpu.memory_space<vmem>>, vector<11x704xbf16>
    %convert_element_type3A_65 = arith.truncf %mul3A_61 : vector<2048x11xf32> to vector<2048x11xbf16>
    %dot_general3A_66 = arith.constant dense<0.000000e+00> : vector<2048x704xf32>
    %dot_general3A_67 = tpu.matmul %convert_element_type3A_65, %get3A_64, %dot_general3A_66 {dimension_numbers = #tpu.dot_dimension_numbers<[1], [0], [0], [1], [0, 0, 1, 1], [], []>, transpose_lhs_hint = false} : vector<2048x11xbf16>, vector<11x704xbf16>, vector<2048x704xf32> -> vector<2048x704xf32>
    %mul3A_68 = arith.mulf %add3A_30, %dot_general3A_60 : vector<2048x704xf32>
    %sub3A_69 = arith.subf %mul3A_68, %dot_general3A_67 : vector<2048x704xf32>
    %slice3A_70 = vector.extract_strided_slice %get3A_7 {offsets = [1, 0], sizes = [1, 704], strides = [1, 1]} : vector<3x704xf32> to vector<1x704xf32>
    %squeeze3A_71 = vector.shape_cast %slice3A_70 : vector<1x704xf32> to vector<704xf32>
    %broadcast_in_dim3A_72 = vector.shape_cast %squeeze3A_71 : vector<704xf32> to vector<1x704xf32>
    %mul3A_73 = vector.broadcast %broadcast_in_dim3A_72 : vector<1x704xf32> to vector<2048x704xf32>
    %mul3A_74 = arith.mulf %sub3A_69, %mul3A_73 : vector<2048x704xf32>
    %slice3A_75 = vector.extract_strided_slice %get3A_7 {offsets = [2, 0], sizes = [1, 704], strides = [1, 1]} : vector<3x704xf32> to vector<1x704xf32>
    %squeeze3A_76 = vector.shape_cast %slice3A_75 : vector<1x704xf32> to vector<704xf32>
    %broadcast_in_dim3A_77 = vector.shape_cast %squeeze3A_76 : vector<704xf32> to vector<1x704xf32>
    %add3A_78 = vector.broadcast %broadcast_in_dim3A_77 : vector<1x704xf32> to vector<2048x704xf32>
    %add3A_79 = arith.addf %mul3A_74, %add3A_78 : vector<2048x704xf32>
    %swap3A = arith.constant 0 : index
    %swap3A_80 = arith.constant 0 : index
    %swap3A_81 = vector.load %arg11[%swap3A, %swap3A_80] : memref<2048x704xf32, #tpu.memory_space<vmem>>, vector<2048x704xf32>
    tpu.vector_store %arg11[%swap3A, %swap3A_80], %add3A_79 {strides = array<i32>} : memref<2048x704xf32, #tpu.memory_space<vmem>>, vector<2048x704xf32>,
    return
  }
  func.func @transform_0(%arg0: i32) -> (i32, i32) {
    %c0_i32 = arith.constant 0 : i32
    %c0_i32_0 = arith.constant 0 : i32
    return %arg0, %c0_i32 : i32, i32
  }
  func.func @transform_1(%arg0: i32) -> (i32, i32) {
    %c0_i32 = arith.constant 0 : i32
    %c0_i32_0 = arith.constant 0 : i32
    return %arg0, %c0_i32 : i32, i32
  }
  func.func @transform_2(%arg0: i32) -> (i32, i32) {
    %c0_i32 = arith.constant 0 : i32
    %c0_i32_0 = arith.constant 0 : i32
    return %arg0, %c0_i32 : i32, i32
  }
  func.func @transform_3(%arg0: i32) -> (i32, i32) {
    %c0_i32 = arith.constant 0 : i32
    %c0_i32_0 = arith.constant 0 : i32
    %c0_i32_1 = arith.constant 0 : i32
    return %c0_i32, %c0_i32_0 : i32, i32
  }
  func.func @transform_4(%arg0: i32) -> (i32, i32) {
    %c0_i32 = arith.constant 0 : i32
    %c0_i32_0 = arith.constant 0 : i32
    %c0_i32_1 = arith.constant 0 : i32
    return %c0_i32, %c0_i32_0 : i32, i32
  }
  func.func @transform_5(%arg0: i32) -> (i32, i32) {
    %c0_i32 = arith.constant 0 : i32
    %c0_i32_0 = arith.constant 0 : i32
    %c0_i32_1 = arith.constant 0 : i32
    return %c0_i32, %c0_i32_0 : i32, i32
  }
  func.func @transform_6(%arg0: i32) -> (i32, i32) {
    %c0_i32 = arith.constant 0 : i32
    %c0_i32_0 = arith.constant 0 : i32
    %c0_i32_1 = arith.constant 0 : i32
    return %c0_i32, %c0_i32_0 : i32, i32
  }
  func.func @transform_7(%arg0: i32) -> (i32, i32) {
    %c0_i32 = arith.constant 0 : i32
    %c0_i32_0 = arith.constant 0 : i32
    %c0_i32_1 = arith.constant 0 : i32
    return %c0_i32, %c0_i32_0 : i32, i32
  }
  func.func @transform_8(%arg0: i32) -> (i32, i32) {
    %c0_i32 = arith.constant 0 : i32
    %c0_i32_0 = arith.constant 0 : i32
    %c0_i32_1 = arith.constant 0 : i32
    return %c0_i32, %c0_i32_0 : i32, i32
  }
  func.func @transform_9(%arg0: i32) -> (i32, i32) {
    %c0_i32 = arith.constant 0 : i32
    %c0_i32_0 = arith.constant 0 : i32
    %c0_i32_1 = arith.constant 0 : i32
    return %c0_i32, %c0_i32_0 : i32, i32
  }
  func.func @transform_10(%arg0: i32) -> (i32, i32) {
    %c0_i32 = arith.constant 0 : i32
    %c0_i32_0 = arith.constant 0 : i32
    return %arg0, %c0_i32 : i32, i32
  }
}

</mosaic_0001>

<sc_bundles>
// kernel: kernel.6.cloned.1.call-start
scs
__scs_entry_jumppad:
0x0: {  	(pc) =	sbr.rel $0x88, $3  }
0x1: {  	(tag) =	ssettag $0x0;
	lr =	simm.s32 $0x1  }
0x2: {  	[smem:$0x3F91] =	sst lr;
	_ =	strace $0xD0000000  }
0x3: {  	_ = 	snop  }
0x4: {  	_ = 	snop  }
0x5: {  	_ = 	snop  }
0x6: {  	_ = 	snop  }
0x7: {  	_ = 	snop  }
__scs_overlays_trampoline_lowered:
0x8: {  	[smem:$0x3FA0] =	sst s0  }
0x9: {  	[smem:$0x3FA1] =	sst s1  }
0xa: {  	[smem:$0x3FA2] =	sst s2  }
0xb: {  	[smem:$0x3FA3] =	sst s3  }
0xc: {  	[smem:$0x3FA4] =	sst s4  }
0xd: {  	[smem:$0x3FA5] =	sst s5  }
0xe: {  	[smem:$0x3FA6] =	sst s6  }
0xf: {  	[smem:$0x3FA7] =	sst s7  }
0x10: {  	[smem:$0x3FA8] =	sst s8  }
0x11: {  	[smem:$0x3FA9] =	sst s9;
	s0 =	simm.s32 @!p0 $0x0  }
0x12: {  	s1 =	sld [smem:$0x3F8F];
	s0 =	simm.s32 @p0 $0x1  }
0x13: {  	[smem:$0x3FAA] =	sst s0;
	s0 =	simm.s32 @!p1 $0x0  }
0x14: {  	s2 =	sld [smem:$0x3F8E];
	s0 =	simm.s32 @p1 $0x1  }
0x15: {  	[smem:$0x3FAB] =	sst s0;
	s0 =	simm.s32 @!p2 $0x0  }
0x16: {  	s3 =	sld [smem:$0x3FDB];
	s0 =	simm.s32 @p2 $0x1  }
0x17: {  	s4 =	simm.s32 $0x1BF5;
	[smem:$0x3FAD] =	sst s0  }
0x18: {  	s0 =	sld [smem:$0x3F90];
	_ =	swait.ge [sflag:s4], $0x0  }
0x19: {  	s7 =	sld [smem:$0x3F91]  }
0x1a: {  	s8 =	sadd.s32 $0xFFFFE003, lr  }
0x1b: {  	s9 =	sadd.s32 $0xFFFFFEF7, lr;
	s5 =	simm.s32 $0xFFFFFFFF;
	p2 =	slt.u32 s8, $0xFFFFF086  }
0x1c: {  	p1 =	slt.u32 s9, $0xF7A;
	s5 =	simm.s32 @!p2 $0x0  }
0x1d: {  	s5 =	simm.s32 @p1 $0x1;
	p0 =	seq.s32 s7, s2  }
0x1e: {  	s7 =	smul.u32 @!p0 $0xF7A, s2;
	p2 =	seq.s32 @!p0 s5, $0x0  }
0x1f: {  	s9 =	smul.u32 $0xF7A, s1;
	s8 =	simm.s32 @!p0 $0x1BF5;
	p2 =	por !p2, p0  }
0x20: {  	[sflag:s8] =	ssyncset.s32 @!p0 $0xFFFFF086;
	s6 =	sadd.s32 @!p0 s3, s7;
	s7 =	simm.s32 @!p0 $0x108  }
0x21: {  	s3 =	sadd.s32 s3, s9;
	s6 =	sadd.s32 @!p0 $0x88, s6;
	s7 =	simm.s32 @p2 $0x1082  }
0x22: {  	[simem:s7], [sflag:s8] =	dma.local @!p0 [hbm:s6], $0xF7A  }
0x23: {  	s9 =	sor.u32 $0xD0000000, s2;
	s6 =	simm.s32 $0x108;
	_ =	swait.ge @!p0 [sflag:s8], $0x0  }
0x24: {  	s3 =	sadd.s32 $0x88, s3;
	s6 =	simm.s32 @!p1 $0x1082;
	[sflag:s4] =	ssyncset.s32 $0xFFFFF086  }
0x25: {  	[simem:s6], [sflag:s4] =	dma.local [hbm:s3], $0xF7A  }
0x26: {  	[smem:$0x3F91] =	sst s1;
	(tag) =	ssettag s2;
	_ =	strace s9  }
0x27: {  	s1 =	sld [smem:$0x3FA1]  }
0x28: {  	s2 =	sld [smem:$0x3FA2]  }
0x29: {  	s4 =	sld [smem:$0x3FA4]  }
0x2a: {  	p0 =	seq.s32 s5, $0x0;
	s5 =	sld [smem:$0x3FA5]  }
0x2b: {  	s6 =	sld [smem:$0x3FA6]  }
0x2c: {  	s7 =	sld [smem:$0x3FA7]  }
0x2d: {  	s3 =	simm.s32 $0x108;
	s8 =	sld [smem:$0x3FA8]  }
0x2e: {  	s3 =	simm.s32 @!p0 $0x1082;
	s9 =	sld [smem:$0x3FA9]  }
0x2f: {  	lr =	sadd.s32 s0, s3;
	s0 =	sld [smem:$0x3FA0]  }
0x30: {  	s3 =	sld [smem:$0x3FA3]  }
0x31: {  	[smem:$0x3FAC] =	sst s10  }
0x32: {  	s10 =	sld [smem:$0x3FAA];
	_ =	sdelay $0x3  }
0x33: {  	p0 =	seq.s32 s10, $0x1;
	s10 =	sld [smem:$0x3FAC];
	_ =	sdelay $0x3  }
0x34: {  	[smem:$0x3FAC] =	sst s10  }
0x35: {  	s10 =	sld [smem:$0x3FAB];
	_ =	sdelay $0x3  }
0x36: {  	p1 =	seq.s32 s10, $0x1;
	s10 =	sld [smem:$0x3FAC];
	_ =	sdelay $0x3  }
0x37: {  	[smem:$0x3FAC] =	sst s10  }
0x38: {  	s10 =	sld [smem:$0x3FAD]  }
0x39: {  	_ = 	snop;
	(pc) =	sbr.ind lr, $3  }
0x3a: {  	_ = 	snop  }
0x3b: {  	_ = 	snop  }
0x3c: {  	p2 =	seq.s32 s10, $0x1;
	s10 =	sld [smem:$0x3FAC]  }
0x3d: {  	_ =	shalt  }
0x3e: {  	_ =	shalt  }
0x3f: {  	_ =	shalt  }
0x40: {  	_ =	shalt  }
0x41: {  	_ =	shalt  }
0x42: {  	_ =	shalt  }
0x43: {  	_ =	shalt  }
0x44: {  	_ =	shalt  }
0x45: {  	_ =	shalt  }
0x46: {  	_ =	shalt  }
0x47: {  	_ =	shalt  }
0x48: {  	_ =	shalt  }
0x49: {  	_ =	shalt  }
0x4a: {  	_ =	shalt  }
0x4b: {  	_ =	shalt  }
0x4c: {  	_ =	shalt  }
0x4d: {  	_ =	shalt  }
0x4e: {  	_ =	shalt  }
0x4f: {  	_ =	shalt  }
0x50: {  	_ =	shalt  }
0x51: {  	_ =	shalt  }
0x52: {  	_ =	shalt  }
0x53: {  	_ =	shalt  }
0x54: {  	_ =	shalt  }
0x55: {  	_ =	shalt  }
0x56: {  	_ =	shalt  }
0x57: {  	_ =	shalt  }
0x58: {  	_ =	shalt  }
0x59: {  	_ =	shalt  }
0x5a: {  	_ =	shalt  }
0x5b: {  	_ =	shalt  }
0x5c: {  	_ =	shalt  }
0x5d: {  	_ =	shalt  }
0x5e: {  	_ =	shalt  }
0x5f: {  	_ =	shalt  }
0x60: {  	_ =	shalt  }
0x61: {  	_ =	shalt  }
0x62: {  	_ =	shalt  }
0x63: {  	_ =	shalt  }
0x64: {  	_ =	shalt  }
0x65: {  	_ =	shalt  }
0x66: {  	_ =	shalt  }
0x67: {  	_ =	shalt  }
0x68: {  	_ =	shalt  }
0x69: {  	_ =	shalt  }
0x6a: {  	_ =	shalt  }
0x6b: {  	_ =	shalt  }
0x6c: {  	_ =	shalt  }
0x6d: {  	_ =	shalt  }
0x6e: {  	_ =	shalt  }
0x6f: {  	_ =	shalt  }
0x70: {  	_ =	shalt  }
0x71: {  	_ =	shalt  }
0x72: {  	_ =	shalt  }
0x73: {  	_ =	shalt  }
0x74: {  	_ =	shalt  }
0x75: {  	_ =	shalt  }
0x76: {  	_ =	shalt  }
0x77: {  	_ =	shalt  }
0x78: {  	_ =	shalt  }
0x79: {  	_ =	shalt  }
0x7a: {  	_ =	shalt  }
0x7b: {  	_ =	shalt  }
0x7c: {  	_ =	shalt  }
0x7d: {  	_ =	shalt  }
0x7e: {  	_ =	shalt  }
0x7f: {  	_ =	shalt  }
0x80: {  	_ =	shalt  }
0x81: {  	_ =	shalt  }
0x82: {  	_ =	shalt  }
0x83: {  	_ =	shalt  }
0x84: {  	_ =	shalt  }
0x85: {  	_ =	shalt  }
0x86: {  	_ =	shalt  }
0x87: {  	_ =	shalt  }
.Lfunc_end0:
.L_simem_size_0:
called_computation_lowered:
.L_overlay_start_0:
0x88: {  	s2 =	sld [smem:$0x3FD9]  }
0x89: {  	s3 =	sld [smem:$0x3FFE];
	_ =	sdelay $0x1  }
0x8a: {  	s1 =	srdreg.scid  }
0x8b: {  	s0 =	sand.u32 $0x1, s1  }
0x8c: {  	s17 =	sshll.u32 s0, $0xA;
	s2 =	sadd.s32 s3, s2  }
0x8d: {  	s2 =	sadd.s32 s2, s17  }
0x8e: {  	[smem:$0x3FB8] =	sst s2  }
0x8f: {  	_ = 	snop  }
0x90: {  	s2 =	sld [smem:$0x3FD0];
	(tm) =	ssettm $0x1  }
0x91: {  	s18 =	sld [smem:$0x3FFB];
	_ =	sdelay $0x3  }
0x92: {  	_ =	strace s18  }
0x93: {  	s3 =	sld [smem:$0x3FFC];
	_ =	sdelay $0x3  }
0x94: {  	_ =	strace s3  }
0x95: {  	s3 =	sld [smem:$0x3FFD];
	_ =	sdelay $0x3  }
0x96: {  	_ =	strace s3  }
0x97: {  	_ =	strace $0x8FFFFFFF  }
0x98: {  	s19 =	sld [smem:$0x3FDB];
	_ =	sdelay $0x1  }
0x99: {  	s4 =	simm.s32 $_scs_section_size  }
0x9a: {  	s5 =	simm.s32 $_size__tile_overlayer_lowered;
	s6 =	simm.s32 $_tile_overlayer_lowered  }
0x9b: {  	s22 =	simm.s32 $0x1BFF;
	s21 =	sshll.u32 s6, $0x1;
	s3 =	sadd.s32 s4, s19  }
0x9c: {  	s7 =	simm.s32 $0x0;
	s20 =	sshll.u32 s5, $0x1;
	s5 =	sadd.s32 s21, s3  }
0x9d: {  	[timem:s7], [sflag:s22] =	dma.local [hbm:s5], s20  }
0x9e: {  	_ =	swait.ge [sflag:s22], s20  }
0x9f: {  	s4 =	ssub.s32 $0x0, s20;
	[sflag:s22] =	ssyncset.done $0x0  }
0xa0: {  	[sflag:s22] =	ssyncadd.s32 s4;
	_ =	sdelay $0x1  }
0xa1: {  	s23 =	simm.s32 $0x1B8B  }
0xa2: {  	_ =	swait.ge [sflag:s23], $0x1  }
0xa3: {  	[sflag:s23] =	ssyncset.done $0x0  }
0xa4: {  	s25 =	simm.s32 $0x1B8E;
	s24 =	sld [smem:$0x3FFE];
	[sflag:s23] =	ssyncadd.s32 $0xFFFFFFFF  }
0xa5: {  	s26 =	simm.s32 $execute0_lowered;
	[smem:$0x3FD2] =	sst s25  }
0xa6: {  	s5 =	sshll.u32 s26, $0x1;
	_ =	strace $0x80000046;
	[dreg:$0x1] =	wrdreg $0xFFFFFFFF  }
0xa7: {  	s28 =	simm.s32 $_size_execute0_lowered;
	s3 =	sadd.s32 s3, s5;
	[dreg:$0x0] =	wrdreg $0x0  }
0xa8: {  	s5 =	sshll.u32 s28, $0x1;
	[dreg:$0x2] =	wrdreg s3  }
0xa9: {  	[dreg:$0x3] =	wrdreg s5  }
0xaa: {  	[dreg:$0x4] =	wrdreg $0xC0  }
0xab: {  	_ =	task [dreg:s7], $0x5FFFF  }
0xac: {  	[dreg:$0x1] =	wrdreg $0xFFFFFFFF  }
0xad: {  	[dreg:$0x0] =	wrdreg $0x60  }
0xae: {  	[dreg:$0x2] =	wrdreg s24  }
0xaf: {  	[dreg:$0x3] =	wrdreg s2  }
0xb0: {  	[dreg:$0x4] =	wrdreg $0x9  }
0xb1: {  	_ =	task.clear_ibuf [dreg:s7], $0x5FFFF;
	_ =	strace $0x90000046  }
0xb2: {  	s29 =	simm.s32 $0x9;
	_ =	strace $0x80000048  }
0xb3: {  	_ =	swait.ge [sflag:s29], $0x1  }
0xb4: {  	[sflag:s29] =	ssyncadd.s32 $0xFFFFFFFF  }
0xb5: {  	_ =	strace $0x90000048  }
0xb6: {  	_ =	sfence  }
0xb7: {  	s30 =	sld [smem:$0x0];
	_ =	sdelay $0x2  }
0xb8: {  	s31 =	sshll.u32 s1, $0xD;
	s1 =	sshrl.u32 s1, $0x2  }
0xb9: {  	s3 =	sand.u32 $0x4000, s31;
	s1 =	sadd.s32 s1, s30  }
0xba: {  	s0 =	sor.u32 s3, s0;
	s1 =	sshll.u32 s1, $0x11  }
0xbb: {  	s0 =	sor.u32 s1, s0  }
0xbc: {  	s0 =	sadd.s32 $0x8F2B, s0  }
0xbd: {  	[sflag:s0] =	ssyncadd.remote.s32 $0x1  }
0xbe: {  	_ =	sfence.sel $0xFFFF  }
0xbf: {  	[dreg:$0x0] =	wrdreg $0xFFFFFFFF;
	(pc) =	sbr.abs _section_cstart, $3  }
0xc0: {  	[dreg:$0x1] =	wrdreg $0xFFFFFFFF  }
0xc1: {  	_ =	task.clear_ibuf [dreg:s7], $0x2FFFF;
	_ =	strace $0x9FFFFFFF  }
0xc2: {  	(tm) =	ssettm $0x7FFFFFFF  }
0xc3: {  	_ =	shalt  }
tec
execute0_lowered:
.L_overlay_start_1:
0x0: {  	(tag) =	ssettag $0x1  }
0x1: {  	s4 =	rddreg [dreg:$0x0];
	s1 =	srdreg.scid  }
0x2: {  	s0 =	stileid.u32;
	s5 =	rddreg [dreg:$0x1];
	s2 =	simm.s32 $0x0  }
0x3: {  	s11 =	simm.s32 $0x4F80;
	s3 =	sand.u32 $0x1, s1;
	s6 =	sshll.u32 s0, $0x1  }
0x4: {  	s12 =	simm.s32 $0x0;
	s1 =	rddreg [dreg:$0x2];
	s6 =	sor.u32 s3, s6  }
0x5: {  	[smem:$0x7FF] =	sst s2;
	s9 =	ssub.s32 $0x2, s3;
	s7 =	smul.u32 $0x2C0, s6  }
0x6: {  	_ =	strace $0x80000047;
	s8 =	smul.u32 $0xC00, s6;
	s10 =	sshrl.u32 s9, $0x1  }
0x7: {  	s3 =	sadd.s32 $0x4200, s4;
	s6 =	smul.u32 $0x600, s6;
	s9 =	ssub.s32 s9, s10  }
0x8: {  	s10 =	simm.s32 $0x4600;
	s7 =	sadd.s32 s7, s4;
	s8 =	sadd.s32 s8, s4  }
0x9: {  	s5 =	sadd.s32 s5, s6;
	s4 =	sadd.s32 $0x4400, s7;
	s6 =	sadd.s32 $0x9C00, s8  }
0xa: {  	v0 =	vlaneseq.u32;
	v1 =	vimm.f32 $1.000000000e+00;
	s7 =	smax.u32 s9, $0x1;
	s8 =	simm.s32 $0x1;
	s9 =	simm.s32 $0x1600  }
.LBB2_1:
0xb: {  	[tilespmem:s2], [sflag:$0x1] =	stream.linear.gather [hbm4b:s4+s2], $0x1600, $0x38;
	[tilespmem:$0xAF80] =	vst v63  }
0xc: {  	_ =	swait.ge [sflag:s8], $0x1600  }
0xd: {  	[sflag:s8] =	ssyncset.done $0x0  }
0xe: {  	[sflag:s8] =	ssyncadd.s32 $0xFFFFEA00  }
0xf: {  	[tilespmem:s9], [sflag:$0x1] =	stream.linear.gather [hbm4b:s5+s2], $0x3000, $0x38;
	[tilespmem:$0xAF80] =	vst v63  }
0x10: {  	_ =	swait.ge [sflag:s8], $0x3000  }
0x11: {  	[sflag:s8] =	ssyncset.done $0x0  }
0x12: {  	[sflag:s8] =	ssyncadd.s32 $0xFFFFD000  }
0x13: {  	[tilespmem:s10], [sflag:$0x1] =	stream.linear.gather [hbm4b:s3+s2], $0x980, $0x38;
	[tilespmem:$0xAF80] =	vst v63  }
0x14: {  	_ =	swait.ge [sflag:s8], $0x980  }
0x15: {  	[sflag:s8] =	ssyncset.done $0x0  }
0x16: {  	s13 =	simm.s32 $0x0;
	[sflag:s8] =	ssyncadd.s32 $0xFFFFF680  }
.LBB2_2:
0x17: {  	v17 =	vld [tilespmem:$0x4F00]  }
0x18: {  	v13 =	vor.u32 s13, v0;
	v37 =	vld [tilespmem:$0x4600]  }
0x19: {  	v39 =	vld [tilespmem:$0x4900];
	v11 =	vmul.u32 $0xB, v13  }
0x1a: {  	v23 =	vld [tilespmem:$0x4910]  }
0x1b: {  	v24 =	vld [tilespmem:$0x4C00];
	v15 =	vmul.u32 $0x18, v13;
	v2 =	vadd.s32 $0x2, v11  }
0x1c: {  	v26 =	vld [tilespmem:$0x4C10];
	v3 =	vadd.s32 $0x3, v11  }
0x1d: {  	v41 =	vld [tilespmem:$0x4920];
	v10 =	vadd.s32 $0x16, v15  }
0x1e: {  	v27 =	vld [tilespmem:$0x4930];
	v4 =	vadd.s32 $0x5, v11  }
0x1f: {  	v6 =	vadd.s32 $0x6, v11;
	v5 =	vld.idx.msk [tilespmem:v11+s2+$0x0], $0xffff  }
0x20: {  	v9 =	vadd.s32 $0x7, v11;
	v8 =	vld.idx.msk [tilespmem:v2+s2+$0x0], $0xffff  }
0x21: {  	v12 =	vor.u32 $0x2, v15;
	v7 =	vld.idx.msk [tilespmem:v3+s2+$0x0], $0xffff  }
0x22: {  	v36 =	vor.u32 $0x3, v15;
	v16 =	vld.idx.msk [tilespmem:v10+s9+$0x0], $0xffff  }
0x23: {  	v14 =	vor.u32 $0x5, v15;
	v4 =	vld.idx.msk [tilespmem:v4+s2+$0x0], $0xffff  }
0x24: {  	v20 =	vor.u32 $0x7, v15;
	v6 =	vld.idx.msk [tilespmem:v6+s2+$0x0], $0xffff  }
0x25: {  	v2 =	vadd.s32 $0x9, v11;
	v3 =	vld.idx.msk [tilespmem:v9+s2+$0x0], $0xffff;
	v21 =	vmul.f32 v17, v5  }
0x26: {  	v19 =	vld.idx.msk [tilespmem:v12+s9+$0x0], $0xffff  }
0x27: {  	v18 =	vor.u32 $0x6, v15;
	v9 =	vld.idx.msk [tilespmem:v36+s9+$0x0], $0xffff;
	v38 =	vadd.f32 v21, v16  }
0x28: {  	v22 =	vadd.s32 $0x9, v15;
	v10 =	vld.idx.msk [tilespmem:v14+s9+$0x0], $0xffff  }
0x29: {  	v14 =	vld.idx.msk [tilespmem:v20+s9+$0x0], $0xffff;
	v12 =	vadd.f32 v38, v37  }
0x2a: {  	v2 =	vld.idx.msk [tilespmem:v2+s2+$0x0], $0xffff  }
0x2b: {  	v42 =	vld [tilespmem:$0x4940];
	v25 =	vmul.f32 v12, v7  }
0x2c: {  	v18 =	vld.idx.msk [tilespmem:v18+s9+$0x0], $0xffff;
	v23 =	vmul.f32 v23, v5;
	v40 =	vmul.f32 v12, v8  }
0x2d: {  	v20 =	vld.idx.msk [tilespmem:v22+s9+$0x0], $0xffff;
	v21 =	vmul.f32 v39, v5;
	v30 =	vmul.f32 v12, v3;
	v9 =	vadd.f32 v25, v9  }
0x2e: {  	v28 =	vld [tilespmem:$0x4950];
	v43 =	vmul.f32 v12, v4;
	v45 =	vmul.f32 v12, v6;
	v22 =	vadd.f32 v40, v19  }
0x2f: {  	v44 =	vld [tilespmem:$0x4C20];
	v12 =	vmul.f32 v12, v2;
	v46 =	vadd.f32 v30, v14;
	v9 =	vadd.f32 v23, v9  }
0x30: {  	v29 =	vld [tilespmem:$0x4C30];
	v25 =	vmul.f32 v41, v5;
	v21 =	vadd.f32 v21, v22;
	v23 =	vadd.f32 v43, v10  }
0x31: {  	v31 =	vld [tilespmem:$0x4C40];
	v27 =	vmul.f32 v27, v5;
	v9 =	vadd.f32 v9, v26;
	v26 =	vadd.f32 v45, v18  }
0x32: {  	v47 =	vld [tilespmem:$0x4C50];
	v12 =	vadd.f32 v12, v20;
	v22 =	vmul.f32 v42, v5;
	v23 =	vadd.f32 v25, v23  }
0x33: {  	v48 =	vmul.f32 v28, v5;
	v21 =	vadd.f32 v21, v24;
	v26 =	vadd.f32 v27, v26  }
0x34: {  	v49 =	vadd.s32 $0x1, v11;
	v22 =	vadd.f32 v22, v46;
	v23 =	vadd.f32 v23, v44  }
0x35: {  	v12 =	vadd.f32 v48, v12;
	v51 =	vmax.f32 v21, v9;
	v50 =	vadd.f32 v26, v29  }
0x36: {  	v22 =	vadd.f32 v22, v31;
	v25 =	vmax.f32 v51, v23  }
0x37: {  	v52 =	vadd.f32 v12, v47;
	v53 =	vmax.f32 v25, v50  }
0x38: {  	v25 =	vmax.f32 v53, v22  }
0x39: {  	v12 =	vld.idx.msk [tilespmem:v49+s2+$0x0], $0xffff;
	v25 =	vmax.f32 v25, v52  }
0x3a: {  	v54 =	vadd.s32 $0xA, v11;
	v21 =	vsub.f32 v21, v25  }
0x3b: {  	v9 =	vsub.f32 v9, v25  }
0x3c: {  	v55 =	vadd.s32 $0xA, v15;
	v21 =	vmul.f32 $1.442695020e+00, v21  }
0x3d: {  	v56 =	vld [tilespmem:$0x4660];
	v23 =	vsub.f32 v23, v25;
	v9 =	vmul.f32 $1.442695020e+00, v9  }
0x3e: {  	v57 =	vmul.f32 v17, v12;
	(erf) = vpow2.f32 v21  }
0x3f: {  	v59 =	vsub.f32 v50, v25;
	v58 =	vmul.f32 $1.442695020e+00, v23;
	(erf) = vpow2.f32 v9;
	v9 =	vld.idx.msk [tilespmem:v54+s2+$0x0], $0xffff  }
0x40: {  	v63 =	vld [tilespmem:$0x4960];
	v60 =	vadd.f32 v57, v16  }
0x41: {  	v27 =	vld.idx.msk [tilespmem:v55+s9+$0x0], $0xffff;
	v22 =	vsub.f32 v22, v25;
	v61 =	vmul.f32 $1.442695020e+00, v59;
	(erf) = vpow2.f32 v58  }
0x42: {  	v33 =	vld [tilespmem:$0x4970];
	v37 =	vmul.f32 v17, v8;
	v62 =	vadd.f32 v56, v60  }
0x43: {  	v36 =	vld [tilespmem:$0x4680];
	v35 =	vsub.f32 v52, v25;
	v34 =	vmul.f32 $1.442695020e+00, v22;
	(erf) = vpow2.f32 v61  }
0x44: {  	v38 =	vmul.f32 v62, v8;
	v41 =	vmul.f32 v62, v9  }
0x45: {  	v32 =	vld [tilespmem:$0x4980];
	v39 =	vmul.f32 $1.442695020e+00, v35;
	(erf) = vpow2.f32 v34  }
0x46: {  	v40 =	vld [tilespmem:$0x4C60];
	v42 =	vadd.f32 v37, v16;
	v22 =	vadd.f32 v41, v27  }
0x47: {  	v24 =	vld.idx.msk [tilespmem:v15+s9+$0x0], $0xffff;
	v43 =	vadd.f32 v38, v19;
	(erf) = vpow2.f32 v39;
	v19 =	vpop (erf)  }
0x48: {  	v44 =	vld [tilespmem:$0x4C70];
	v28 =	vmul.f32 v63, v12;
	v29 =	vmul.f32 v33, v12;
	v33 =	vadd.f32 v36, v42;
	v21 =	vpop (erf)  }
0x49: {  	v34 =	vor.u32 $0x1, v15;
	v45 =	vadd.f32 v21, v19  }
0x4a: {  	v48 =	vmul.f32 v33, v5;
	v46 =	vadd.f32 v28, v43;
	v47 =	vadd.f32 v29, v22;
	v22 =	vpop (erf)  }
0x4b: {  	v52 =	vld [tilespmem:$0x49A0];
	v35 =	vadd.f32 v45, v22  }
0x4c: {  	v49 =	vld [tilespmem:$0x4990];
	v50 =	vadd.f32 v48, v24;
	v31 =	vadd.f32 v46, v40;
	v23 =	vpop (erf)  }
0x4d: {  	v51 =	vmul.f32 v32, v8;
	v36 =	vld [tilespmem:$0x4C80];
	v30 =	vadd.f32 v47, v44;
	v35 =	vadd.f32 v35, v23  }
0x4e: {  	v56 =	vmul.f32 v33, v6;
	v38 =	vmul.f32 v33, v12;
	v34 =	vld.idx.msk [tilespmem:v34+s9+$0x0], $0xffff;
	v25 =	vpop (erf)  }
0x4f: {  	v28 =	vadd.f32 v51, v50;
	v37 =	vmax.f32 v31, v30;
	v35 =	vadd.f32 v35, v25  }
0x50: {  	v32 =	vmul.f32 v52, v8;
	v58 =	vadd.f32 v56, v18;
	v40 =	vld [tilespmem:$0x49B0];
	v26 =	vpop (erf);
	v31 =	vsub.f32 v31, v37  }
0x51: {  	v53 =	vld [tilespmem:$0x49C0];
	v39 =	vmul.f32 v33, v4;
	v30 =	vsub.f32 v30, v37;
	v35 =	vadd.f32 v35, v26  }
0x52: {  	v54 =	vld [tilespmem:$0x4C90];
	v36 =	vadd.f32 v28, v36;
	v29 =	vmul.f32 v49, v8;
	v31 =	vmul.f32 $1.442695020e+00, v31  }
0x53: {  	v55 =	vld [tilespmem:$0x4CA0];
	v34 =	vadd.f32 v38, v34;
	v30 =	vmul.f32 $1.442695020e+00, v30;
	(erf) = vrcp.f32 v35  }
0x54: {  	v57 =	vld [tilespmem:$0x4CB0];
	v33 =	vmul.f32 v33, v2;
	v10 =	vadd.f32 v39, v10;
	(erf) = vpow2.f32 v31  }
0x55: {  	v59 =	vmul.f32 v40, v8;
	v29 =	vadd.f32 v29, v34;
	(erf) = vpow2.f32 v30  }
0x56: {  	v60 =	vld [tilespmem:$0x4CC0];
	v61 =	vadd.f32 v33, v20;
	v10 =	vadd.f32 v32, v10  }
0x57: {  	v62 =	vmul.f32 v53, v8;
	v34 =	vadd.f32 v59, v58;
	v63 =	vadd.f32 v29, v54  }
0x58: {  	v10 =	vadd.f32 v10, v55  }
0x59: {  	v39 =	vmax.f32 v36, v63;
	v35 =	vadd.f32 v62, v61;
	v31 =	vadd.f32 v34, v57  }
0x5a: {  	v28 =	vmax.f32 v39, v10  }
0x5b: {  	v32 =	vadd.f32 v35, v60;
	v28 =	vmax.f32 v28, v31  }
0x5c: {  	v30 =	vpop (erf)  }
0x5d: {  	v40 =	vmax.f32 v28, v32;
	v29 =	vpop (erf)  }
0x5e: {  	v41 =	vsub.f32 v36, v40;
	v28 =	vpop (erf)  }
0x5f: {  	v43 =	vsub.f32 v63, v40;
	v42 =	vadd.f32 v28, v29  }
0x60: {  	v34 =	vmul.f32 $1.442695020e+00, v41  }
0x61: {  	v44 =	vld [tilespmem:$0x46D0];
	v10 =	vsub.f32 v10, v40;
	v45 =	vmul.f32 $1.442695020e+00, v43;
	(erf) = vrcp.f32 v42  }
0x62: {  	v47 =	vmul.f32 v17, v7;
	(erf) = vpow2.f32 v34  }
0x63: {  	v31 =	vsub.f32 v31, v40;
	v10 =	vmul.f32 $1.442695020e+00, v10;
	(erf) = vpow2.f32 v45  }
0x64: {  	v46 =	vadd.s32 $0x4, v11;
	v53 =	vld [tilespmem:$0x49E0];
	v48 =	vadd.f32 v47, v16  }
0x65: {  	v49 =	vld [tilespmem:$0x49D0];
	v51 =	vsub.f32 v32, v40;
	v50 =	vmul.f32 $1.442695020e+00, v31;
	(erf) = vpow2.f32 v10  }
0x66: {  	v52 =	vadd.f32 v44, v48  }
0x67: {  	v31 =	vmul.f32 $1.442695020e+00, v51;
	(erf) = vpow2.f32 v50  }
0x68: {  	v55 =	vld [tilespmem:$0x4CD0];
	v32 =	vmul.f32 v52, v9  }
0x69: {  	v54 =	vmul.f32 v52, v5;
	v57 =	vld [tilespmem:$0x4CE0];
	(erf) = vpow2.f32 v31  }
0x6a: {  	v58 =	vmul.f32 v53, v7;
	v35 =	vmul.f32 v49, v7;
	v27 =	vadd.f32 v32, v27;
	v10 =	vld.idx.msk [tilespmem:v46+s2+$0x0], $0xffff;
	v33 =	vpop (erf)  }
0x6b: {  	v56 =	vadd.f32 v54, v24;
	v34 =	vpop (erf)  }
0x6c: {  	v11 =	vadd.s32 $0x8, v11;
	v27 =	vadd.f32 v58, v27;
	v32 =	vpop (erf)  }
0x6d: {  	v59 =	vadd.s32 $0x8, v15;
	v60 =	vld [tilespmem:$0x46F0];
	v31 =	vadd.f32 v35, v56;
	v61 =	vadd.f32 v32, v34  }
0x6e: {  	v27 =	vadd.f32 v27, v57;
	v42 =	vld [tilespmem:$0x4A00];
	v35 =	vpop (erf)  }
0x6f: {  	v31 =	vadd.f32 v31, v55;
	v41 =	vmul.f32 v17, v10;
	v62 =	vadd.f32 v61, v35  }
0x70: {  	v36 =	vpop (erf)  }
0x71: {  	v11 =	vld.idx.msk [tilespmem:v11+s2+$0x0], $0xffff;
	v49 =	vmax.f32 v31, v27;
	v63 =	vadd.f32 v41, v16;
	v48 =	vadd.f32 v62, v36  }
0x72: {  	v45 =	vld.idx.msk [tilespmem:v59+s9+$0x0], $0xffff;
	v31 =	vsub.f32 v31, v49;
	v27 =	vsub.f32 v27, v49;
	v37 =	vpop (erf)  }
0x73: {  	v50 =	vld [tilespmem:$0x49F0];
	v42 =	vmul.f32 v42, v10;
	v38 =	vadd.f32 v60, v63;
	v39 =	vadd.f32 v48, v37  }
0x74: {  	v43 =	vld [tilespmem:$0x4A10];
	v31 =	vmul.f32 $1.442695020e+00, v31;
	v27 =	vmul.f32 $1.442695020e+00, v27  }
0x75: {  	v51 =	vmul.f32 v38, v5;
	(erf) = vrcp.f32 v39  }
0x76: {  	v54 =	vld [tilespmem:$0x4D00];
	v44 =	vmul.f32 v38, v11;
	(erf) = vpow2.f32 v31  }
0x77: {  	v52 =	vld [tilespmem:$0x4CF0];
	v38 =	vmul.f32 v38, v2;
	(erf) = vpow2.f32 v27  }
0x78: {  	v57 =	vld [tilespmem:$0x4D10];
	v55 =	vmul.f32 v50, v10;
	v53 =	vadd.f32 v51, v24;
	v56 =	vadd.f32 v44, v45  }
0x79: {  	v58 =	vmul.f32 v43, v10;
	v20 =	vadd.f32 v38, v20  }
0x7a: {  	v59 =	vadd.f32 v42, v56;
	v27 =	vadd.f32 v55, v53  }
0x7b: {  	v20 =	vadd.f32 v58, v20  }
0x7c: {  	v31 =	vadd.f32 v59, v54;
	v27 =	vadd.f32 v27, v52  }
0x7d: {  	v20 =	vadd.f32 v20, v57  }
0x7e: {  	v60 =	vmax.f32 v27, v31;
	v41 =	vpop (erf)  }
0x7f: {  	v61 =	vld [tilespmem:$0x4720];
	v38 =	vmax.f32 v60, v20;
	v39 =	vpop (erf)  }
0x80: {  	v62 =	vmul.f32 v17, v4;
	v27 =	vsub.f32 v27, v38;
	v40 =	vpop (erf)  }
0x81: {  	v31 =	vsub.f32 v31, v38;
	v63 =	vadd.f32 v40, v39  }
0x82: {  	v43 =	vadd.f32 v62, v16;
	v27 =	vmul.f32 $1.442695020e+00, v27  }
0x83: {  	v46 =	vld [tilespmem:$0x4A20];
	v20 =	vsub.f32 v20, v38;
	v31 =	vmul.f32 $1.442695020e+00, v31;
	(erf) = vrcp.f32 v63  }
0x84: {  	v48 =	vld [tilespmem:$0x4A30];
	v47 =	vadd.f32 v61, v43;
	(erf) = vpow2.f32 v27  }
0x85: {  	v20 =	vmul.f32 $1.442695020e+00, v20;
	(erf) = vpow2.f32 v31  }
0x86: {  	v49 =	vmul.f32 v47, v5  }
0x87: {  	v50 =	vld [tilespmem:$0x4D20];
	v38 =	vmul.f32 v47, v6;
	(erf) = vpow2.f32 v20  }
0x88: {  	v53 =	vmul.f32 v46, v4;
	v52 =	vld [tilespmem:$0x4D30]  }
0x89: {  	v54 =	vmul.f32 v48, v4;
	v51 =	vadd.f32 v49, v24;
	v18 =	vadd.f32 v38, v18;
	_ =	sdelay $0x1  }
0x8a: {  	v47 =	vld [tilespmem:$0x4740];
	v18 =	vadd.f32 v54, v18;
	v20 =	vadd.f32 v53, v51  }
0x8b: {  	v17 =	vmul.f32 v17, v2;
	v55 =	vor.u32 $0x4, v15;
	v60 =	vld [tilespmem:$0x4A50];
	v43 =	vpop (erf)  }
0x8c: {  	v18 =	vadd.f32 v18, v52;
	v20 =	vadd.f32 v20, v50;
	v44 =	vpop (erf)  }
0x8d: {  	v16 =	vadd.f32 v17, v16;
	v42 =	vpop (erf)  }
0x8e: {  	v58 =	vmax.f32 v20, v18;
	v57 =	vadd.f32 v42, v44  }
0x8f: {  	v59 =	vld [tilespmem:$0x4A40];
	v16 =	vadd.f32 v47, v16;
	v20 =	vsub.f32 v20, v58;
	v46 =	vpop (erf)  }
0x90: {  	v56 =	vld.idx.msk [tilespmem:v55+s9+$0x0], $0xffff;
	v54 =	vmul.f32 v60, v2;
	v18 =	vsub.f32 v18, v58;
	v24 =	vadd.f32 v57, v46  }
0x91: {  	v62 =	vld [tilespmem:$0x4A60];
	v61 =	vmul.f32 v16, v10;
	v20 =	vmul.f32 $1.442695020e+00, v20  }
0x92: {  	v18 =	vmul.f32 $1.442695020e+00, v18;
	(erf) = vrcp.f32 v24  }
0x93: {  	v63 =	vld [tilespmem:$0x4D40];
	v48 =	vmul.f32 v16, v3;
	(erf) = vpow2.f32 v20  }
0x94: {  	v52 =	vld [tilespmem:$0x4D50];
	v16 =	vmul.f32 v16, v11;
	(erf) = vpow2.f32 v18  }
0x95: {  	v55 =	vld [tilespmem:$0x4D60];
	v17 =	vadd.f32 v61, v56;
	v53 =	vmul.f32 v59, v2;
	v14 =	vadd.f32 v48, v14  }
0x96: {  	v16 =	vadd.f32 v16, v45;
	v56 =	vmul.f32 v62, v2  }
0x97: {  	v17 =	vadd.f32 v53, v17;
	v14 =	vadd.f32 v54, v14  }
0x98: {  	v60 =	vadd.s32 $0xE, v15;
	v16 =	vadd.f32 v56, v16  }
0x99: {  	v14 =	vadd.f32 v14, v52;
	v58 =	vadd.s32 $0xC, v15;
	v24 =	vadd.f32 v17, v63  }
0x9a: {  	v59 =	vadd.s32 $0xD, v15;
	v16 =	vadd.f32 v16, v55  }
0x9b: {  	v55 =	vadd.s32 $0x14, v15;
	v62 =	vmax.f32 v24, v14;
	v47 =	vpop (erf)  }
0x9c: {  	v57 =	vadd.s32 $0xB, v15;
	v49 =	vmax.f32 v62, v16;
	v48 =	vpop (erf)  }
0x9d: {  	v61 =	vadd.s32 $0xF, v15;
	v54 =	vld.idx.msk [tilespmem:v60+s9+$0x0], $0xffff;
	v24 =	vsub.f32 v24, v49;
	v50 =	vpop (erf)  }
0x9e: {  	v27 =	vld.idx.msk [tilespmem:v58+s9+$0x0], $0xffff;
	v58 =	vadd.s32 $0x13, v15;
	v53 =	vsub.f32 v14, v49;
	v52 =	vadd.f32 v50, v48  }
0x9f: {  	v51 =	vadd.s32 $0x12, v15;
	v38 =	vld.idx.msk [tilespmem:v59+s9+$0x0], $0xffff;
	v63 =	vadd.s32 $0x10, v15;
	v24 =	vmul.f32 $1.442695020e+00, v24  }
0xa0: {  	v20 =	vld.idx.msk [tilespmem:v55+s9+$0x0], $0xffff;
	v16 =	vsub.f32 v16, v49;
	v59 =	vmul.f32 $1.442695020e+00, v53;
	(erf) = vrcp.f32 v52  }
0xa1: {  	v13 =	vmul.u32 $0x30, v13;
	v17 =	vld.idx.msk [tilespmem:v57+s9+$0x0], $0xffff;
	v57 =	vadd.s32 $0x11, v15;
	(erf) = vpow2.f32 v24  }
0xa2: {  	v14 =	vld.idx.msk [tilespmem:v61+s9+$0x0], $0xffff;
	v61 =	vadd.s32 $0x17, v15;
	v62 =	vmul.f32 $1.442695020e+00, v16;
	(erf) = vpow2.f32 v59  }
0xa3: {  	v60 =	vadd.s32 $0x15, v15;
	v15 =	vld.idx.msk [tilespmem:v58+s9+$0x0], $0xffff  }
0xa4: {  	v31 =	vld.idx.msk [tilespmem:v63+s9+$0x0], $0xffff;
	v63 =	vor.u32 $0x1, v13;
	(erf) = vpow2.f32 v62  }
0xa5: {  	v56 =	vor.u32 $0x2, v13;
	v16 =	vld.idx.msk [tilespmem:v51+s9+$0x0], $0xffff  }
0xa6: {  	v58 =	vor.u32 $0x3, v13;
	v18 =	vld.idx.msk [tilespmem:v57+s9+$0x0], $0xffff;
	v57 =	vmul.f32 v30, v19  }
0xa7: {  	v21 =	vmul.f32 v30, v21;
	v19 =	vld.idx.msk [tilespmem:v61+s9+$0x0], $0xffff;
	v59 =	vor.u32 $0x4, v13  }
0xa8: {  	v22 =	vmul.f32 v30, v22;
	v24 =	vld.idx.msk [tilespmem:v60+s9+$0x0], $0xffff;
	[tilespmem:v13+s11+$0x0] =	vst.idx.msk $0xffff, v57;
	v60 =	vor.u32 $0x5, v13  }
0xa9: {  	v23 =	vmul.f32 v30, v23;
	v61 =	vor.u32 $0x6, v13;
	[tilespmem:v63+s11+$0x0] =	vst.idx.msk $0xffff, v21;
	v51 =	vpop (erf)  }
0xaa: {  	v25 =	vmul.f32 v30, v25;
	[tilespmem:v56+s11+$0x0] =	vst.idx.msk $0xffff, v22;
	v62 =	vor.u32 $0x7, v13;
	v52 =	vpop (erf)  }
0xab: {  	v26 =	vmul.f32 v30, v26;
	[tilespmem:v58+s11+$0x0] =	vst.idx.msk $0xffff, v23;
	v23 =	vor.u32 $0x8, v13;
	v30 =	vpop (erf)  }
0xac: {  	v63 =	vmul.f32 v33, v29;
	v29 =	vor.u32 $0x9, v13;
	[tilespmem:v59+s11+$0x0] =	vst.idx.msk $0xffff, v25;
	v53 =	vadd.f32 v30, v52  }
0xad: {  	v55 =	vmul.f32 v33, v28;
	v56 =	vor.u32 $0xA, v13;
	[tilespmem:v60+s11+$0x0] =	vst.idx.msk $0xffff, v26;
	v33 =	vpop (erf)  }
0xae: {  	v57 =	vmul.f32 v41, v34;
	v58 =	vor.u32 $0xB, v13;
	[tilespmem:v61+s11+$0x0] =	vst.idx.msk $0xffff, v63;
	v59 =	vadd.f32 v53, v33  }
0xaf: {  	v60 =	vmul.f32 v41, v32;
	v61 =	vor.u32 $0xC, v13;
	[tilespmem:v62+s11+$0x0] =	vst.idx.msk $0xffff, v55  }
0xb0: {  	v63 =	vor.u32 $0xD, v13;
	v62 =	vmul.f32 v41, v35;
	[tilespmem:v23+s11+$0x0] =	vst.idx.msk $0xffff, v57;
	(erf) = vrcp.f32 v59  }
0xb1: {  	v35 =	vmul.f32 v41, v36;
	v36 =	vor.u32 $0xE, v13;
	[tilespmem:v29+s11+$0x0] =	vst.idx.msk $0xffff, v60  }
0xb2: {  	v45 =	vmul.f32 v41, v37;
	v49 =	vor.u32 $0xF, v13;
	[tilespmem:v56+s11+$0x0] =	vst.idx.msk $0xffff, v62  }
0xb3: {  	v55 =	vadd.s32 $0x10, v13;
	[tilespmem:v58+s11+$0x0] =	vst.idx.msk $0xffff, v35;
	v53 =	vmul.f32 v43, v39  }
0xb4: {  	v57 =	vadd.s32 $0x11, v13;
	v56 =	vmul.f32 v43, v40;
	[tilespmem:v61+s11+$0x0] =	vst.idx.msk $0xffff, v45  }
0xb5: {  	v58 =	vmul.f32 v47, v44;
	[tilespmem:v63+s11+$0x0] =	vst.idx.msk $0xffff, v53;
	v59 =	vadd.s32 $0x12, v13  }
0xb6: {  	v60 =	vmul.f32 v47, v42;
	v61 =	vadd.s32 $0x13, v13;
	[tilespmem:v36+s11+$0x0] =	vst.idx.msk $0xffff, v56  }
0xb7: {  	v62 =	vmul.f32 v47, v46;
	v63 =	vadd.s32 $0x14, v13;
	[tilespmem:v49+s11+$0x0] =	vst.idx.msk $0xffff, v58  }
0xb8: {  	v37 =	vadd.s32 $0x15, v13;
	v36 =	vmul.f32 v51, v48;
	[tilespmem:v55+s11+$0x0] =	vst.idx.msk $0xffff, v60  }
0xb9: {  	v41 =	vadd.s32 $0x16, v13;
	v39 =	vmul.f32 v51, v50;
	[tilespmem:v57+s11+$0x0] =	vst.idx.msk $0xffff, v62;
	v40 =	vpop (erf)  }
0xba: {  	v43 =	vadd.s32 $0x17, v13;
	[tilespmem:v59+s11+$0x0] =	vst.idx.msk $0xffff, v36;
	v42 =	vmul.f32 v40, v52  }
0xbb: {  	[tilespmem:v61+s11+$0x0] =	vst.idx.msk $0xffff, v39;
	v44 =	vmul.f32 v40, v30  }
0xbc: {  	v45 =	vmul.f32 v40, v33;
	[tilespmem:v63+s11+$0x0] =	vst.idx.msk $0xffff, v42  }
0xbd: {  	[tilespmem:v37+s11+$0x0] =	vst.idx.msk $0xffff, v44  }
0xbe: {  	[tilespmem:v41+s11+$0x0] =	vst.idx.msk $0xffff, v45  }
0xbf: {  	[tilespmem:v43+s11+$0x0] =	vst.idx.msk $0xffff, v1  }
0xc0: {  	v21 =	vld [tilespmem:$0x4F10];
	_ =	sdelay $0x1  }
0xc1: {  	v22 =	vld [tilespmem:$0x4780]  }
0xc2: {  	v25 =	vld [tilespmem:$0x4A80]  }
0xc3: {  	v47 =	vld [tilespmem:$0x4A90]  }
0xc4: {  	v32 =	vld [tilespmem:$0x4AA0];
	v46 =	vmul.f32 v21, v5;
	_ =	sdelay $0x1  }
0xc5: {  	v23 =	vadd.f32 v46, v19;
	_ =	sdelay $0x1  }
0xc6: {  	v28 =	vld [tilespmem:$0x4D80];
	v25 =	vmul.f32 v25, v5;
	v22 =	vadd.f32 v23, v22  }
0xc7: {  	v51 =	vld [tilespmem:$0x4AB0];
	v32 =	vmul.f32 v32, v5;
	v23 =	vmul.f32 v47, v5  }
0xc8: {  	v50 =	vld [tilespmem:$0x4D90];
	v48 =	vmul.f32 v22, v8;
	v49 =	vmul.f32 v22, v7  }
0xc9: {  	v52 =	vld [tilespmem:$0x4AC0];
	v56 =	vmul.f32 v22, v6;
	v58 =	vmul.f32 v22, v3  }
0xca: {  	v53 =	vmul.f32 v22, v4;
	v26 =	vadd.f32 v48, v38;
	v29 =	vadd.f32 v49, v54;
	v54 =	vld [tilespmem:$0x4AD0]  }
0xcb: {  	v55 =	vld [tilespmem:$0x4DA0];
	v22 =	vmul.f32 v22, v2;
	v30 =	vadd.f32 v56, v18;
	v60 =	vadd.f32 v58, v16  }
0xcc: {  	v57 =	vld [tilespmem:$0x4DB0];
	v33 =	vmul.f32 v51, v5;
	v23 =	vadd.f32 v23, v29;
	v29 =	vadd.f32 v53, v31  }
0xcd: {  	v59 =	vld [tilespmem:$0x4DC0];
	v22 =	vadd.f32 v22, v20;
	v25 =	vadd.f32 v25, v26  }
0xce: {  	v61 =	vld [tilespmem:$0x4DD0];
	v26 =	vmul.f32 v52, v5;
	v30 =	vadd.f32 v33, v30;
	v29 =	vadd.f32 v32, v29  }
0xcf: {  	v25 =	vadd.f32 v25, v28;
	v23 =	vadd.f32 v23, v50;
	v62 =	vmul.f32 v54, v5  }
0xd0: {  	v26 =	vadd.f32 v26, v60;
	v28 =	vadd.f32 v29, v55  }
0xd1: {  	v63 =	vadd.f32 v30, v57;
	v39 =	vmax.f32 v25, v23;
	v22 =	vadd.f32 v62, v22  }
0xd2: {  	v26 =	vadd.f32 v26, v59;
	v30 =	vmax.f32 v39, v28  }
0xd3: {  	v22 =	vadd.f32 v22, v61;
	v30 =	vmax.f32 v30, v63  }
0xd4: {  	v30 =	vmax.f32 v30, v26  }
0xd5: {  	v30 =	vmax.f32 v30, v22  }
0xd6: {  	v25 =	vsub.f32 v25, v30  }
0xd7: {  	v23 =	vsub.f32 v23, v30  }
0xd8: {  	v25 =	vmul.f32 $1.442695020e+00, v25  }
0xd9: {  	v40 =	vld [tilespmem:$0x47E0];
	v28 =	vsub.f32 v28, v30;
	v23 =	vmul.f32 $1.442695020e+00, v23  }
0xda: {  	v41 =	vmul.f32 v21, v12;
	(erf) = vpow2.f32 v25  }
0xdb: {  	v43 =	vsub.f32 v63, v30;
	v42 =	vmul.f32 $1.442695020e+00, v28;
	(erf) = vpow2.f32 v23  }
0xdc: {  	v44 =	vadd.f32 v41, v19  }
0xdd: {  	v49 =	vld [tilespmem:$0x4AF0];
	v46 =	vsub.f32 v26, v30;
	v45 =	vmul.f32 $1.442695020e+00, v43;
	(erf) = vpow2.f32 v42  }
0xde: {  	v47 =	vadd.f32 v40, v44  }
0xdf: {  	v48 =	vld [tilespmem:$0x4AE0];
	v22 =	vsub.f32 v22, v30;
	v50 =	vmul.f32 $1.442695020e+00, v46;
	(erf) = vpow2.f32 v45  }
0xe0: {  	v51 =	vld [tilespmem:$0x4800];
	v32 =	vmul.f32 v47, v8;
	v26 =	vmul.f32 v47, v9  }
0xe1: {  	v56 =	vld [tilespmem:$0x4B00];
	v53 =	vmul.f32 $1.442695020e+00, v22;
	(erf) = vpow2.f32 v50  }
0xe2: {  	v52 =	vmul.f32 v21, v8;
	v60 =	vld [tilespmem:$0x4B20];
	v29 =	vmul.f32 v49, v12;
	v26 =	vadd.f32 v26, v24  }
0xe3: {  	v32 =	vadd.f32 v32, v38;
	v55 =	vld [tilespmem:$0x4DF0];
	v22 =	vpop (erf);
	(erf) = vpow2.f32 v53  }
0xe4: {  	v54 =	vld [tilespmem:$0x4DE0];
	v30 =	vadd.f32 v52, v19;
	v28 =	vmul.f32 v48, v12;
	v26 =	vadd.f32 v29, v26;
	v23 =	vpop (erf)  }
0xe5: {  	v59 =	vld [tilespmem:$0x4B10];
	v57 =	vadd.f32 v23, v22  }
0xe6: {  	v30 =	vadd.f32 v51, v30;
	v28 =	vadd.f32 v28, v32;
	v25 =	vpop (erf)  }
0xe7: {  	v36 =	vadd.f32 v57, v25  }
0xe8: {  	v35 =	vmul.f32 v56, v8;
	v58 =	vmul.f32 v30, v5;
	v34 =	vadd.f32 v26, v55;
	v26 =	vpop (erf)  }
0xe9: {  	v47 =	vmul.f32 v60, v8;
	v46 =	vld [tilespmem:$0x4B30];
	v33 =	vadd.f32 v28, v54;
	v36 =	vadd.f32 v36, v26  }
0xea: {  	v44 =	vmul.f32 v30, v12;
	v32 =	vmul.f32 v59, v8;
	v29 =	vadd.f32 v58, v17;
	v28 =	vpop (erf)  }
0xeb: {  	v51 =	vmul.f32 v30, v6;
	v63 =	vmax.f32 v33, v34;
	v62 =	vadd.f32 v36, v28  }
0xec: {  	v49 =	vld [tilespmem:$0x4E10];
	v45 =	vmul.f32 v30, v4;
	v29 =	vadd.f32 v35, v29;
	v33 =	vsub.f32 v33, v63;
	v12 =	vpop (erf)  }
0xed: {  	v61 =	vld [tilespmem:$0x4E00];
	v30 =	vmul.f32 v30, v2;
	v34 =	vsub.f32 v34, v63;
	v35 =	vadd.f32 v62, v12  }
0xee: {  	v48 =	vld [tilespmem:$0x4B40];
	v27 =	vadd.f32 v44, v27;
	v54 =	vmul.f32 v46, v8;
	v33 =	vmul.f32 $1.442695020e+00, v33  }
0xef: {  	v50 =	vld [tilespmem:$0x4E20];
	v34 =	vmul.f32 $1.442695020e+00, v34;
	(erf) = vrcp.f32 v35  }
0xf0: {  	v52 =	vld [tilespmem:$0x4E30];
	v27 =	vadd.f32 v32, v27;
	v31 =	vadd.f32 v45, v31;
	(erf) = vpow2.f32 v33  }
0xf1: {  	v30 =	vadd.f32 v30, v20;
	v53 =	vadd.f32 v51, v18;
	(erf) = vpow2.f32 v34  }
0xf2: {  	v55 =	vld [tilespmem:$0x4E40];
	v38 =	vadd.f32 v29, v61;
	v31 =	vadd.f32 v47, v31  }
0xf3: {  	v8 =	vmul.f32 v48, v8;
	v56 =	vadd.f32 v27, v49;
	v57 =	vadd.f32 v54, v53  }
0xf4: {  	v31 =	vadd.f32 v31, v50  }
0xf5: {  	v8 =	vadd.f32 v8, v30;
	v59 =	vmax.f32 v38, v56;
	v58 =	vadd.f32 v57, v52  }
0xf6: {  	v61 =	vmax.f32 v59, v31  }
0xf7: {  	v60 =	vadd.f32 v8, v55;
	v8 =	vmax.f32 v61, v58  }
0xf8: {  	v29 =	vpop (erf)  }
0xf9: {  	v62 =	vmax.f32 v8, v60;
	v27 =	vpop (erf)  }
0xfa: {  	v63 =	vsub.f32 v38, v62;
	v8 =	vpop (erf)  }
0xfb: {  	v41 =	vld [tilespmem:$0x4850];
	v36 =	vsub.f32 v56, v62;
	v40 =	vadd.f32 v8, v27  }
0xfc: {  	v43 =	vmul.f32 v21, v7;
	v34 =	vmul.f32 $1.442695020e+00, v63  }
0xfd: {  	v31 =	vsub.f32 v31, v62;
	v42 =	vmul.f32 $1.442695020e+00, v36;
	(erf) = vrcp.f32 v40  }
0xfe: {  	v44 =	vadd.f32 v43, v19;
	(erf) = vpow2.f32 v34  }
0xff: {  	v30 =	vsub.f32 v58, v62;
	v31 =	vmul.f32 $1.442695020e+00, v31;
	(erf) = vpow2.f32 v42  }
0x100: {  	v48 =	vld [tilespmem:$0x4B60];
	v47 =	vadd.f32 v41, v44  }
0x101: {  	v45 =	vld [tilespmem:$0x4B50];
	v46 =	vsub.f32 v60, v62;
	v30 =	vmul.f32 $1.442695020e+00, v30;
	(erf) = vpow2.f32 v31  }
0x102: {  	v32 =	vmul.f32 v47, v9  }
0x103: {  	v49 =	vmul.f32 $1.442695020e+00, v46;
	(erf) = vpow2.f32 v30  }
0x104: {  	v50 =	vmul.f32 v47, v5  }
0x105: {  	v24 =	vadd.f32 v32, v24;
	v52 =	vld [tilespmem:$0x4E60];
	(erf) = vpow2.f32 v49  }
0x106: {  	v51 =	vld [tilespmem:$0x4E50];
	v53 =	vmul.f32 v48, v7;
	v35 =	vmul.f32 v45, v7;
	v31 =	vadd.f32 v50, v17;
	v9 =	vpop (erf)  }
0x107: {  	v30 =	vpop (erf)  }
0x108: {  	v32 =	vadd.f32 v53, v24;
	v31 =	vadd.f32 v35, v31;
	v7 =	vpop (erf)  }
0x109: {  	v54 =	vld [tilespmem:$0x4870];
	v55 =	vadd.f32 v7, v30  }
0x10a: {  	v56 =	vmul.f32 v21, v10;
	v62 =	vld [tilespmem:$0x4B80];
	v36 =	vadd.f32 v32, v52;
	v24 =	vpop (erf)  }
0x10b: {  	v34 =	vadd.f32 v31, v51;
	v57 =	vadd.f32 v55, v24  }
0x10c: {  	v58 =	vadd.f32 v56, v19;
	v31 =	vpop (erf)  }
0x10d: {  	v60 =	vmax.f32 v34, v36;
	v59 =	vadd.f32 v57, v31  }
0x10e: {  	v33 =	vadd.f32 v54, v58;
	v34 =	vsub.f32 v34, v60;
	v32 =	vpop (erf)  }
0x10f: {  	v61 =	vld [tilespmem:$0x4B70];
	v39 =	vmul.f32 v62, v10;
	v36 =	vsub.f32 v36, v60;
	v37 =	vadd.f32 v59, v32  }
0x110: {  	v44 =	vld [tilespmem:$0x4B90];
	v63 =	vmul.f32 v33, v5;
	v34 =	vmul.f32 $1.442695020e+00, v34  }
0x111: {  	v36 =	vmul.f32 $1.442695020e+00, v36;
	(erf) = vrcp.f32 v37  }
0x112: {  	v48 =	vld [tilespmem:$0x4E80];
	v46 =	vmul.f32 v33, v11;
	(erf) = vpow2.f32 v34  }
0x113: {  	v45 =	vld [tilespmem:$0x4E70];
	v33 =	vmul.f32 v33, v2;
	(erf) = vpow2.f32 v36  }
0x114: {  	v47 =	vadd.f32 v63, v17;
	v50 =	vld [tilespmem:$0x4E90];
	v35 =	vmul.f32 v61, v10;
	v49 =	vadd.f32 v46, v15  }
0x115: {  	v20 =	vadd.f32 v33, v20;
	v51 =	vmul.f32 v44, v10  }
0x116: {  	v52 =	vadd.f32 v39, v49;
	v34 =	vadd.f32 v35, v47  }
0x117: {  	v20 =	vadd.f32 v51, v20  }
0x118: {  	v35 =	vadd.f32 v52, v48;
	v53 =	vadd.f32 v34, v45  }
0x119: {  	v54 =	vadd.f32 v20, v50  }
0x11a: {  	v55 =	vmax.f32 v53, v35;
	v34 =	vpop (erf)  }
0x11b: {  	v56 =	vld [tilespmem:$0x48A0];
	v57 =	vmax.f32 v55, v54;
	v20 =	vpop (erf)  }
0x11c: {  	v58 =	vmul.f32 v21, v4;
	v36 =	vsub.f32 v53, v57;
	v33 =	vpop (erf)  }
0x11d: {  	v35 =	vsub.f32 v35, v57;
	v59 =	vadd.f32 v33, v20  }
0x11e: {  	v40 =	vadd.f32 v58, v19;
	v36 =	vmul.f32 $1.442695020e+00, v36  }
0x11f: {  	v61 =	vld [tilespmem:$0x4BB0];
	v37 =	vsub.f32 v54, v57;
	v35 =	vmul.f32 $1.442695020e+00, v35;
	(erf) = vrcp.f32 v59  }
0x120: {  	v38 =	vadd.f32 v56, v40;
	v60 =	vld [tilespmem:$0x4BA0];
	(erf) = vpow2.f32 v36  }
0x121: {  	v62 =	vmul.f32 $1.442695020e+00, v37;
	(erf) = vpow2.f32 v35  }
0x122: {  	v5 =	vmul.f32 v38, v5  }
0x123: {  	v63 =	vld [tilespmem:$0x4EA0];
	v6 =	vmul.f32 v38, v6;
	(erf) = vpow2.f32 v62  }
0x124: {  	v40 =	vld [tilespmem:$0x4EB0];
	v5 =	vadd.f32 v5, v17  }
0x125: {  	v6 =	vadd.f32 v6, v18;
	v41 =	vmul.f32 v60, v4;
	v4 =	vmul.f32 v61, v4  }
0x126: {  	v43 =	vmul.f32 v21, v2;
	v42 =	vld [tilespmem:$0x48C0]  }
0x127: {  	v5 =	vadd.f32 v41, v5;
	v4 =	vadd.f32 v4, v6  }
0x128: {  	v6 =	vadd.f32 v43, v19;
	v21 =	vpop (erf)  }
0x129: {  	v5 =	vadd.f32 v5, v63;
	v4 =	vadd.f32 v4, v40;
	v17 =	vpop (erf)  }
0x12a: {  	v19 =	vpop (erf)  }
0x12b: {  	v6 =	vadd.f32 v42, v6;
	v36 =	vmax.f32 v5, v4;
	v44 =	vadd.f32 v19, v17  }
0x12c: {  	v46 =	vld [tilespmem:$0x4BD0];
	v5 =	vsub.f32 v5, v36;
	v37 =	vpop (erf)  }
0x12d: {  	v10 =	vmul.f32 v6, v10;
	v45 =	vld [tilespmem:$0x4BC0];
	v4 =	vsub.f32 v4, v36;
	v35 =	vadd.f32 v44, v37  }
0x12e: {  	v47 =	vld [tilespmem:$0x4BE0];
	v3 =	vmul.f32 v6, v3;
	v5 =	vmul.f32 $1.442695020e+00, v5  }
0x12f: {  	v4 =	vmul.f32 $1.442695020e+00, v4;
	(erf) = vrcp.f32 v35  }
0x130: {  	v50 =	vld [tilespmem:$0x4ED0];
	v6 =	vmul.f32 v6, v11;
	(erf) = vpow2.f32 v5  }
0x131: {  	v48 =	vld [tilespmem:$0x4EC0];
	v52 =	vmul.f32 v46, v2;
	(erf) = vpow2.f32 v4  }
0x132: {  	v49 =	vadd.f32 v10, v14;
	v3 =	vadd.f32 v3, v16;
	v53 =	vld [tilespmem:$0x4EE0];
	v51 =	vmul.f32 v45, v2  }
0x133: {  	v6 =	vadd.f32 v6, v15;
	v2 =	vmul.f32 v47, v2  }
0x134: {  	v3 =	vadd.f32 v52, v3;
	v4 =	vadd.f32 v51, v49  }
0x135: {  	v2 =	vadd.f32 v2, v6  }
0x136: {  	v3 =	vadd.f32 v3, v50;
	v4 =	vadd.f32 v4, v48  }
0x137: {  	v2 =	vadd.f32 v2, v53  }
0x138: {  	v54 =	vmax.f32 v4, v3;
	v5 =	vpop (erf)  }
0x139: {  	v6 =	vmax.f32 v54, v2;
	v10 =	vpop (erf)  }
0x13a: {  	v4 =	vsub.f32 v4, v6;
	v11 =	vpop (erf)  }
0x13b: {  	v3 =	vsub.f32 v3, v6;
	v55 =	vadd.f32 v11, v10  }
0x13c: {  	v4 =	vmul.f32 $1.442695020e+00, v4  }
0x13d: {  	v2 =	vsub.f32 v2, v6;
	v3 =	vmul.f32 $1.442695020e+00, v3;
	(erf) = vrcp.f32 v55  }
0x13e: {  	(erf) = vpow2.f32 v4  }
0x13f: {  	v2 =	vmul.f32 $1.442695020e+00, v2;
	(erf) = vpow2.f32 v3  }
0x140: {  	v3 =	vadd.s32 $0x18, v13  }
0x141: {  	v56 =	vadd.s32 $0x19, v13;
	(erf) = vpow2.f32 v2  }
0x142: {  	v2 =	vadd.s32 $0x1A, v13  }
0x143: {  	v58 =	vadd.s32 $0x1B, v13;
	v57 =	vmul.f32 v29, v22  }
0x144: {  	v60 =	vadd.s32 $0x1C, v13;
	v59 =	vmul.f32 v29, v23  }
0x145: {  	v61 =	vmul.f32 v29, v25;
	[tilespmem:v3+s11+$0x0] =	vst.idx.msk $0xffff, v57;
	v3 =	vadd.s32 $0x1D, v13  }
0x146: {  	v25 =	vadd.s32 $0x1E, v13;
	v63 =	vmul.f32 v29, v26;
	[tilespmem:v56+s11+$0x0] =	vst.idx.msk $0xffff, v59;
	v62 =	vpop (erf)  }
0x147: {  	v35 =	vmul.f32 v29, v28;
	[tilespmem:v2+s11+$0x0] =	vst.idx.msk $0xffff, v61;
	v2 =	vadd.s32 $0x1F, v13;
	v26 =	vpop (erf)  }
0x148: {  	v12 =	vmul.f32 v29, v12;
	v38 =	vadd.s32 $0x20, v13;
	[tilespmem:v58+s11+$0x0] =	vst.idx.msk $0xffff, v63;
	v36 =	vpop (erf)  }
0x149: {  	v39 =	vmul.f32 v9, v27;
	v40 =	vadd.s32 $0x21, v13;
	[tilespmem:v60+s11+$0x0] =	vst.idx.msk $0xffff, v35;
	v41 =	vadd.f32 v36, v26  }
0x14a: {  	v42 =	vadd.s32 $0x22, v13;
	[tilespmem:v3+s11+$0x0] =	vst.idx.msk $0xffff, v12;
	v3 =	vmul.f32 v9, v8;
	v43 =	vpop (erf)  }
0x14b: {  	v45 =	vadd.s32 $0x23, v13;
	v44 =	vmul.f32 v34, v30;
	[tilespmem:v25+s11+$0x0] =	vst.idx.msk $0xffff, v39;
	v46 =	vadd.f32 v41, v43  }
0x14c: {  	[tilespmem:v2+s11+$0x0] =	vst.idx.msk $0xffff, v3;
	v2 =	vmul.f32 v34, v7;
	v3 =	vadd.s32 $0x24, v13  }
0x14d: {  	v47 =	vmul.f32 v34, v24;
	v48 =	vadd.s32 $0x25, v13;
	[tilespmem:v38+s11+$0x0] =	vst.idx.msk $0xffff, v44;
	(erf) = vrcp.f32 v46  }
0x14e: {  	v49 =	vmul.f32 v34, v31;
	[tilespmem:v40+s11+$0x0] =	vst.idx.msk $0xffff, v2;
	v2 =	vadd.s32 $0x26, v13  }
0x14f: {  	v50 =	vmul.f32 v34, v32;
	v51 =	vadd.s32 $0x27, v13;
	[tilespmem:v42+s11+$0x0] =	vst.idx.msk $0xffff, v47  }
0x150: {  	v53 =	vadd.s32 $0x28, v13;
	v52 =	vmul.f32 v21, v20;
	[tilespmem:v45+s11+$0x0] =	vst.idx.msk $0xffff, v49  }
0x151: {  	v54 =	vadd.s32 $0x29, v13;
	[tilespmem:v3+s11+$0x0] =	vst.idx.msk $0xffff, v50;
	v3 =	vmul.f32 v21, v33  }
0x152: {  	v55 =	vmul.f32 v5, v17;
	v56 =	vadd.s32 $0x2A, v13;
	[tilespmem:v48+s11+$0x0] =	vst.idx.msk $0xffff, v52  }
0x153: {  	[tilespmem:v2+s11+$0x0] =	vst.idx.msk $0xffff, v3;
	v2 =	vmul.f32 v5, v19;
	v3 =	vadd.s32 $0x2B, v13  }
0x154: {  	v57 =	vadd.s32 $0x2C, v13;
	v5 =	vmul.f32 v5, v37;
	[tilespmem:v51+s11+$0x0] =	vst.idx.msk $0xffff, v55  }
0x155: {  	v58 =	vadd.s32 $0x2D, v13;
	[tilespmem:v53+s11+$0x0] =	vst.idx.msk $0xffff, v2;
	v2 =	vmul.f32 v62, v10  }
0x156: {  	v61 =	vadd.s32 $0x2E, v13;
	v59 =	vmul.f32 v62, v11;
	[tilespmem:v54+s11+$0x0] =	vst.idx.msk $0xffff, v5;
	v60 =	vpop (erf)  }
0x157: {  	p0 =	sne.s32 s13, $0x1F0;
	v62 =	vadd.s32 $0x2F, v13;
	[tilespmem:v56+s11+$0x0] =	vst.idx.msk $0xffff, v2;
	v2 =	vmul.f32 v60, v26  }
.Ltmp0:
0x158: {  	[tilespmem:v3+s11+$0x0] =	vst.idx.msk $0xffff, v59;
	v3 =	vmul.f32 v60, v36;
	(pc) =	sbr.rel @p0 .LBB2_2-.Ltmp0, $4  }
0x159: {  	v63 =	vmul.f32 v60, v43;
	[tilespmem:v57+s11+$0x0] =	vst.idx.msk $0xffff, v2  }
0x15a: {  	[tilespmem:v58+s11+$0x0] =	vst.idx.msk $0xffff, v3  }
0x15b: {  	[tilespmem:v61+s11+$0x0] =	vst.idx.msk $0xffff, v63  }
0x15c: {  	s13 =	sadd.s32 $0x10, s13;
	[tilespmem:v62+s11+$0x0] =	vst.idx.msk $0xffff, v1  }
0x15d: {  	s12 =	sadd.s32 $0x1, s12  }
0x15e: {  	p0 =	sne.s32 s12, s7  }
.Ltmp1:
0x15f: {  	_ = 	snop;
	(pc) =	sbr.rel @p0 .LBB2_1-.Ltmp1, $4  }
0x160: {  	[hbm4b:s6+s2] =	stream.linear.scatter [tilespmem:s11], [sflag:$0x1], $0x6000, $0x38;
	[tilespmem:$0xAF80] =	vst v63  }
0x161: {  	_ =	swait.ge [sflag:s8], $0x6000  }
0x162: {  	[sflag:s8] =	ssyncset.done $0x0  }
0x163: {  	[sflag:s8] =	ssyncadd.s32 $0xFFFFA000  }
0x164: {  	_ =	sfence.sel $0x180000  }
0x165: {  	[bflag:$0x0] =	sbarrier.arrive $0xFFFF  }
0x166: {  	p0 =	sne.s32 s0, $0x0;
	_ =	strace $0x90000047  }
0x167: {  	s0 =	sadd.s32 @!p0 $0x100000, s1;
	[bflag:$0x2] =	sbarrier.arrive $0xFFFF  }
0x168: {  	[sflag:s0] =	ssyncadd.tile.s32 @!p0 $0x1;
	_ =	shalt  }
.Lfunc_end2:
_tile_overlayer_lowered:
.L_overlay_start_2:
0x169: {  	(tag) =	ssettag $0x2  }
0x16a: {  	s0 =	rddreg [dreg:$0x0];
	s2 =	stileid.u32  }
0x16b: {  	s1 =	rddreg [dreg:$0x1];
	p0 =	sne.s32 s2, $0x0  }
0x16c: {  	s3 =	rddreg [dreg:$0x2];
	[bflag:$0x3] =	sbarrier.arrive $0xFFFF;
	s2 =	simm.s32 @!p0 $0x1C01  }
0x16d: {  	[timem:s3], [sflag:s2] =	dma.local @!p0 [hbm:s0], s1  }
0x16e: {  	s0 =	simm.s32 @!p0 $0x1  }
0x16f: {  	_ =	swait.ge @!p0 [sflag:s0], s1  }
0x170: {  	s1 =	ssub.s32 @!p0 $0x0, s1;
	[sflag:s0] =	ssyncset.done @!p0 $0x0  }
0x171: {  	[sflag:s0] =	ssyncadd.s32 @!p0 s1  }
0x172: {  	[bflag:$0x3] =	sbarrier.arrive $0xFFFF  }
0x173: {  	_ =	shalt  }

</sc_bundles>
